<compile_context>
chip_gen: v7x
topology: tpu7x:2x2x1
jax: 0.10.2.dev20260603
libtpu: 0.0.44.dev20260713+nightly
codegen_flags: <defaults>
</compile_context>

<pallas_src>
import functools
import numpy as np
import jax
import jax.numpy as jnp
from jax import lax
from jax.experimental import pallas as pl
from jax.experimental.pallas import tpu as pltpu
from jax.experimental.pallas import tpu_sc as plsc

_SEQ = 200
_DIM = 64
_NBASE = 10000
_BATCH = 1024
_VOC = 1000000

_ROWS = _BATCH * _SEQ
_NW = 32
_PER_W = _ROWS // _NW
_CHUNK = 128
_CPW = _PER_W // _CHUNK
_NBUF = 5
_LANES = 16
_VPR = _DIM // _LANES

_TBLK = 128
_NFULL = _VOC // _TBLK
_TAIL0 = _NFULL * _TBLK
_TPW = (_NFULL + _NW - 1) // _NW
_PITCH = 65


def _pos_encoding():
    pos = np.arange(_SEQ)[:, None].astype(np.float64)
    i = np.arange(_DIM // 2)[None, :].astype(np.float64)
    angle = pos / (_NBASE ** (2.0 * i / _DIM))
    enc = np.zeros((_SEQ, _DIM), dtype=np.float64)
    enc[:, 0::2] = np.sin(angle)
    enc[:, 1::2] = np.cos(angle)
    return enc.astype(np.float32)


_POS2 = np.concatenate([_pos_encoding(), _pos_encoding()], axis=0)


def _gbody(idx_hbm, table_hbm, pos_hbm, out_hbm,
           idx_all, inb0, inb1, inb2, inb3, inb4,
           outb0, outb1, outb2, outb3, outb4, pos_v,
           gsem0, gsem1, gsem2, gsem3, gsem4,
           osem0, osem1, osem2, osem3, osem4):
    cid = lax.axis_index("c")
    sid = lax.axis_index("s")
    wid = sid * 2 + cid
    base_chunk = wid * _CPW

    inb = (inb0, inb1, inb2, inb3, inb4)
    outb = (outb0, outb1, outb2, outb3, outb4)
    gsem = (gsem0, gsem1, gsem2, gsem3, gsem4)
    osem = (osem0, osem1, osem2, osem3, osem4)

    pltpu.sync_copy(pos_hbm, pos_v)
    pltpu.sync_copy(idx_hbm.at[pl.ds(base_chunk, _CPW)], idx_all)

    for b in range(_NBUF):
        pltpu.async_copy(table_hbm.at[idx_all.at[b]], inb[b], gsem[b])

    def tri_body(g, carry):
        for b in range(_NBUF):
            c = _NBUF * g + b
            gl = base_chunk + c
            row0 = gl * _CHUNK
            pltpu.make_async_copy(table_hbm.at[idx_all.at[b]], inb[b],
                                  gsem[b]).wait()

            @pl.when(g > 0)
            def _():
                pltpu.make_async_copy(
                    outb[b], out_hbm.at[pl.ds((gl - _NBUF) * _CHUNK, _CHUNK)],
                    osem[b]).wait()

            s0 = lax.rem(row0, _SEQ)

            def row_body(r, cr):
                pr = s0 + r
                for c4 in range(_VPR):
                    sl = pl.ds(c4 * _LANES, _LANES)
                    outb[b][r, sl] = inb[b][r, sl] + pos_v[pr, sl]
                return cr

            lax.fori_loop(0, _CHUNK, row_body, 0, unroll=4)


            @pl.when(c + _NBUF < _CPW)
            def _():
                pltpu.async_copy(table_hbm.at[idx_all.at[c + _NBUF]],
                                 inb[b], gsem[b])
            pltpu.async_copy(outb[b], out_hbm.at[pl.ds(row0, _CHUNK)], osem[b])
        return carry

    lax.fori_loop(0, _CPW // _NBUF, tri_body, 0)

    for b in range(_NBUF):
        gl = base_chunk + _CPW - _NBUF + b
        pltpu.make_async_copy(outb[b], out_hbm.at[pl.ds(gl * _CHUNK, _CHUNK)],
                              osem[b]).wait()


@jax.jit
def kernel(input, word_embedding_weight):
    idx = input.reshape(_ROWS // _CHUNK, _CHUNK).astype(jnp.int32)
    pos2 = jnp.asarray(_POS2)
    mesh = plsc.VectorSubcoreMesh(core_axis_name="c", subcore_axis_name="s")

    run = pl.kernel(
        _gbody,
        out_type=jax.ShapeDtypeStruct((_ROWS, _DIM), jnp.float32),
        mesh=mesh,
        scratch_types=[
            pltpu.VMEM((_CPW, _CHUNK), jnp.int32),
        ] + [pltpu.VMEM((_CHUNK, _DIM), jnp.float32)] * (2 * _NBUF) + [
            pltpu.VMEM((2 * _SEQ, _DIM), jnp.float32),
        ] + [pltpu.SemaphoreType.DMA] * (2 * _NBUF),
        compiler_params=pltpu.CompilerParams(use_tc_tiling_on_sc=False,
                                             skip_device_barrier=True),
    )
    out = run(idx, word_embedding_weight, pos2)
    return out.reshape(_BATCH, _SEQ, _DIM)

# --- scband reference (transcript-rebuilt; emitter-appended) ---
"""Pipeline reference for scband-position-embedding-65352222376588 (READ-ONLY COPY).

The authoritative reference and input builder live on the scoring server;
editing this copy changes nothing except your own understanding.
"""

import jax, jax.numpy as jnp
import numpy as np

SEQ_LENGTH = 200
N_BASE = 10000
VOC_NUMS = 1000000
DIM = 64
BATCH = 1024


def get_position_encoding(seq_length, dim, n=10000):
    pos = np.arange(seq_length)[:, None].astype(np.float64)
    i = np.arange(dim // 2)[None, :].astype(np.float64)
    angle = pos / (n ** (2.0 * i / dim))
    encoding = np.zeros((seq_length, dim), dtype=np.float64)
    encoding[:, 0::2] = np.sin(angle)
    encoding[:, 1::2] = np.cos(angle)
    return encoding


POS_ENCODING = jnp.asarray(get_position_encoding(SEQ_LENGTH, DIM, N_BASE), dtype=jnp.float32)


def setup_inputs(seed: int = 0) -> dict:
    key = jax.random.key(seed)
    k1, k2 = jax.random.split(key)
    inp = jax.random.randint(k1, (BATCH, SEQ_LENGTH), 0, VOC_NUMS, dtype=jnp.int64 if jax.config.jax_enable_x64 else jnp.int32)
    table = jax.random.normal(k2, (VOC_NUMS, DIM), dtype=jnp.float32)
    return {"input": inp, "word_embedding_weight": table}


def reference(input, word_embedding_weight):
    # word embedding lookup (gather)
    embedding = jnp.take(word_embedding_weight, input, axis=0)
    size = input.shape[1]
    encoding = POS_ENCODING[:size, :][None, :, :]
    encoding = jnp.broadcast_to(encoding, (input.shape[0], size, DIM))
    return embedding + encoding

if __name__ == "__main__":
    import jax
    _d = setup_inputs()
    print(jax.jit(kernel)(*tuple(_d.values())))

</pallas_src>

<mosaic_0001>
#map = affine_map<(d0, d1) -> (0, 0)>
module attributes {stable_mosaic.version = 14 : i64} {
  func.func @_gbody(%arg0: i32, %arg1: i32, %arg2: memref<1600x128xi32, #tpu.memory_space<hbm>>, %arg3: memref<1000000x64xf32, #tpu.memory_space<hbm>>, %arg4: memref<400x64xf32, #tpu.memory_space<hbm>>, %arg5: memref<204800x64xf32, #tpu.memory_space<hbm>>, %arg6: memref<50x128xi32, #tpu.memory_space<vmem>>, %arg7: memref<128x64xf32, #tpu.memory_space<vmem>>, %arg8: memref<128x64xf32, #tpu.memory_space<vmem>>, %arg9: memref<128x64xf32, #tpu.memory_space<vmem>>, %arg10: memref<128x64xf32, #tpu.memory_space<vmem>>, %arg11: memref<128x64xf32, #tpu.memory_space<vmem>>, %arg12: memref<128x64xf32, #tpu.memory_space<vmem>>, %arg13: memref<128x64xf32, #tpu.memory_space<vmem>>, %arg14: memref<128x64xf32, #tpu.memory_space<vmem>>, %arg15: memref<128x64xf32, #tpu.memory_space<vmem>>, %arg16: memref<128x64xf32, #tpu.memory_space<vmem>>, %arg17: memref<400x64xf32, #tpu.memory_space<vmem>>, %arg18: memref<!tpu.dma_semaphore, #tpu.memory_space<semaphore_mem>>, %arg19: memref<!tpu.dma_semaphore, #tpu.memory_space<semaphore_mem>>, %arg20: memref<!tpu.dma_semaphore, #tpu.memory_space<semaphore_mem>>, %arg21: memref<!tpu.dma_semaphore, #tpu.memory_space<semaphore_mem>>, %arg22: memref<!tpu.dma_semaphore, #tpu.memory_space<semaphore_mem>>, %arg23: memref<!tpu.dma_semaphore, #tpu.memory_space<semaphore_mem>>, %arg24: memref<!tpu.dma_semaphore, #tpu.memory_space<semaphore_mem>>, %arg25: memref<!tpu.dma_semaphore, #tpu.memory_space<semaphore_mem>>, %arg26: memref<!tpu.dma_semaphore, #tpu.memory_space<semaphore_mem>>, %arg27: memref<!tpu.dma_semaphore, #tpu.memory_space<semaphore_mem>>) attributes {dimension_semantics = [#tpu.dimension_semantics<core_parallel>, #tpu.dimension_semantics<subcore_parallel>], iteration_bounds = array<i64: 2, 16>, scalar_prefetch = 0 : i64, scratch_operands = 22 : i64, tpu.core_type = #tpu.core_type<sc_vector_subcore>, window_params = [{transform_indices = #map}, {transform_indices = #map}, {transform_indices = #map}, {transform_indices = #map}]} {
    %mul3A = arith.constant 2 : i32
    %mul3A_0 = arith.muli %arg1, %mul3A : i32
    %add3A = arith.addi %mul3A_0, %arg0 : i32
    %mul3A_1 = arith.constant 50 : i32
    %mul3A_2 = arith.muli %add3A, %mul3A_1 : i32
    "tpu.region"() ({
      %run_scoped3A = tpu.sem_alloc : memref<!tpu.dma_semaphore, #tpu.memory_space<semaphore_mem>>
      tpu.enqueue_dma source(%arg4 : memref<400x64xf32, #tpu.memory_space<hbm>>) target(%arg17 : memref<400x64xf32, #tpu.memory_space<vmem>>) target_semaphore(%run_scoped3A : memref<!tpu.dma_semaphore, #tpu.memory_space<semaphore_mem>>)
      tpu.wait_dma2 semaphore(%run_scoped3A : memref<!tpu.dma_semaphore, #tpu.memory_space<semaphore_mem>>) src(%arg4 : memref<400x64xf32, #tpu.memory_space<hbm>>) dst(%arg17 : memref<400x64xf32, #tpu.memory_space<vmem>>)
      tpu.yield
    }) : () -> ()
    "tpu.region"() ({
      %run_scoped3A = tpu.sem_alloc : memref<!tpu.dma_semaphore, #tpu.memory_space<semaphore_mem>>
      %dma_start3A_100 = arith.constant 0 : i32
      %dma_start3A_101 = tpu.memref_slice %arg2[%mul3A_2, %dma_start3A_100] : memref<1600x128xi32, #tpu.memory_space<hbm>> -> memref<50x128xi32, #tpu.memory_space<hbm>>
      %dma_start3A_102 = arith.constant 0 : i32
      %dma_start3A_103 = tpu.memref_slice %arg2[%mul3A_2, %dma_start3A_102] : memref<1600x128xi32, #tpu.memory_space<hbm>> -> memref<50x128xi32, #tpu.memory_space<hbm>>
      tpu.enqueue_dma source(%dma_start3A_103 : memref<50x128xi32, #tpu.memory_space<hbm>>) target(%arg6 : memref<50x128xi32, #tpu.memory_space<vmem>>) target_semaphore(%run_scoped3A : memref<!tpu.dma_semaphore, #tpu.memory_space<semaphore_mem>>)
      %dma_wait3A_104 = arith.constant 0 : i32
      %dma_wait3A_105 = tpu.memref_slice %arg2[%mul3A_2, %dma_wait3A_104] : memref<1600x128xi32, #tpu.memory_space<hbm>> -> memref<50x128xi32, #tpu.memory_space<hbm>>
      %dma_wait3A_106 = arith.constant 0 : i32
      %dma_wait3A_107 = tpu.memref_slice %arg2[%mul3A_2, %dma_wait3A_106] : memref<1600x128xi32, #tpu.memory_space<hbm>> -> memref<50x128xi32, #tpu.memory_space<hbm>>
      tpu.wait_dma2 semaphore(%run_scoped3A : memref<!tpu.dma_semaphore, #tpu.memory_space<semaphore_mem>>) src(%dma_wait3A_107 : memref<50x128xi32, #tpu.memory_space<hbm>>) dst(%arg6 : memref<50x128xi32, #tpu.memory_space<vmem>>)
      tpu.yield
    }) : () -> ()
    %dma_start3A = arith.constant 0 : i32
    %dma_start3A_3 = arith.constant 0 : i32
    %dma_start3A_4 = tpu.memref_slice %arg6[%dma_start3A, %dma_start3A_3] : memref<50x128xi32, #tpu.memory_space<vmem>> -> memref<1x128xi32, #tpu.memory_space<vmem>>
    %dma_start3A_5 = tpu.memref_squeeze %dma_start3A_4 : memref<1x128xi32, #tpu.memory_space<vmem>> -> memref<128xi32, #tpu.memory_space<vmem>>
    %dma_start3A_6 = arith.constant 0 : i32
    %dma_start3A_7 = arith.constant 0 : i32
    %dma_start3A_8 = tpu.memref_slice %arg3[%dma_start3A_6, %dma_start3A_7] : memref<1000000x64xf32, #tpu.memory_space<hbm>> -> memref<1000000x64xf32, #tpu.memory_space<hbm>>
    tpu.enqueue_indirect_dma source(%dma_start3A_8 : memref<1000000x64xf32, #tpu.memory_space<hbm>>) target(%arg7 : memref<128x64xf32, #tpu.memory_space<vmem>>) offsets(%dma_start3A_5 : memref<128xi32, #tpu.memory_space<vmem>>) semaphore(%arg18 : memref<!tpu.dma_semaphore, #tpu.memory_space<semaphore_mem>>)
    %dma_start3A_9 = arith.constant 1 : i32
    %dma_start3A_10 = arith.constant 0 : i32
    %dma_start3A_11 = tpu.memref_slice %arg6[%dma_start3A_9, %dma_start3A_10] : memref<50x128xi32, #tpu.memory_space<vmem>> -> memref<1x128xi32, #tpu.memory_space<vmem>>
    %dma_start3A_12 = tpu.memref_squeeze %dma_start3A_11 : memref<1x128xi32, #tpu.memory_space<vmem>> -> memref<128xi32, #tpu.memory_space<vmem>>
    %dma_start3A_13 = arith.constant 0 : i32
    %dma_start3A_14 = arith.constant 0 : i32
    %dma_start3A_15 = tpu.memref_slice %arg3[%dma_start3A_13, %dma_start3A_14] : memref<1000000x64xf32, #tpu.memory_space<hbm>> -> memref<1000000x64xf32, #tpu.memory_space<hbm>>
    tpu.enqueue_indirect_dma source(%dma_start3A_15 : memref<1000000x64xf32, #tpu.memory_space<hbm>>) target(%arg8 : memref<128x64xf32, #tpu.memory_space<vmem>>) offsets(%dma_start3A_12 : memref<128xi32, #tpu.memory_space<vmem>>) semaphore(%arg19 : memref<!tpu.dma_semaphore, #tpu.memory_space<semaphore_mem>>)
    %dma_start3A_16 = arith.constant 2 : i32
    %dma_start3A_17 = arith.constant 0 : i32
    %dma_start3A_18 = tpu.memref_slice %arg6[%dma_start3A_16, %dma_start3A_17] : memref<50x128xi32, #tpu.memory_space<vmem>> -> memref<1x128xi32, #tpu.memory_space<vmem>>
    %dma_start3A_19 = tpu.memref_squeeze %dma_start3A_18 : memref<1x128xi32, #tpu.memory_space<vmem>> -> memref<128xi32, #tpu.memory_space<vmem>>
    %dma_start3A_20 = arith.constant 0 : i32
    %dma_start3A_21 = arith.constant 0 : i32
    %dma_start3A_22 = tpu.memref_slice %arg3[%dma_start3A_20, %dma_start3A_21] : memref<1000000x64xf32, #tpu.memory_space<hbm>> -> memref<1000000x64xf32, #tpu.memory_space<hbm>>
    tpu.enqueue_indirect_dma source(%dma_start3A_22 : memref<1000000x64xf32, #tpu.memory_space<hbm>>) target(%arg9 : memref<128x64xf32, #tpu.memory_space<vmem>>) offsets(%dma_start3A_19 : memref<128xi32, #tpu.memory_space<vmem>>) semaphore(%arg20 : memref<!tpu.dma_semaphore, #tpu.memory_space<semaphore_mem>>)
    %dma_start3A_23 = arith.constant 3 : i32
    %dma_start3A_24 = arith.constant 0 : i32
    %dma_start3A_25 = tpu.memref_slice %arg6[%dma_start3A_23, %dma_start3A_24] : memref<50x128xi32, #tpu.memory_space<vmem>> -> memref<1x128xi32, #tpu.memory_space<vmem>>
    %dma_start3A_26 = tpu.memref_squeeze %dma_start3A_25 : memref<1x128xi32, #tpu.memory_space<vmem>> -> memref<128xi32, #tpu.memory_space<vmem>>
    %dma_start3A_27 = arith.constant 0 : i32
    %dma_start3A_28 = arith.constant 0 : i32
    %dma_start3A_29 = tpu.memref_slice %arg3[%dma_start3A_27, %dma_start3A_28] : memref<1000000x64xf32, #tpu.memory_space<hbm>> -> memref<1000000x64xf32, #tpu.memory_space<hbm>>
    tpu.enqueue_indirect_dma source(%dma_start3A_29 : memref<1000000x64xf32, #tpu.memory_space<hbm>>) target(%arg10 : memref<128x64xf32, #tpu.memory_space<vmem>>) offsets(%dma_start3A_26 : memref<128xi32, #tpu.memory_space<vmem>>) semaphore(%arg21 : memref<!tpu.dma_semaphore, #tpu.memory_space<semaphore_mem>>)
    %dma_start3A_30 = arith.constant 4 : i32
    %dma_start3A_31 = arith.constant 0 : i32
    %dma_start3A_32 = tpu.memref_slice %arg6[%dma_start3A_30, %dma_start3A_31] : memref<50x128xi32, #tpu.memory_space<vmem>> -> memref<1x128xi32, #tpu.memory_space<vmem>>
    %dma_start3A_33 = tpu.memref_squeeze %dma_start3A_32 : memref<1x128xi32, #tpu.memory_space<vmem>> -> memref<128xi32, #tpu.memory_space<vmem>>
    %dma_start3A_34 = arith.constant 0 : i32
    %dma_start3A_35 = arith.constant 0 : i32
    %dma_start3A_36 = tpu.memref_slice %arg3[%dma_start3A_34, %dma_start3A_35] : memref<1000000x64xf32, #tpu.memory_space<hbm>> -> memref<1000000x64xf32, #tpu.memory_space<hbm>>
    tpu.enqueue_indirect_dma source(%dma_start3A_36 : memref<1000000x64xf32, #tpu.memory_space<hbm>>) target(%arg11 : memref<128x64xf32, #tpu.memory_space<vmem>>) offsets(%dma_start3A_33 : memref<128xi32, #tpu.memory_space<vmem>>) semaphore(%arg22 : memref<!tpu.dma_semaphore, #tpu.memory_space<semaphore_mem>>)
    %scan3A = arith.constant 0 : i32
    %scan3A_37 = arith.constant 0 : i32
    %scan3A_38 = arith.constant 10 : i32
    %scan3A_39 = arith.addi %scan3A_37, %scan3A_38 : i32
    %scan3A_40 = arith.constant 1 : i32
    scf.for %scan3A_100 = %scan3A_37 to %scan3A_39 step %scan3A_40  : i32 {
      %mul3A_101 = arith.constant 5 : i32
      %mul3A_102 = arith.muli %mul3A_101, %scan3A_100 : i32
      %add3A_103 = arith.constant 0 : i32
      %add3A_104 = arith.addi %mul3A_102, %add3A_103 : i32
      %add3A_105 = arith.addi %mul3A_2, %add3A_104 : i32
      %mul3A_106 = arith.constant 128 : i32
      %mul3A_107 = arith.muli %add3A_105, %mul3A_106 : i32
      %dma_wait3A_108 = arith.constant 0 : i32
      %dma_wait3A_109 = arith.constant 0 : i32
      %dma_wait3A_110 = tpu.memref_slice %arg6[%dma_wait3A_108, %dma_wait3A_109] : memref<50x128xi32, #tpu.memory_space<vmem>> -> memref<1x128xi32, #tpu.memory_space<vmem>>
      %dma_wait3A_111 = tpu.memref_squeeze %dma_wait3A_110 : memref<1x128xi32, #tpu.memory_space<vmem>> -> memref<128xi32, #tpu.memory_space<vmem>>
      %dma_wait3A_112 = arith.constant 0 : i32
      %dma_wait3A_113 = arith.constant 0 : i32
      %dma_wait3A_114 = tpu.memref_slice %arg3[%dma_wait3A_112, %dma_wait3A_113] : memref<1000000x64xf32, #tpu.memory_space<hbm>> -> memref<1000000x64xf32, #tpu.memory_space<hbm>>
      tpu.wait_indirect_dma semaphore(%arg18 : memref<!tpu.dma_semaphore, #tpu.memory_space<semaphore_mem>>) src(%dma_wait3A_114 : memref<1000000x64xf32, #tpu.memory_space<hbm>>) dst(%arg7 : memref<128x64xf32, #tpu.memory_space<vmem>>)
      %gt3A = arith.constant 0 : i32
      %gt3A_115 = arith.cmpi sgt, %scan3A_100, %gt3A : i32
      %convert_element_type3A = arith.extui %gt3A_115 : i1 to i32
      %cond3A = arith.constant 0 : i32
      %cond3A_116 = arith.cmpi ne, %convert_element_type3A, %cond3A : i32
      scf.if %cond3A_116 {
        %sub3A_286 = arith.constant 5 : i32
        %sub3A_287 = arith.subi %add3A_105, %sub3A_286 : i32
        %mul3A_288 = arith.constant 128 : i32
        %mul3A_289 = arith.muli %sub3A_287, %mul3A_288 : i32
        %dma_wait3A_290 = arith.constant 0 : i32
        %dma_wait3A_291 = tpu.memref_slice %arg5[%mul3A_289, %dma_wait3A_290] : memref<204800x64xf32, #tpu.memory_space<hbm>> -> memref<128x64xf32, #tpu.memory_space<hbm>>
        %dma_wait3A_292 = arith.constant 0 : i32
        %dma_wait3A_293 = tpu.memref_slice %arg5[%mul3A_289, %dma_wait3A_292] : memref<204800x64xf32, #tpu.memory_space<hbm>> -> memref<128x64xf32, #tpu.memory_space<hbm>>
        tpu.wait_dma2 semaphore(%arg23 : memref<!tpu.dma_semaphore, #tpu.memory_space<semaphore_mem>>) src(%arg12 : memref<128x64xf32, #tpu.memory_space<vmem>>) dst(%dma_wait3A_293 : memref<128x64xf32, #tpu.memory_space<hbm>>)
      } else {
      }
      %rem3A = arith.constant 200 : i32
      %rem3A_117 = arith.remsi %mul3A_107, %rem3A : i32
      %scan3A_118 = arith.constant 0 : i32
      %scan3A_119 = arith.constant 0 : i32
      %scan3A_120 = arith.constant 128 : i32
      %scan3A_121 = arith.addi %scan3A_119, %scan3A_120 : i32
      %scan3A_122 = arith.constant 4 : i32
      scf.for %scan3A_286 = %scan3A_119 to %scan3A_121 step %scan3A_122  : i32 {
        %add3A_287 = arith.addi %rem3A_117, %scan3A_286 : i32
        %get3A = arith.index_cast %scan3A_286 : i32 to index
        %get3A_288 = arith.constant 0 : index
        %get3A_289 = tpu.vector_load %arg7[%get3A, %get3A_288] {strides = array<i32>} : memref<128x64xf32, #tpu.memory_space<vmem>>, vector<1x16xf32>,
        %get3A_290 = vector.shape_cast %get3A_289 : vector<1x16xf32> to vector<16xf32>
        %get3A_291 = arith.index_cast %add3A_287 : i32 to index
        %get3A_292 = arith.constant 0 : index
        %get3A_293 = tpu.vector_load %arg17[%get3A_291, %get3A_292] {strides = array<i32>} : memref<400x64xf32, #tpu.memory_space<vmem>>, vector<1x16xf32>,
        %get3A_294 = vector.shape_cast %get3A_293 : vector<1x16xf32> to vector<16xf32>
        %add3A_295 = arith.addf %get3A_290, %get3A_294 : vector<16xf32>
        %swap3A = arith.index_cast %scan3A_286 : i32 to index
        %swap3A_296 = arith.constant 0 : index
        %swap3A_297 = tpu.vector_load %arg12[%swap3A, %swap3A_296] {strides = array<i32>} : memref<128x64xf32, #tpu.memory_space<vmem>>, vector<1x16xf32>,
        %swap3A_298 = vector.shape_cast %swap3A_297 : vector<1x16xf32> to vector<16xf32>
        %swap3A_299 = vector.shape_cast %add3A_295 : vector<16xf32> to vector<1x16xf32>
        tpu.vector_store %arg12[%swap3A, %swap3A_296], %swap3A_299 {strides = array<i32>} : memref<128x64xf32, #tpu.memory_space<vmem>>, vector<1x16xf32>,
        %get3A_300 = arith.index_cast %scan3A_286 : i32 to index
        %get3A_301 = arith.constant 16 : index
        %get3A_302 = tpu.vector_load %arg7[%get3A_300, %get3A_301] {strides = array<i32>} : memref<128x64xf32, #tpu.memory_space<vmem>>, vector<1x16xf32>,
        %get3A_303 = vector.shape_cast %get3A_302 : vector<1x16xf32> to vector<16xf32>
        %get3A_304 = arith.index_cast %add3A_287 : i32 to index
        %get3A_305 = arith.constant 16 : index
        %get3A_306 = tpu.vector_load %arg17[%get3A_304, %get3A_305] {strides = array<i32>} : memref<400x64xf32, #tpu.memory_space<vmem>>, vector<1x16xf32>,
        %get3A_307 = vector.shape_cast %get3A_306 : vector<1x16xf32> to vector<16xf32>
        %add3A_308 = arith.addf %get3A_303, %get3A_307 : vector<16xf32>
        %swap3A_309 = arith.index_cast %scan3A_286 : i32 to index
        %swap3A_310 = arith.constant 16 : index
        %swap3A_311 = tpu.vector_load %arg12[%swap3A_309, %swap3A_310] {strides = array<i32>} : memref<128x64xf32, #tpu.memory_space<vmem>>, vector<1x16xf32>,
        %swap3A_312 = vector.shape_cast %swap3A_311 : vector<1x16xf32> to vector<16xf32>
        %swap3A_313 = vector.shape_cast %add3A_308 : vector<16xf32> to vector<1x16xf32>
        tpu.vector_store %arg12[%swap3A_309, %swap3A_310], %swap3A_313 {strides = array<i32>} : memref<128x64xf32, #tpu.memory_space<vmem>>, vector<1x16xf32>,
        %get3A_314 = arith.index_cast %scan3A_286 : i32 to index
        %get3A_315 = arith.constant 32 : index
        %get3A_316 = tpu.vector_load %arg7[%get3A_314, %get3A_315] {strides = array<i32>} : memref<128x64xf32, #tpu.memory_space<vmem>>, vector<1x16xf32>,
        %get3A_317 = vector.shape_cast %get3A_316 : vector<1x16xf32> to vector<16xf32>
        %get3A_318 = arith.index_cast %add3A_287 : i32 to index
        %get3A_319 = arith.constant 32 : index
        %get3A_320 = tpu.vector_load %arg17[%get3A_318, %get3A_319] {strides = array<i32>} : memref<400x64xf32, #tpu.memory_space<vmem>>, vector<1x16xf32>,
        %get3A_321 = vector.shape_cast %get3A_320 : vector<1x16xf32> to vector<16xf32>
        %add3A_322 = arith.addf %get3A_317, %get3A_321 : vector<16xf32>
        %swap3A_323 = arith.index_cast %scan3A_286 : i32 to index
        %swap3A_324 = arith.constant 32 : index
        %swap3A_325 = tpu.vector_load %arg12[%swap3A_323, %swap3A_324] {strides = array<i32>} : memref<128x64xf32, #tpu.memory_space<vmem>>, vector<1x16xf32>,
        %swap3A_326 = vector.shape_cast %swap3A_325 : vector<1x16xf32> to vector<16xf32>
        %swap3A_327 = vector.shape_cast %add3A_322 : vector<16xf32> to vector<1x16xf32>
        tpu.vector_store %arg12[%swap3A_323, %swap3A_324], %swap3A_327 {strides = array<i32>} : memref<128x64xf32, #tpu.memory_space<vmem>>, vector<1x16xf32>,
        %get3A_328 = arith.index_cast %scan3A_286 : i32 to index
        %get3A_329 = arith.constant 48 : index
        %get3A_330 = tpu.vector_load %arg7[%get3A_328, %get3A_329] {strides = array<i32>} : memref<128x64xf32, #tpu.memory_space<vmem>>, vector<1x16xf32>,
        %get3A_331 = vector.shape_cast %get3A_330 : vector<1x16xf32> to vector<16xf32>
        %get3A_332 = arith.index_cast %add3A_287 : i32 to index
        %get3A_333 = arith.constant 48 : index
        %get3A_334 = tpu.vector_load %arg17[%get3A_332, %get3A_333] {strides = array<i32>} : memref<400x64xf32, #tpu.memory_space<vmem>>, vector<1x16xf32>,
        %get3A_335 = vector.shape_cast %get3A_334 : vector<1x16xf32> to vector<16xf32>
        %add3A_336 = arith.addf %get3A_331, %get3A_335 : vector<16xf32>
        %swap3A_337 = arith.index_cast %scan3A_286 : i32 to index
        %swap3A_338 = arith.constant 48 : index
        %swap3A_339 = tpu.vector_load %arg12[%swap3A_337, %swap3A_338] {strides = array<i32>} : memref<128x64xf32, #tpu.memory_space<vmem>>, vector<1x16xf32>,
        %swap3A_340 = vector.shape_cast %swap3A_339 : vector<1x16xf32> to vector<16xf32>
        %swap3A_341 = vector.shape_cast %add3A_336 : vector<16xf32> to vector<1x16xf32>
        tpu.vector_store %arg12[%swap3A_337, %swap3A_338], %swap3A_341 {strides = array<i32>} : memref<128x64xf32, #tpu.memory_space<vmem>>, vector<1x16xf32>,
        %scan3A_342 = arith.constant 1 : i32
        %scan3A_343 = arith.addi %scan3A_286, %scan3A_342 : i32
        %add3A_344 = arith.addi %rem3A_117, %scan3A_343 : i32
        %get3A_345 = arith.index_cast %scan3A_343 : i32 to index
        %get3A_346 = arith.constant 0 : index
        %get3A_347 = tpu.vector_load %arg7[%get3A_345, %get3A_346] {strides = array<i32>} : memref<128x64xf32, #tpu.memory_space<vmem>>, vector<1x16xf32>,
        %get3A_348 = vector.shape_cast %get3A_347 : vector<1x16xf32> to vector<16xf32>
        %get3A_349 = arith.index_cast %add3A_344 : i32 to index
        %get3A_350 = arith.constant 0 : index
        %get3A_351 = tpu.vector_load %arg17[%get3A_349, %get3A_350] {strides = array<i32>} : memref<400x64xf32, #tpu.memory_space<vmem>>, vector<1x16xf32>,
        %get3A_352 = vector.shape_cast %get3A_351 : vector<1x16xf32> to vector<16xf32>
        %add3A_353 = arith.addf %get3A_348, %get3A_352 : vector<16xf32>
        %swap3A_354 = arith.index_cast %scan3A_343 : i32 to index
        %swap3A_355 = arith.constant 0 : index
        %swap3A_356 = tpu.vector_load %arg12[%swap3A_354, %swap3A_355] {strides = array<i32>} : memref<128x64xf32, #tpu.memory_space<vmem>>, vector<1x16xf32>,
        %swap3A_357 = vector.shape_cast %swap3A_356 : vector<1x16xf32> to vector<16xf32>
        %swap3A_358 = vector.shape_cast %add3A_353 : vector<16xf32> to vector<1x16xf32>
        tpu.vector_store %arg12[%swap3A_354, %swap3A_355], %swap3A_358 {strides = array<i32>} : memref<128x64xf32, #tpu.memory_space<vmem>>, vector<1x16xf32>,
        %get3A_359 = arith.index_cast %scan3A_343 : i32 to index
        %get3A_360 = arith.constant 16 : index
        %get3A_361 = tpu.vector_load %arg7[%get3A_359, %get3A_360] {strides = array<i32>} : memref<128x64xf32, #tpu.memory_space<vmem>>, vector<1x16xf32>,
        %get3A_362 = vector.shape_cast %get3A_361 : vector<1x16xf32> to vector<16xf32>
        %get3A_363 = arith.index_cast %add3A_344 : i32 to index
        %get3A_364 = arith.constant 16 : index
        %get3A_365 = tpu.vector_load %arg17[%get3A_363, %get3A_364] {strides = array<i32>} : memref<400x64xf32, #tpu.memory_space<vmem>>, vector<1x16xf32>,
        %get3A_366 = vector.shape_cast %get3A_365 : vector<1x16xf32> to vector<16xf32>
        %add3A_367 = arith.addf %get3A_362, %get3A_366 : vector<16xf32>
        %swap3A_368 = arith.index_cast %scan3A_343 : i32 to index
        %swap3A_369 = arith.constant 16 : index
        %swap3A_370 = tpu.vector_load %arg12[%swap3A_368, %swap3A_369] {strides = array<i32>} : memref<128x64xf32, #tpu.memory_space<vmem>>, vector<1x16xf32>,
        %swap3A_371 = vector.shape_cast %swap3A_370 : vector<1x16xf32> to vector<16xf32>
        %swap3A_372 = vector.shape_cast %add3A_367 : vector<16xf32> to vector<1x16xf32>
        tpu.vector_store %arg12[%swap3A_368, %swap3A_369], %swap3A_372 {strides = array<i32>} : memref<128x64xf32, #tpu.memory_space<vmem>>, vector<1x16xf32>,
        %get3A_373 = arith.index_cast %scan3A_343 : i32 to index
        %get3A_374 = arith.constant 32 : index
        %get3A_375 = tpu.vector_load %arg7[%get3A_373, %get3A_374] {strides = array<i32>} : memref<128x64xf32, #tpu.memory_space<vmem>>, vector<1x16xf32>,
        %get3A_376 = vector.shape_cast %get3A_375 : vector<1x16xf32> to vector<16xf32>
        %get3A_377 = arith.index_cast %add3A_344 : i32 to index
        %get3A_378 = arith.constant 32 : index
        %get3A_379 = tpu.vector_load %arg17[%get3A_377, %get3A_378] {strides = array<i32>} : memref<400x64xf32, #tpu.memory_space<vmem>>, vector<1x16xf32>,
        %get3A_380 = vector.shape_cast %get3A_379 : vector<1x16xf32> to vector<16xf32>
        %add3A_381 = arith.addf %get3A_376, %get3A_380 : vector<16xf32>
        %swap3A_382 = arith.index_cast %scan3A_343 : i32 to index
        %swap3A_383 = arith.constant 32 : index
        %swap3A_384 = tpu.vector_load %arg12[%swap3A_382, %swap3A_383] {strides = array<i32>} : memref<128x64xf32, #tpu.memory_space<vmem>>, vector<1x16xf32>,
        %swap3A_385 = vector.shape_cast %swap3A_384 : vector<1x16xf32> to vector<16xf32>
        %swap3A_386 = vector.shape_cast %add3A_381 : vector<16xf32> to vector<1x16xf32>
        tpu.vector_store %arg12[%swap3A_382, %swap3A_383], %swap3A_386 {strides = array<i32>} : memref<128x64xf32, #tpu.memory_space<vmem>>, vector<1x16xf32>,
        %get3A_387 = arith.index_cast %scan3A_343 : i32 to index
        %get3A_388 = arith.constant 48 : index
        %get3A_389 = tpu.vector_load %arg7[%get3A_387, %get3A_388] {strides = array<i32>} : memref<128x64xf32, #tpu.memory_space<vmem>>, vector<1x16xf32>,
        %get3A_390 = vector.shape_cast %get3A_389 : vector<1x16xf32> to vector<16xf32>
        %get3A_391 = arith.index_cast %add3A_344 : i32 to index
        %get3A_392 = arith.constant 48 : index
        %get3A_393 = tpu.vector_load %arg17[%get3A_391, %get3A_392] {strides = array<i32>} : memref<400x64xf32, #tpu.memory_space<vmem>>, vector<1x16xf32>,
        %get3A_394 = vector.shape_cast %get3A_393 : vector<1x16xf32> to vector<16xf32>
        %add3A_395 = arith.addf %get3A_390, %get3A_394 : vector<16xf32>
        %swap3A_396 = arith.index_cast %scan3A_343 : i32 to index
        %swap3A_397 = arith.constant 48 : index
        %swap3A_398 = tpu.vector_load %arg12[%swap3A_396, %swap3A_397] {strides = array<i32>} : memref<128x64xf32, #tpu.memory_space<vmem>>, vector<1x16xf32>,
        %swap3A_399 = vector.shape_cast %swap3A_398 : vector<1x16xf32> to vector<16xf32>
        %swap3A_400 = vector.shape_cast %add3A_395 : vector<16xf32> to vector<1x16xf32>
        tpu.vector_store %arg12[%swap3A_396, %swap3A_397], %swap3A_400 {strides = array<i32>} : memref<128x64xf32, #tpu.memory_space<vmem>>, vector<1x16xf32>,
        %scan3A_401 = arith.constant 2 : i32
        %scan3A_402 = arith.addi %scan3A_286, %scan3A_401 : i32
        %add3A_403 = arith.addi %rem3A_117, %scan3A_402 : i32
        %get3A_404 = arith.index_cast %scan3A_402 : i32 to index
        %get3A_405 = arith.constant 0 : index
        %get3A_406 = tpu.vector_load %arg7[%get3A_404, %get3A_405] {strides = array<i32>} : memref<128x64xf32, #tpu.memory_space<vmem>>, vector<1x16xf32>,
        %get3A_407 = vector.shape_cast %get3A_406 : vector<1x16xf32> to vector<16xf32>
        %get3A_408 = arith.index_cast %add3A_403 : i32 to index
        %get3A_409 = arith.constant 0 : index
        %get3A_410 = tpu.vector_load %arg17[%get3A_408, %get3A_409] {strides = array<i32>} : memref<400x64xf32, #tpu.memory_space<vmem>>, vector<1x16xf32>,
        %get3A_411 = vector.shape_cast %get3A_410 : vector<1x16xf32> to vector<16xf32>
        %add3A_412 = arith.addf %get3A_407, %get3A_411 : vector<16xf32>
        %swap3A_413 = arith.index_cast %scan3A_402 : i32 to index
        %swap3A_414 = arith.constant 0 : index
        %swap3A_415 = tpu.vector_load %arg12[%swap3A_413, %swap3A_414] {strides = array<i32>} : memref<128x64xf32, #tpu.memory_space<vmem>>, vector<1x16xf32>,
        %swap3A_416 = vector.shape_cast %swap3A_415 : vector<1x16xf32> to vector<16xf32>
        %swap3A_417 = vector.shape_cast %add3A_412 : vector<16xf32> to vector<1x16xf32>
        tpu.vector_store %arg12[%swap3A_413, %swap3A_414], %swap3A_417 {strides = array<i32>} : memref<128x64xf32, #tpu.memory_space<vmem>>, vector<1x16xf32>,
        %get3A_418 = arith.index_cast %scan3A_402 : i32 to index
        %get3A_419 = arith.constant 16 : index
        %get3A_420 = tpu.vector_load %arg7[%get3A_418, %get3A_419] {strides = array<i32>} : memref<128x64xf32, #tpu.memory_space<vmem>>, vector<1x16xf32>,
        %get3A_421 = vector.shape_cast %get3A_420 : vector<1x16xf32> to vector<16xf32>
        %get3A_422 = arith.index_cast %add3A_403 : i32 to index
        %get3A_423 = arith.constant 16 : index
        %get3A_424 = tpu.vector_load %arg17[%get3A_422, %get3A_423] {strides = array<i32>} : memref<400x64xf32, #tpu.memory_space<vmem>>, vector<1x16xf32>,
        %get3A_425 = vector.shape_cast %get3A_424 : vector<1x16xf32> to vector<16xf32>
        %add3A_426 = arith.addf %get3A_421, %get3A_425 : vector<16xf32>
        %swap3A_427 = arith.index_cast %scan3A_402 : i32 to index
        %swap3A_428 = arith.constant 16 : index
        %swap3A_429 = tpu.vector_load %arg12[%swap3A_427, %swap3A_428] {strides = array<i32>} : memref<128x64xf32, #tpu.memory_space<vmem>>, vector<1x16xf32>,
        %swap3A_430 = vector.shape_cast %swap3A_429 : vector<1x16xf32> to vector<16xf32>
        %swap3A_431 = vector.shape_cast %add3A_426 : vector<16xf32> to vector<1x16xf32>
        tpu.vector_store %arg12[%swap3A_427, %swap3A_428], %swap3A_431 {strides = array<i32>} : memref<128x64xf32, #tpu.memory_space<vmem>>, vector<1x16xf32>,
        %get3A_432 = arith.index_cast %scan3A_402 : i32 to index
        %get3A_433 = arith.constant 32 : index
        %get3A_434 = tpu.vector_load %arg7[%get3A_432, %get3A_433] {strides = array<i32>} : memref<128x64xf32, #tpu.memory_space<vmem>>, vector<1x16xf32>,
        %get3A_435 = vector.shape_cast %get3A_434 : vector<1x16xf32> to vector<16xf32>
        %get3A_436 = arith.index_cast %add3A_403 : i32 to index
        %get3A_437 = arith.constant 32 : index
        %get3A_438 = tpu.vector_load %arg17[%get3A_436, %get3A_437] {strides = array<i32>} : memref<400x64xf32, #tpu.memory_space<vmem>>, vector<1x16xf32>,
        %get3A_439 = vector.shape_cast %get3A_438 : vector<1x16xf32> to vector<16xf32>
        %add3A_440 = arith.addf %get3A_435, %get3A_439 : vector<16xf32>
        %swap3A_441 = arith.index_cast %scan3A_402 : i32 to index
        %swap3A_442 = arith.constant 32 : index
        %swap3A_443 = tpu.vector_load %arg12[%swap3A_441, %swap3A_442] {strides = array<i32>} : memref<128x64xf32, #tpu.memory_space<vmem>>, vector<1x16xf32>,
        %swap3A_444 = vector.shape_cast %swap3A_443 : vector<1x16xf32> to vector<16xf32>
        %swap3A_445 = vector.shape_cast %add3A_440 : vector<16xf32> to vector<1x16xf32>
        tpu.vector_store %arg12[%swap3A_441, %swap3A_442], %swap3A_445 {strides = array<i32>} : memref<128x64xf32, #tpu.memory_space<vmem>>, vector<1x16xf32>,
        %get3A_446 = arith.index_cast %scan3A_402 : i32 to index
        %get3A_447 = arith.constant 48 : index
        %get3A_448 = tpu.vector_load %arg7[%get3A_446, %get3A_447] {strides = array<i32>} : memref<128x64xf32, #tpu.memory_space<vmem>>, vector<1x16xf32>,
        %get3A_449 = vector.shape_cast %get3A_448 : vector<1x16xf32> to vector<16xf32>
        %get3A_450 = arith.index_cast %add3A_403 : i32 to index
        %get3A_451 = arith.constant 48 : index
        %get3A_452 = tpu.vector_load %arg17[%get3A_450, %get3A_451] {strides = array<i32>} : memref<400x64xf32, #tpu.memory_space<vmem>>, vector<1x16xf32>,
        %get3A_453 = vector.shape_cast %get3A_452 : vector<1x16xf32> to vector<16xf32>
        %add3A_454 = arith.addf %get3A_449, %get3A_453 : vector<16xf32>
        %swap3A_455 = arith.index_cast %scan3A_402 : i32 to index
        %swap3A_456 = arith.constant 48 : index
        %swap3A_457 = tpu.vector_load %arg12[%swap3A_455, %swap3A_456] {strides = array<i32>} : memref<128x64xf32, #tpu.memory_space<vmem>>, vector<1x16xf32>,
        %swap3A_458 = vector.shape_cast %swap3A_457 : vector<1x16xf32> to vector<16xf32>
        %swap3A_459 = vector.shape_cast %add3A_454 : vector<16xf32> to vector<1x16xf32>
        tpu.vector_store %arg12[%swap3A_455, %swap3A_456], %swap3A_459 {strides = array<i32>} : memref<128x64xf32, #tpu.memory_space<vmem>>, vector<1x16xf32>,
        %scan3A_460 = arith.constant 3 : i32
        %scan3A_461 = arith.addi %scan3A_286, %scan3A_460 : i32
        %add3A_462 = arith.addi %rem3A_117, %scan3A_461 : i32
        %get3A_463 = arith.index_cast %scan3A_461 : i32 to index
        %get3A_464 = arith.constant 0 : index
        %get3A_465 = tpu.vector_load %arg7[%get3A_463, %get3A_464] {strides = array<i32>} : memref<128x64xf32, #tpu.memory_space<vmem>>, vector<1x16xf32>,
        %get3A_466 = vector.shape_cast %get3A_465 : vector<1x16xf32> to vector<16xf32>
        %get3A_467 = arith.index_cast %add3A_462 : i32 to index
        %get3A_468 = arith.constant 0 : index
        %get3A_469 = tpu.vector_load %arg17[%get3A_467, %get3A_468] {strides = array<i32>} : memref<400x64xf32, #tpu.memory_space<vmem>>, vector<1x16xf32>,
        %get3A_470 = vector.shape_cast %get3A_469 : vector<1x16xf32> to vector<16xf32>
        %add3A_471 = arith.addf %get3A_466, %get3A_470 : vector<16xf32>
        %swap3A_472 = arith.index_cast %scan3A_461 : i32 to index
        %swap3A_473 = arith.constant 0 : index
        %swap3A_474 = tpu.vector_load %arg12[%swap3A_472, %swap3A_473] {strides = array<i32>} : memref<128x64xf32, #tpu.memory_space<vmem>>, vector<1x16xf32>,
        %swap3A_475 = vector.shape_cast %swap3A_474 : vector<1x16xf32> to vector<16xf32>
        %swap3A_476 = vector.shape_cast %add3A_471 : vector<16xf32> to vector<1x16xf32>
        tpu.vector_store %arg12[%swap3A_472, %swap3A_473], %swap3A_476 {strides = array<i32>} : memref<128x64xf32, #tpu.memory_space<vmem>>, vector<1x16xf32>,
        %get3A_477 = arith.index_cast %scan3A_461 : i32 to index
        %get3A_478 = arith.constant 16 : index
        %get3A_479 = tpu.vector_load %arg7[%get3A_477, %get3A_478] {strides = array<i32>} : memref<128x64xf32, #tpu.memory_space<vmem>>, vector<1x16xf32>,
        %get3A_480 = vector.shape_cast %get3A_479 : vector<1x16xf32> to vector<16xf32>
        %get3A_481 = arith.index_cast %add3A_462 : i32 to index
        %get3A_482 = arith.constant 16 : index
        %get3A_483 = tpu.vector_load %arg17[%get3A_481, %get3A_482] {strides = array<i32>} : memref<400x64xf32, #tpu.memory_space<vmem>>, vector<1x16xf32>,
        %get3A_484 = vector.shape_cast %get3A_483 : vector<1x16xf32> to vector<16xf32>
        %add3A_485 = arith.addf %get3A_480, %get3A_484 : vector<16xf32>
        %swap3A_486 = arith.index_cast %scan3A_461 : i32 to index
        %swap3A_487 = arith.constant 16 : index
        %swap3A_488 = tpu.vector_load %arg12[%swap3A_486, %swap3A_487] {strides = array<i32>} : memref<128x64xf32, #tpu.memory_space<vmem>>, vector<1x16xf32>,
        %swap3A_489 = vector.shape_cast %swap3A_488 : vector<1x16xf32> to vector<16xf32>
        %swap3A_490 = vector.shape_cast %add3A_485 : vector<16xf32> to vector<1x16xf32>
        tpu.vector_store %arg12[%swap3A_486, %swap3A_487], %swap3A_490 {strides = array<i32>} : memref<128x64xf32, #tpu.memory_space<vmem>>, vector<1x16xf32>,
        %get3A_491 = arith.index_cast %scan3A_461 : i32 to index
        %get3A_492 = arith.constant 32 : index
        %get3A_493 = tpu.vector_load %arg7[%get3A_491, %get3A_492] {strides = array<i32>} : memref<128x64xf32, #tpu.memory_space<vmem>>, vector<1x16xf32>,
        %get3A_494 = vector.shape_cast %get3A_493 : vector<1x16xf32> to vector<16xf32>
        %get3A_495 = arith.index_cast %add3A_462 : i32 to index
        %get3A_496 = arith.constant 32 : index
        %get3A_497 = tpu.vector_load %arg17[%get3A_495, %get3A_496] {strides = array<i32>} : memref<400x64xf32, #tpu.memory_space<vmem>>, vector<1x16xf32>,
        %get3A_498 = vector.shape_cast %get3A_497 : vector<1x16xf32> to vector<16xf32>
        %add3A_499 = arith.addf %get3A_494, %get3A_498 : vector<16xf32>
        %swap3A_500 = arith.index_cast %scan3A_461 : i32 to index
        %swap3A_501 = arith.constant 32 : index
        %swap3A_502 = tpu.vector_load %arg12[%swap3A_500, %swap3A_501] {strides = array<i32>} : memref<128x64xf32, #tpu.memory_space<vmem>>, vector<1x16xf32>,
        %swap3A_503 = vector.shape_cast %swap3A_502 : vector<1x16xf32> to vector<16xf32>
        %swap3A_504 = vector.shape_cast %add3A_499 : vector<16xf32> to vector<1x16xf32>
        tpu.vector_store %arg12[%swap3A_500, %swap3A_501], %swap3A_504 {strides = array<i32>} : memref<128x64xf32, #tpu.memory_space<vmem>>, vector<1x16xf32>,
        %get3A_505 = arith.index_cast %scan3A_461 : i32 to index
        %get3A_506 = arith.constant 48 : index
        %get3A_507 = tpu.vector_load %arg7[%get3A_505, %get3A_506] {strides = array<i32>} : memref<128x64xf32, #tpu.memory_space<vmem>>, vector<1x16xf32>,
        %get3A_508 = vector.shape_cast %get3A_507 : vector<1x16xf32> to vector<16xf32>
        %get3A_509 = arith.index_cast %add3A_462 : i32 to index
        %get3A_510 = arith.constant 48 : index
        %get3A_511 = tpu.vector_load %arg17[%get3A_509, %get3A_510] {strides = array<i32>} : memref<400x64xf32, #tpu.memory_space<vmem>>, vector<1x16xf32>,
        %get3A_512 = vector.shape_cast %get3A_511 : vector<1x16xf32> to vector<16xf32>
        %add3A_513 = arith.addf %get3A_508, %get3A_512 : vector<16xf32>
        %swap3A_514 = arith.index_cast %scan3A_461 : i32 to index
        %swap3A_515 = arith.constant 48 : index
        %swap3A_516 = tpu.vector_load %arg12[%swap3A_514, %swap3A_515] {strides = array<i32>} : memref<128x64xf32, #tpu.memory_space<vmem>>, vector<1x16xf32>,
        %swap3A_517 = vector.shape_cast %swap3A_516 : vector<1x16xf32> to vector<16xf32>
        %swap3A_518 = vector.shape_cast %add3A_513 : vector<16xf32> to vector<1x16xf32>
        tpu.vector_store %arg12[%swap3A_514, %swap3A_515], %swap3A_518 {strides = array<i32>} : memref<128x64xf32, #tpu.memory_space<vmem>>, vector<1x16xf32>,
      }
      %scan3A_123 = arith.constant 128 : i32
      %add3A_124 = arith.constant 5 : i32
      %add3A_125 = arith.addi %add3A_104, %add3A_124 : i32
      %lt3A = arith.constant 50 : i32
      %lt3A_126 = arith.cmpi slt, %add3A_125, %lt3A : i32
      %convert_element_type3A_127 = arith.extui %lt3A_126 : i1 to i32
      %cond3A_128 = arith.constant 0 : i32
      %cond3A_129 = arith.cmpi ne, %convert_element_type3A_127, %cond3A_128 : i32
      scf.if %cond3A_129 {
        %add3A_286 = arith.constant 5 : i32
        %add3A_287 = arith.addi %add3A_104, %add3A_286 : i32
        %dma_start3A_288 = arith.constant 0 : i32
        %dma_start3A_289 = tpu.memref_slice %arg6[%add3A_287, %dma_start3A_288] : memref<50x128xi32, #tpu.memory_space<vmem>> -> memref<1x128xi32, #tpu.memory_space<vmem>>
        %dma_start3A_290 = tpu.memref_squeeze %dma_start3A_289 : memref<1x128xi32, #tpu.memory_space<vmem>> -> memref<128xi32, #tpu.memory_space<vmem>>
        %dma_start3A_291 = arith.constant 0 : i32
        %dma_start3A_292 = arith.constant 0 : i32
        %dma_start3A_293 = tpu.memref_slice %arg3[%dma_start3A_291, %dma_start3A_292] : memref<1000000x64xf32, #tpu.memory_space<hbm>> -> memref<1000000x64xf32, #tpu.memory_space<hbm>>
        tpu.enqueue_indirect_dma source(%dma_start3A_293 : memref<1000000x64xf32, #tpu.memory_space<hbm>>) target(%arg7 : memref<128x64xf32, #tpu.memory_space<vmem>>) offsets(%dma_start3A_290 : memref<128xi32, #tpu.memory_space<vmem>>) semaphore(%arg18 : memref<!tpu.dma_semaphore, #tpu.memory_space<semaphore_mem>>)
      } else {
      }
      %dma_start3A_130 = arith.constant 0 : i32
      %dma_start3A_131 = tpu.memref_slice %arg5[%mul3A_107, %dma_start3A_130] : memref<204800x64xf32, #tpu.memory_space<hbm>> -> memref<128x64xf32, #tpu.memory_space<hbm>>
      %dma_start3A_132 = arith.constant 0 : i32
      %dma_start3A_133 = tpu.memref_slice %arg5[%mul3A_107, %dma_start3A_132] : memref<204800x64xf32, #tpu.memory_space<hbm>> -> memref<128x64xf32, #tpu.memory_space<hbm>>
      tpu.enqueue_dma source(%arg12 : memref<128x64xf32, #tpu.memory_space<vmem>>) target(%dma_start3A_133 : memref<128x64xf32, #tpu.memory_space<hbm>>) target_semaphore(%arg23 : memref<!tpu.dma_semaphore, #tpu.memory_space<semaphore_mem>>)
      %mul3A_134 = arith.constant 5 : i32
      %mul3A_135 = arith.muli %mul3A_134, %scan3A_100 : i32
      %add3A_136 = arith.constant 1 : i32
      %add3A_137 = arith.addi %mul3A_135, %add3A_136 : i32
      %add3A_138 = arith.addi %mul3A_2, %add3A_137 : i32
      %mul3A_139 = arith.constant 128 : i32
      %mul3A_140 = arith.muli %add3A_138, %mul3A_139 : i32
      %dma_wait3A_141 = arith.constant 1 : i32
      %dma_wait3A_142 = arith.constant 0 : i32
      %dma_wait3A_143 = tpu.memref_slice %arg6[%dma_wait3A_141, %dma_wait3A_142] : memref<50x128xi32, #tpu.memory_space<vmem>> -> memref<1x128xi32, #tpu.memory_space<vmem>>
      %dma_wait3A_144 = tpu.memref_squeeze %dma_wait3A_143 : memref<1x128xi32, #tpu.memory_space<vmem>> -> memref<128xi32, #tpu.memory_space<vmem>>
      %dma_wait3A_145 = arith.constant 0 : i32
      %dma_wait3A_146 = arith.constant 0 : i32
      %dma_wait3A_147 = tpu.memref_slice %arg3[%dma_wait3A_145, %dma_wait3A_146] : memref<1000000x64xf32, #tpu.memory_space<hbm>> -> memref<1000000x64xf32, #tpu.memory_space<hbm>>
      tpu.wait_indirect_dma semaphore(%arg19 : memref<!tpu.dma_semaphore, #tpu.memory_space<semaphore_mem>>) src(%dma_wait3A_147 : memref<1000000x64xf32, #tpu.memory_space<hbm>>) dst(%arg8 : memref<128x64xf32, #tpu.memory_space<vmem>>)
      %gt3A_148 = arith.constant 0 : i32
      %gt3A_149 = arith.cmpi sgt, %scan3A_100, %gt3A_148 : i32
      %convert_element_type3A_150 = arith.extui %gt3A_149 : i1 to i32
      %cond3A_151 = arith.constant 0 : i32
      %cond3A_152 = arith.cmpi ne, %convert_element_type3A_150, %cond3A_151 : i32
      scf.if %cond3A_152 {
        %sub3A_286 = arith.constant 5 : i32
        %sub3A_287 = arith.subi %add3A_138, %sub3A_286 : i32
        %mul3A_288 = arith.constant 128 : i32
        %mul3A_289 = arith.muli %sub3A_287, %mul3A_288 : i32
        %dma_wait3A_290 = arith.constant 0 : i32
        %dma_wait3A_291 = tpu.memref_slice %arg5[%mul3A_289, %dma_wait3A_290] : memref<204800x64xf32, #tpu.memory_space<hbm>> -> memref<128x64xf32, #tpu.memory_space<hbm>>
        %dma_wait3A_292 = arith.constant 0 : i32
        %dma_wait3A_293 = tpu.memref_slice %arg5[%mul3A_289, %dma_wait3A_292] : memref<204800x64xf32, #tpu.memory_space<hbm>> -> memref<128x64xf32, #tpu.memory_space<hbm>>
        tpu.wait_dma2 semaphore(%arg24 : memref<!tpu.dma_semaphore, #tpu.memory_space<semaphore_mem>>) src(%arg13 : memref<128x64xf32, #tpu.memory_space<vmem>>) dst(%dma_wait3A_293 : memref<128x64xf32, #tpu.memory_space<hbm>>)
      } else {
      }
      %rem3A_153 = arith.constant 200 : i32
      %rem3A_154 = arith.remsi %mul3A_140, %rem3A_153 : i32
      %scan3A_155 = arith.constant 0 : i32
      %scan3A_156 = arith.constant 0 : i32
      %scan3A_157 = arith.constant 128 : i32
      %scan3A_158 = arith.addi %scan3A_156, %scan3A_157 : i32
      %scan3A_159 = arith.constant 4 : i32
      scf.for %scan3A_286 = %scan3A_156 to %scan3A_158 step %scan3A_159  : i32 {
        %add3A_287 = arith.addi %rem3A_154, %scan3A_286 : i32
        %get3A = arith.index_cast %scan3A_286 : i32 to index
        %get3A_288 = arith.constant 0 : index
        %get3A_289 = tpu.vector_load %arg8[%get3A, %get3A_288] {strides = array<i32>} : memref<128x64xf32, #tpu.memory_space<vmem>>, vector<1x16xf32>,
        %get3A_290 = vector.shape_cast %get3A_289 : vector<1x16xf32> to vector<16xf32>
        %get3A_291 = arith.index_cast %add3A_287 : i32 to index
        %get3A_292 = arith.constant 0 : index
        %get3A_293 = tpu.vector_load %arg17[%get3A_291, %get3A_292] {strides = array<i32>} : memref<400x64xf32, #tpu.memory_space<vmem>>, vector<1x16xf32>,
        %get3A_294 = vector.shape_cast %get3A_293 : vector<1x16xf32> to vector<16xf32>
        %add3A_295 = arith.addf %get3A_290, %get3A_294 : vector<16xf32>
        %swap3A = arith.index_cast %scan3A_286 : i32 to index
        %swap3A_296 = arith.constant 0 : index
        %swap3A_297 = tpu.vector_load %arg13[%swap3A, %swap3A_296] {strides = array<i32>} : memref<128x64xf32, #tpu.memory_space<vmem>>, vector<1x16xf32>,
        %swap3A_298 = vector.shape_cast %swap3A_297 : vector<1x16xf32> to vector<16xf32>
        %swap3A_299 = vector.shape_cast %add3A_295 : vector<16xf32> to vector<1x16xf32>
        tpu.vector_store %arg13[%swap3A, %swap3A_296], %swap3A_299 {strides = array<i32>} : memref<128x64xf32, #tpu.memory_space<vmem>>, vector<1x16xf32>,
        %get3A_300 = arith.index_cast %scan3A_286 : i32 to index
        %get3A_301 = arith.constant 16 : index
        %get3A_302 = tpu.vector_load %arg8[%get3A_300, %get3A_301] {strides = array<i32>} : memref<128x64xf32, #tpu.memory_space<vmem>>, vector<1x16xf32>,
        %get3A_303 = vector.shape_cast %get3A_302 : vector<1x16xf32> to vector<16xf32>
        %get3A_304 = arith.index_cast %add3A_287 : i32 to index
        %get3A_305 = arith.constant 16 : index
        %get3A_306 = tpu.vector_load %arg17[%get3A_304, %get3A_305] {strides = array<i32>} : memref<400x64xf32, #tpu.memory_space<vmem>>, vector<1x16xf32>,
        %get3A_307 = vector.shape_cast %get3A_306 : vector<1x16xf32> to vector<16xf32>
        %add3A_308 = arith.addf %get3A_303, %get3A_307 : vector<16xf32>
        %swap3A_309 = arith.index_cast %scan3A_286 : i32 to index
        %swap3A_310 = arith.constant 16 : index
        %swap3A_311 = tpu.vector_load %arg13[%swap3A_309, %swap3A_310] {strides = array<i32>} : memref<128x64xf32, #tpu.memory_space<vmem>>, vector<1x16xf32>,
        %swap3A_312 = vector.shape_cast %swap3A_311 : vector<1x16xf32> to vector<16xf32>
        %swap3A_313 = vector.shape_cast %add3A_308 : vector<16xf32> to vector<1x16xf32>
        tpu.vector_store %arg13[%swap3A_309, %swap3A_310], %swap3A_313 {strides = array<i32>} : memref<128x64xf32, #tpu.memory_space<vmem>>, vector<1x16xf32>,
        %get3A_314 = arith.index_cast %scan3A_286 : i32 to index
        %get3A_315 = arith.constant 32 : index
        %get3A_316 = tpu.vector_load %arg8[%get3A_314, %get3A_315] {strides = array<i32>} : memref<128x64xf32, #tpu.memory_space<vmem>>, vector<1x16xf32>,
        %get3A_317 = vector.shape_cast %get3A_316 : vector<1x16xf32> to vector<16xf32>
        %get3A_318 = arith.index_cast %add3A_287 : i32 to index
        %get3A_319 = arith.constant 32 : index
        %get3A_320 = tpu.vector_load %arg17[%get3A_318, %get3A_319] {strides = array<i32>} : memref<400x64xf32, #tpu.memory_space<vmem>>, vector<1x16xf32>,
        %get3A_321 = vector.shape_cast %get3A_320 : vector<1x16xf32> to vector<16xf32>
        %add3A_322 = arith.addf %get3A_317, %get3A_321 : vector<16xf32>
        %swap3A_323 = arith.index_cast %scan3A_286 : i32 to index
        %swap3A_324 = arith.constant 32 : index
        %swap3A_325 = tpu.vector_load %arg13[%swap3A_323, %swap3A_324] {strides = array<i32>} : memref<128x64xf32, #tpu.memory_space<vmem>>, vector<1x16xf32>,
        %swap3A_326 = vector.shape_cast %swap3A_325 : vector<1x16xf32> to vector<16xf32>
        %swap3A_327 = vector.shape_cast %add3A_322 : vector<16xf32> to vector<1x16xf32>
        tpu.vector_store %arg13[%swap3A_323, %swap3A_324], %swap3A_327 {strides = array<i32>} : memref<128x64xf32, #tpu.memory_space<vmem>>, vector<1x16xf32>,
        %get3A_328 = arith.index_cast %scan3A_286 : i32 to index
        %get3A_329 = arith.constant 48 : index
        %get3A_330 = tpu.vector_load %arg8[%get3A_328, %get3A_329] {strides = array<i32>} : memref<128x64xf32, #tpu.memory_space<vmem>>, vector<1x16xf32>,
        %get3A_331 = vector.shape_cast %get3A_330 : vector<1x16xf32> to vector<16xf32>
        %get3A_332 = arith.index_cast %add3A_287 : i32 to index
        %get3A_333 = arith.constant 48 : index
        %get3A_334 = tpu.vector_load %arg17[%get3A_332, %get3A_333] {strides = array<i32>} : memref<400x64xf32, #tpu.memory_space<vmem>>, vector<1x16xf32>,
        %get3A_335 = vector.shape_cast %get3A_334 : vector<1x16xf32> to vector<16xf32>
        %add3A_336 = arith.addf %get3A_331, %get3A_335 : vector<16xf32>
        %swap3A_337 = arith.index_cast %scan3A_286 : i32 to index
        %swap3A_338 = arith.constant 48 : index
        %swap3A_339 = tpu.vector_load %arg13[%swap3A_337, %swap3A_338] {strides = array<i32>} : memref<128x64xf32, #tpu.memory_space<vmem>>, vector<1x16xf32>,
        %swap3A_340 = vector.shape_cast %swap3A_339 : vector<1x16xf32> to vector<16xf32>
        %swap3A_341 = vector.shape_cast %add3A_336 : vector<16xf32> to vector<1x16xf32>
        tpu.vector_store %arg13[%swap3A_337, %swap3A_338], %swap3A_341 {strides = array<i32>} : memref<128x64xf32, #tpu.memory_space<vmem>>, vector<1x16xf32>,
        %scan3A_342 = arith.constant 1 : i32
        %scan3A_343 = arith.addi %scan3A_286, %scan3A_342 : i32
        %add3A_344 = arith.addi %rem3A_154, %scan3A_343 : i32
        %get3A_345 = arith.index_cast %scan3A_343 : i32 to index
        %get3A_346 = arith.constant 0 : index
        %get3A_347 = tpu.vector_load %arg8[%get3A_345, %get3A_346] {strides = array<i32>} : memref<128x64xf32, #tpu.memory_space<vmem>>, vector<1x16xf32>,
        %get3A_348 = vector.shape_cast %get3A_347 : vector<1x16xf32> to vector<16xf32>
        %get3A_349 = arith.index_cast %add3A_344 : i32 to index
        %get3A_350 = arith.constant 0 : index
        %get3A_351 = tpu.vector_load %arg17[%get3A_349, %get3A_350] {strides = array<i32>} : memref<400x64xf32, #tpu.memory_space<vmem>>, vector<1x16xf32>,
        %get3A_352 = vector.shape_cast %get3A_351 : vector<1x16xf32> to vector<16xf32>
        %add3A_353 = arith.addf %get3A_348, %get3A_352 : vector<16xf32>
        %swap3A_354 = arith.index_cast %scan3A_343 : i32 to index
        %swap3A_355 = arith.constant 0 : index
        %swap3A_356 = tpu.vector_load %arg13[%swap3A_354, %swap3A_355] {strides = array<i32>} : memref<128x64xf32, #tpu.memory_space<vmem>>, vector<1x16xf32>,
        %swap3A_357 = vector.shape_cast %swap3A_356 : vector<1x16xf32> to vector<16xf32>
        %swap3A_358 = vector.shape_cast %add3A_353 : vector<16xf32> to vector<1x16xf32>
        tpu.vector_store %arg13[%swap3A_354, %swap3A_355], %swap3A_358 {strides = array<i32>} : memref<128x64xf32, #tpu.memory_space<vmem>>, vector<1x16xf32>,
        %get3A_359 = arith.index_cast %scan3A_343 : i32 to index
        %get3A_360 = arith.constant 16 : index
        %get3A_361 = tpu.vector_load %arg8[%get3A_359, %get3A_360] {strides = array<i32>} : memref<128x64xf32, #tpu.memory_space<vmem>>, vector<1x16xf32>,
        %get3A_362 = vector.shape_cast %get3A_361 : vector<1x16xf32> to vector<16xf32>
        %get3A_363 = arith.index_cast %add3A_344 : i32 to index
        %get3A_364 = arith.constant 16 : index
        %get3A_365 = tpu.vector_load %arg17[%get3A_363, %get3A_364] {strides = array<i32>} : memref<400x64xf32, #tpu.memory_space<vmem>>, vector<1x16xf32>,
        %get3A_366 = vector.shape_cast %get3A_365 : vector<1x16xf32> to vector<16xf32>
        %add3A_367 = arith.addf %get3A_362, %get3A_366 : vector<16xf32>
        %swap3A_368 = arith.index_cast %scan3A_343 : i32 to index
        %swap3A_369 = arith.constant 16 : index
        %swap3A_370 = tpu.vector_load %arg13[%swap3A_368, %swap3A_369] {strides = array<i32>} : memref<128x64xf32, #tpu.memory_space<vmem>>, vector<1x16xf32>,
        %swap3A_371 = vector.shape_cast %swap3A_370 : vector<1x16xf32> to vector<16xf32>
        %swap3A_372 = vector.shape_cast %add3A_367 : vector<16xf32> to vector<1x16xf32>
        tpu.vector_store %arg13[%swap3A_368, %swap3A_369], %swap3A_372 {strides = array<i32>} : memref<128x64xf32, #tpu.memory_space<vmem>>, vector<1x16xf32>,
        %get3A_373 = arith.index_cast %scan3A_343 : i32 to index
        %get3A_374 = arith.constant 32 : index
        %get3A_375 = tpu.vector_load %arg8[%get3A_373, %get3A_374] {strides = array<i32>} : memref<128x64xf32, #tpu.memory_space<vmem>>, vector<1x16xf32>,
        %get3A_376 = vector.shape_cast %get3A_375 : vector<1x16xf32> to vector<16xf32>
        %get3A_377 = arith.index_cast %add3A_344 : i32 to index
        %get3A_378 = arith.constant 32 : index
        %get3A_379 = tpu.vector_load %arg17[%get3A_377, %get3A_378] {strides = array<i32>} : memref<400x64xf32, #tpu.memory_space<vmem>>, vector<1x16xf32>,
        %get3A_380 = vector.shape_cast %get3A_379 : vector<1x16xf32> to vector<16xf32>
        %add3A_381 = arith.addf %get3A_376, %get3A_380 : vector<16xf32>
        %swap3A_382 = arith.index_cast %scan3A_343 : i32 to index
        %swap3A_383 = arith.constant 32 : index
        %swap3A_384 = tpu.vector_load %arg13[%swap3A_382, %swap3A_383] {strides = array<i32>} : memref<128x64xf32, #tpu.memory_space<vmem>>, vector<1x16xf32>,
        %swap3A_385 = vector.shape_cast %swap3A_384 : vector<1x16xf32> to vector<16xf32>
        %swap3A_386 = vector.shape_cast %add3A_381 : vector<16xf32> to vector<1x16xf32>
        tpu.vector_store %arg13[%swap3A_382, %swap3A_383], %swap3A_386 {strides = array<i32>} : memref<128x64xf32, #tpu.memory_space<vmem>>, vector<1x16xf32>,
        %get3A_387 = arith.index_cast %scan3A_343 : i32 to index
        %get3A_388 = arith.constant 48 : index
        %get3A_389 = tpu.vector_load %arg8[%get3A_387, %get3A_388] {strides = array<i32>} : memref<128x64xf32, #tpu.memory_space<vmem>>, vector<1x16xf32>,
        %get3A_390 = vector.shape_cast %get3A_389 : vector<1x16xf32> to vector<16xf32>
        %get3A_391 = arith.index_cast %add3A_344 : i32 to index
        %get3A_392 = arith.constant 48 : index
        %get3A_393 = tpu.vector_load %arg17[%get3A_391, %get3A_392] {strides = array<i32>} : memref<400x64xf32, #tpu.memory_space<vmem>>, vector<1x16xf32>,
        %get3A_394 = vector.shape_cast %get3A_393 : vector<1x16xf32> to vector<16xf32>
        %add3A_395 = arith.addf %get3A_390, %get3A_394 : vector<16xf32>
        %swap3A_396 = arith.index_cast %scan3A_343 : i32 to index
        %swap3A_397 = arith.constant 48 : index
        %swap3A_398 = tpu.vector_load %arg13[%swap3A_396, %swap3A_397] {strides = array<i32>} : memref<128x64xf32, #tpu.memory_space<vmem>>, vector<1x16xf32>,
        %swap3A_399 = vector.shape_cast %swap3A_398 : vector<1x16xf32> to vector<16xf32>
        %swap3A_400 = vector.shape_cast %add3A_395 : vector<16xf32> to vector<1x16xf32>
        tpu.vector_store %arg13[%swap3A_396, %swap3A_397], %swap3A_400 {strides = array<i32>} : memref<128x64xf32, #tpu.memory_space<vmem>>, vector<1x16xf32>,
        %scan3A_401 = arith.constant 2 : i32
        %scan3A_402 = arith.addi %scan3A_286, %scan3A_401 : i32
        %add3A_403 = arith.addi %rem3A_154, %scan3A_402 : i32
        %get3A_404 = arith.index_cast %scan3A_402 : i32 to index
        %get3A_405 = arith.constant 0 : index
        %get3A_406 = tpu.vector_load %arg8[%get3A_404, %get3A_405] {strides = array<i32>} : memref<128x64xf32, #tpu.memory_space<vmem>>, vector<1x16xf32>,
        %get3A_407 = vector.shape_cast %get3A_406 : vector<1x16xf32> to vector<16xf32>
        %get3A_408 = arith.index_cast %add3A_403 : i32 to index
        %get3A_409 = arith.constant 0 : index
        %get3A_410 = tpu.vector_load %arg17[%get3A_408, %get3A_409] {strides = array<i32>} : memref<400x64xf32, #tpu.memory_space<vmem>>, vector<1x16xf32>,
        %get3A_411 = vector.shape_cast %get3A_410 : vector<1x16xf32> to vector<16xf32>
        %add3A_412 = arith.addf %get3A_407, %get3A_411 : vector<16xf32>
        %swap3A_413 = arith.index_cast %scan3A_402 : i32 to index
        %swap3A_414 = arith.constant 0 : index
        %swap3A_415 = tpu.vector_load %arg13[%swap3A_413, %swap3A_414] {strides = array<i32>} : memref<128x64xf32, #tpu.memory_space<vmem>>, vector<1x16xf32>,
        %swap3A_416 = vector.shape_cast %swap3A_415 : vector<1x16xf32> to vector<16xf32>
        %swap3A_417 = vector.shape_cast %add3A_412 : vector<16xf32> to vector<1x16xf32>
        tpu.vector_store %arg13[%swap3A_413, %swap3A_414], %swap3A_417 {strides = array<i32>} : memref<128x64xf32, #tpu.memory_space<vmem>>, vector<1x16xf32>,
        %get3A_418 = arith.index_cast %scan3A_402 : i32 to index
        %get3A_419 = arith.constant 16 : index
        %get3A_420 = tpu.vector_load %arg8[%get3A_418, %get3A_419] {strides = array<i32>} : memref<128x64xf32, #tpu.memory_space<vmem>>, vector<1x16xf32>,
        %get3A_421 = vector.shape_cast %get3A_420 : vector<1x16xf32> to vector<16xf32>
        %get3A_422 = arith.index_cast %add3A_403 : i32 to index
        %get3A_423 = arith.constant 16 : index
        %get3A_424 = tpu.vector_load %arg17[%get3A_422, %get3A_423] {strides = array<i32>} : memref<400x64xf32, #tpu.memory_space<vmem>>, vector<1x16xf32>,
        %get3A_425 = vector.shape_cast %get3A_424 : vector<1x16xf32> to vector<16xf32>
        %add3A_426 = arith.addf %get3A_421, %get3A_425 : vector<16xf32>
        %swap3A_427 = arith.index_cast %scan3A_402 : i32 to index
        %swap3A_428 = arith.constant 16 : index
        %swap3A_429 = tpu.vector_load %arg13[%swap3A_427, %swap3A_428] {strides = array<i32>} : memref<128x64xf32, #tpu.memory_space<vmem>>, vector<1x16xf32>,
        %swap3A_430 = vector.shape_cast %swap3A_429 : vector<1x16xf32> to vector<16xf32>
        %swap3A_431 = vector.shape_cast %add3A_426 : vector<16xf32> to vector<1x16xf32>
        tpu.vector_store %arg13[%swap3A_427, %swap3A_428], %swap3A_431 {strides = array<i32>} : memref<128x64xf32, #tpu.memory_space<vmem>>, vector<1x16xf32>,
        %get3A_432 = arith.index_cast %scan3A_402 : i32 to index
        %get3A_433 = arith.constant 32 : index
        %get3A_434 = tpu.vector_load %arg8[%get3A_432, %get3A_433] {strides = array<i32>} : memref<128x64xf32, #tpu.memory_space<vmem>>, vector<1x16xf32>,
        %get3A_435 = vector.shape_cast %get3A_434 : vector<1x16xf32> to vector<16xf32>
        %get3A_436 = arith.index_cast %add3A_403 : i32 to index
        %get3A_437 = arith.constant 32 : index
        %get3A_438 = tpu.vector_load %arg17[%get3A_436, %get3A_437] {strides = array<i32>} : memref<400x64xf32, #tpu.memory_space<vmem>>, vector<1x16xf32>,
        %get3A_439 = vector.shape_cast %get3A_438 : vector<1x16xf32> to vector<16xf32>
        %add3A_440 = arith.addf %get3A_435, %get3A_439 : vector<16xf32>
        %swap3A_441 = arith.index_cast %scan3A_402 : i32 to index
        %swap3A_442 = arith.constant 32 : index
        %swap3A_443 = tpu.vector_load %arg13[%swap3A_441, %swap3A_442] {strides = array<i32>} : memref<128x64xf32, #tpu.memory_space<vmem>>, vector<1x16xf32>,
        %swap3A_444 = vector.shape_cast %swap3A_443 : vector<1x16xf32> to vector<16xf32>
        %swap3A_445 = vector.shape_cast %add3A_440 : vector<16xf32> to vector<1x16xf32>
        tpu.vector_store %arg13[%swap3A_441, %swap3A_442], %swap3A_445 {strides = array<i32>} : memref<128x64xf32, #tpu.memory_space<vmem>>, vector<1x16xf32>,
        %get3A_446 = arith.index_cast %scan3A_402 : i32 to index
        %get3A_447 = arith.constant 48 : index
        %get3A_448 = tpu.vector_load %arg8[%get3A_446, %get3A_447] {strides = array<i32>} : memref<128x64xf32, #tpu.memory_space<vmem>>, vector<1x16xf32>,
        %get3A_449 = vector.shape_cast %get3A_448 : vector<1x16xf32> to vector<16xf32>
        %get3A_450 = arith.index_cast %add3A_403 : i32 to index
        %get3A_451 = arith.constant 48 : index
        %get3A_452 = tpu.vector_load %arg17[%get3A_450, %get3A_451] {strides = array<i32>} : memref<400x64xf32, #tpu.memory_space<vmem>>, vector<1x16xf32>,
        %get3A_453 = vector.shape_cast %get3A_452 : vector<1x16xf32> to vector<16xf32>
        %add3A_454 = arith.addf %get3A_449, %get3A_453 : vector<16xf32>
        %swap3A_455 = arith.index_cast %scan3A_402 : i32 to index
        %swap3A_456 = arith.constant 48 : index
        %swap3A_457 = tpu.vector_load %arg13[%swap3A_455, %swap3A_456] {strides = array<i32>} : memref<128x64xf32, #tpu.memory_space<vmem>>, vector<1x16xf32>,
        %swap3A_458 = vector.shape_cast %swap3A_457 : vector<1x16xf32> to vector<16xf32>
        %swap3A_459 = vector.shape_cast %add3A_454 : vector<16xf32> to vector<1x16xf32>
        tpu.vector_store %arg13[%swap3A_455, %swap3A_456], %swap3A_459 {strides = array<i32>} : memref<128x64xf32, #tpu.memory_space<vmem>>, vector<1x16xf32>,
        %scan3A_460 = arith.constant 3 : i32
        %scan3A_461 = arith.addi %scan3A_286, %scan3A_460 : i32
        %add3A_462 = arith.addi %rem3A_154, %scan3A_461 : i32
        %get3A_463 = arith.index_cast %scan3A_461 : i32 to index
        %get3A_464 = arith.constant 0 : index
        %get3A_465 = tpu.vector_load %arg8[%get3A_463, %get3A_464] {strides = array<i32>} : memref<128x64xf32, #tpu.memory_space<vmem>>, vector<1x16xf32>,
        %get3A_466 = vector.shape_cast %get3A_465 : vector<1x16xf32> to vector<16xf32>
        %get3A_467 = arith.index_cast %add3A_462 : i32 to index
        %get3A_468 = arith.constant 0 : index
        %get3A_469 = tpu.vector_load %arg17[%get3A_467, %get3A_468] {strides = array<i32>} : memref<400x64xf32, #tpu.memory_space<vmem>>, vector<1x16xf32>,
        %get3A_470 = vector.shape_cast %get3A_469 : vector<1x16xf32> to vector<16xf32>
        %add3A_471 = arith.addf %get3A_466, %get3A_470 : vector<16xf32>
        %swap3A_472 = arith.index_cast %scan3A_461 : i32 to index
        %swap3A_473 = arith.constant 0 : index
        %swap3A_474 = tpu.vector_load %arg13[%swap3A_472, %swap3A_473] {strides = array<i32>} : memref<128x64xf32, #tpu.memory_space<vmem>>, vector<1x16xf32>,
        %swap3A_475 = vector.shape_cast %swap3A_474 : vector<1x16xf32> to vector<16xf32>
        %swap3A_476 = vector.shape_cast %add3A_471 : vector<16xf32> to vector<1x16xf32>
        tpu.vector_store %arg13[%swap3A_472, %swap3A_473], %swap3A_476 {strides = array<i32>} : memref<128x64xf32, #tpu.memory_space<vmem>>, vector<1x16xf32>,
        %get3A_477 = arith.index_cast %scan3A_461 : i32 to index
        %get3A_478 = arith.constant 16 : index
        %get3A_479 = tpu.vector_load %arg8[%get3A_477, %get3A_478] {strides = array<i32>} : memref<128x64xf32, #tpu.memory_space<vmem>>, vector<1x16xf32>,
        %get3A_480 = vector.shape_cast %get3A_479 : vector<1x16xf32> to vector<16xf32>
        %get3A_481 = arith.index_cast %add3A_462 : i32 to index
        %get3A_482 = arith.constant 16 : index
        %get3A_483 = tpu.vector_load %arg17[%get3A_481, %get3A_482] {strides = array<i32>} : memref<400x64xf32, #tpu.memory_space<vmem>>, vector<1x16xf32>,
        %get3A_484 = vector.shape_cast %get3A_483 : vector<1x16xf32> to vector<16xf32>
        %add3A_485 = arith.addf %get3A_480, %get3A_484 : vector<16xf32>
        %swap3A_486 = arith.index_cast %scan3A_461 : i32 to index
        %swap3A_487 = arith.constant 16 : index
        %swap3A_488 = tpu.vector_load %arg13[%swap3A_486, %swap3A_487] {strides = array<i32>} : memref<128x64xf32, #tpu.memory_space<vmem>>, vector<1x16xf32>,
        %swap3A_489 = vector.shape_cast %swap3A_488 : vector<1x16xf32> to vector<16xf32>
        %swap3A_490 = vector.shape_cast %add3A_485 : vector<16xf32> to vector<1x16xf32>
        tpu.vector_store %arg13[%swap3A_486, %swap3A_487], %swap3A_490 {strides = array<i32>} : memref<128x64xf32, #tpu.memory_space<vmem>>, vector<1x16xf32>,
        %get3A_491 = arith.index_cast %scan3A_461 : i32 to index
        %get3A_492 = arith.constant 32 : index
        %get3A_493 = tpu.vector_load %arg8[%get3A_491, %get3A_492] {strides = array<i32>} : memref<128x64xf32, #tpu.memory_space<vmem>>, vector<1x16xf32>,
        %get3A_494 = vector.shape_cast %get3A_493 : vector<1x16xf32> to vector<16xf32>
        %get3A_495 = arith.index_cast %add3A_462 : i32 to index
        %get3A_496 = arith.constant 32 : index
        %get3A_497 = tpu.vector_load %arg17[%get3A_495, %get3A_496] {strides = array<i32>} : memref<400x64xf32, #tpu.memory_space<vmem>>, vector<1x16xf32>,
        %get3A_498 = vector.shape_cast %get3A_497 : vector<1x16xf32> to vector<16xf32>
        %add3A_499 = arith.addf %get3A_494, %get3A_498 : vector<16xf32>
        %swap3A_500 = arith.index_cast %scan3A_461 : i32 to index
        %swap3A_501 = arith.constant 32 : index
        %swap3A_502 = tpu.vector_load %arg13[%swap3A_500, %swap3A_501] {strides = array<i32>} : memref<128x64xf32, #tpu.memory_space<vmem>>, vector<1x16xf32>,
        %swap3A_503 = vector.shape_cast %swap3A_502 : vector<1x16xf32> to vector<16xf32>
        %swap3A_504 = vector.shape_cast %add3A_499 : vector<16xf32> to vector<1x16xf32>
        tpu.vector_store %arg13[%swap3A_500, %swap3A_501], %swap3A_504 {strides = array<i32>} : memref<128x64xf32, #tpu.memory_space<vmem>>, vector<1x16xf32>,
        %get3A_505 = arith.index_cast %scan3A_461 : i32 to index
        %get3A_506 = arith.constant 48 : index
        %get3A_507 = tpu.vector_load %arg8[%get3A_505, %get3A_506] {strides = array<i32>} : memref<128x64xf32, #tpu.memory_space<vmem>>, vector<1x16xf32>,
        %get3A_508 = vector.shape_cast %get3A_507 : vector<1x16xf32> to vector<16xf32>
        %get3A_509 = arith.index_cast %add3A_462 : i32 to index
        %get3A_510 = arith.constant 48 : index
        %get3A_511 = tpu.vector_load %arg17[%get3A_509, %get3A_510] {strides = array<i32>} : memref<400x64xf32, #tpu.memory_space<vmem>>, vector<1x16xf32>,
        %get3A_512 = vector.shape_cast %get3A_511 : vector<1x16xf32> to vector<16xf32>
        %add3A_513 = arith.addf %get3A_508, %get3A_512 : vector<16xf32>
        %swap3A_514 = arith.index_cast %scan3A_461 : i32 to index
        %swap3A_515 = arith.constant 48 : index
        %swap3A_516 = tpu.vector_load %arg13[%swap3A_514, %swap3A_515] {strides = array<i32>} : memref<128x64xf32, #tpu.memory_space<vmem>>, vector<1x16xf32>,
        %swap3A_517 = vector.shape_cast %swap3A_516 : vector<1x16xf32> to vector<16xf32>
        %swap3A_518 = vector.shape_cast %add3A_513 : vector<16xf32> to vector<1x16xf32>
        tpu.vector_store %arg13[%swap3A_514, %swap3A_515], %swap3A_518 {strides = array<i32>} : memref<128x64xf32, #tpu.memory_space<vmem>>, vector<1x16xf32>,
      }
      %scan3A_160 = arith.constant 128 : i32
      %add3A_161 = arith.constant 5 : i32
      %add3A_162 = arith.addi %add3A_137, %add3A_161 : i32
      %lt3A_163 = arith.constant 50 : i32
      %lt3A_164 = arith.cmpi slt, %add3A_162, %lt3A_163 : i32
      %convert_element_type3A_165 = arith.extui %lt3A_164 : i1 to i32
      %cond3A_166 = arith.constant 0 : i32
      %cond3A_167 = arith.cmpi ne, %convert_element_type3A_165, %cond3A_166 : i32
      scf.if %cond3A_167 {
        %add3A_286 = arith.constant 5 : i32
        %add3A_287 = arith.addi %add3A_137, %add3A_286 : i32
        %dma_start3A_288 = arith.constant 0 : i32
        %dma_start3A_289 = tpu.memref_slice %arg6[%add3A_287, %dma_start3A_288] : memref<50x128xi32, #tpu.memory_space<vmem>> -> memref<1x128xi32, #tpu.memory_space<vmem>>
        %dma_start3A_290 = tpu.memref_squeeze %dma_start3A_289 : memref<1x128xi32, #tpu.memory_space<vmem>> -> memref<128xi32, #tpu.memory_space<vmem>>
        %dma_start3A_291 = arith.constant 0 : i32
        %dma_start3A_292 = arith.constant 0 : i32
        %dma_start3A_293 = tpu.memref_slice %arg3[%dma_start3A_291, %dma_start3A_292] : memref<1000000x64xf32, #tpu.memory_space<hbm>> -> memref<1000000x64xf32, #tpu.memory_space<hbm>>
        tpu.enqueue_indirect_dma source(%dma_start3A_293 : memref<1000000x64xf32, #tpu.memory_space<hbm>>) target(%arg8 : memref<128x64xf32, #tpu.memory_space<vmem>>) offsets(%dma_start3A_290 : memref<128xi32, #tpu.memory_space<vmem>>) semaphore(%arg19 : memref<!tpu.dma_semaphore, #tpu.memory_space<semaphore_mem>>)
      } else {
      }
      %dma_start3A_168 = arith.constant 0 : i32
      %dma_start3A_169 = tpu.memref_slice %arg5[%mul3A_140, %dma_start3A_168] : memref<204800x64xf32, #tpu.memory_space<hbm>> -> memref<128x64xf32, #tpu.memory_space<hbm>>
      %dma_start3A_170 = arith.constant 0 : i32
      %dma_start3A_171 = tpu.memref_slice %arg5[%mul3A_140, %dma_start3A_170] : memref<204800x64xf32, #tpu.memory_space<hbm>> -> memref<128x64xf32, #tpu.memory_space<hbm>>
      tpu.enqueue_dma source(%arg13 : memref<128x64xf32, #tpu.memory_space<vmem>>) target(%dma_start3A_171 : memref<128x64xf32, #tpu.memory_space<hbm>>) target_semaphore(%arg24 : memref<!tpu.dma_semaphore, #tpu.memory_space<semaphore_mem>>)
      %mul3A_172 = arith.constant 5 : i32
      %mul3A_173 = arith.muli %mul3A_172, %scan3A_100 : i32
      %add3A_174 = arith.constant 2 : i32
      %add3A_175 = arith.addi %mul3A_173, %add3A_174 : i32
      %add3A_176 = arith.addi %mul3A_2, %add3A_175 : i32
      %mul3A_177 = arith.constant 128 : i32
      %mul3A_178 = arith.muli %add3A_176, %mul3A_177 : i32
      %dma_wait3A_179 = arith.constant 2 : i32
      %dma_wait3A_180 = arith.constant 0 : i32
      %dma_wait3A_181 = tpu.memref_slice %arg6[%dma_wait3A_179, %dma_wait3A_180] : memref<50x128xi32, #tpu.memory_space<vmem>> -> memref<1x128xi32, #tpu.memory_space<vmem>>
      %dma_wait3A_182 = tpu.memref_squeeze %dma_wait3A_181 : memref<1x128xi32, #tpu.memory_space<vmem>> -> memref<128xi32, #tpu.memory_space<vmem>>
      %dma_wait3A_183 = arith.constant 0 : i32
      %dma_wait3A_184 = arith.constant 0 : i32
      %dma_wait3A_185 = tpu.memref_slice %arg3[%dma_wait3A_183, %dma_wait3A_184] : memref<1000000x64xf32, #tpu.memory_space<hbm>> -> memref<1000000x64xf32, #tpu.memory_space<hbm>>
      tpu.wait_indirect_dma semaphore(%arg20 : memref<!tpu.dma_semaphore, #tpu.memory_space<semaphore_mem>>) src(%dma_wait3A_185 : memref<1000000x64xf32, #tpu.memory_space<hbm>>) dst(%arg9 : memref<128x64xf32, #tpu.memory_space<vmem>>)
      %gt3A_186 = arith.constant 0 : i32
      %gt3A_187 = arith.cmpi sgt, %scan3A_100, %gt3A_186 : i32
      %convert_element_type3A_188 = arith.extui %gt3A_187 : i1 to i32
      %cond3A_189 = arith.constant 0 : i32
      %cond3A_190 = arith.cmpi ne, %convert_element_type3A_188, %cond3A_189 : i32
      scf.if %cond3A_190 {
        %sub3A_286 = arith.constant 5 : i32
        %sub3A_287 = arith.subi %add3A_176, %sub3A_286 : i32
        %mul3A_288 = arith.constant 128 : i32
        %mul3A_289 = arith.muli %sub3A_287, %mul3A_288 : i32
        %dma_wait3A_290 = arith.constant 0 : i32
        %dma_wait3A_291 = tpu.memref_slice %arg5[%mul3A_289, %dma_wait3A_290] : memref<204800x64xf32, #tpu.memory_space<hbm>> -> memref<128x64xf32, #tpu.memory_space<hbm>>
        %dma_wait3A_292 = arith.constant 0 : i32
        %dma_wait3A_293 = tpu.memref_slice %arg5[%mul3A_289, %dma_wait3A_292] : memref<204800x64xf32, #tpu.memory_space<hbm>> -> memref<128x64xf32, #tpu.memory_space<hbm>>
        tpu.wait_dma2 semaphore(%arg25 : memref<!tpu.dma_semaphore, #tpu.memory_space<semaphore_mem>>) src(%arg14 : memref<128x64xf32, #tpu.memory_space<vmem>>) dst(%dma_wait3A_293 : memref<128x64xf32, #tpu.memory_space<hbm>>)
      } else {
      }
      %rem3A_191 = arith.constant 200 : i32
      %rem3A_192 = arith.remsi %mul3A_178, %rem3A_191 : i32
      %scan3A_193 = arith.constant 0 : i32
      %scan3A_194 = arith.constant 0 : i32
      %scan3A_195 = arith.constant 128 : i32
      %scan3A_196 = arith.addi %scan3A_194, %scan3A_195 : i32
      %scan3A_197 = arith.constant 4 : i32
      scf.for %scan3A_286 = %scan3A_194 to %scan3A_196 step %scan3A_197  : i32 {
        %add3A_287 = arith.addi %rem3A_192, %scan3A_286 : i32
        %get3A = arith.index_cast %scan3A_286 : i32 to index
        %get3A_288 = arith.constant 0 : index
        %get3A_289 = tpu.vector_load %arg9[%get3A, %get3A_288] {strides = array<i32>} : memref<128x64xf32, #tpu.memory_space<vmem>>, vector<1x16xf32>,
        %get3A_290 = vector.shape_cast %get3A_289 : vector<1x16xf32> to vector<16xf32>
        %get3A_291 = arith.index_cast %add3A_287 : i32 to index
        %get3A_292 = arith.constant 0 : index
        %get3A_293 = tpu.vector_load %arg17[%get3A_291, %get3A_292] {strides = array<i32>} : memref<400x64xf32, #tpu.memory_space<vmem>>, vector<1x16xf32>,
        %get3A_294 = vector.shape_cast %get3A_293 : vector<1x16xf32> to vector<16xf32>
        %add3A_295 = arith.addf %get3A_290, %get3A_294 : vector<16xf32>
        %swap3A = arith.index_cast %scan3A_286 : i32 to index
        %swap3A_296 = arith.constant 0 : index
        %swap3A_297 = tpu.vector_load %arg14[%swap3A, %swap3A_296] {strides = array<i32>} : memref<128x64xf32, #tpu.memory_space<vmem>>, vector<1x16xf32>,
        %swap3A_298 = vector.shape_cast %swap3A_297 : vector<1x16xf32> to vector<16xf32>
        %swap3A_299 = vector.shape_cast %add3A_295 : vector<16xf32> to vector<1x16xf32>
        tpu.vector_store %arg14[%swap3A, %swap3A_296], %swap3A_299 {strides = array<i32>} : memref<128x64xf32, #tpu.memory_space<vmem>>, vector<1x16xf32>,
        %get3A_300 = arith.index_cast %scan3A_286 : i32 to index
        %get3A_301 = arith.constant 16 : index
        %get3A_302 = tpu.vector_load %arg9[%get3A_300, %get3A_301] {strides = array<i32>} : memref<128x64xf32, #tpu.memory_space<vmem>>, vector<1x16xf32>,
        %get3A_303 = vector.shape_cast %get3A_302 : vector<1x16xf32> to vector<16xf32>
        %get3A_304 = arith.index_cast %add3A_287 : i32 to index
        %get3A_305 = arith.constant 16 : index
        %get3A_306 = tpu.vector_load %arg17[%get3A_304, %get3A_305] {strides = array<i32>} : memref<400x64xf32, #tpu.memory_space<vmem>>, vector<1x16xf32>,
        %get3A_307 = vector.shape_cast %get3A_306 : vector<1x16xf32> to vector<16xf32>
        %add3A_308 = arith.addf %get3A_303, %get3A_307 : vector<16xf32>
        %swap3A_309 = arith.index_cast %scan3A_286 : i32 to index
        %swap3A_310 = arith.constant 16 : index
        %swap3A_311 = tpu.vector_load %arg14[%swap3A_309, %swap3A_310] {strides = array<i32>} : memref<128x64xf32, #tpu.memory_space<vmem>>, vector<1x16xf32>,
        %swap3A_312 = vector.shape_cast %swap3A_311 : vector<1x16xf32> to vector<16xf32>
        %swap3A_313 = vector.shape_cast %add3A_308 : vector<16xf32> to vector<1x16xf32>
        tpu.vector_store %arg14[%swap3A_309, %swap3A_310], %swap3A_313 {strides = array<i32>} : memref<128x64xf32, #tpu.memory_space<vmem>>, vector<1x16xf32>,
        %get3A_314 = arith.index_cast %scan3A_286 : i32 to index
        %get3A_315 = arith.constant 32 : index
        %get3A_316 = tpu.vector_load %arg9[%get3A_314, %get3A_315] {strides = array<i32>} : memref<128x64xf32, #tpu.memory_space<vmem>>, vector<1x16xf32>,
        %get3A_317 = vector.shape_cast %get3A_316 : vector<1x16xf32> to vector<16xf32>
        %get3A_318 = arith.index_cast %add3A_287 : i32 to index
        %get3A_319 = arith.constant 32 : index
        %get3A_320 = tpu.vector_load %arg17[%get3A_318, %get3A_319] {strides = array<i32>} : memref<400x64xf32, #tpu.memory_space<vmem>>, vector<1x16xf32>,
        %get3A_321 = vector.shape_cast %get3A_320 : vector<1x16xf32> to vector<16xf32>
        %add3A_322 = arith.addf %get3A_317, %get3A_321 : vector<16xf32>
        %swap3A_323 = arith.index_cast %scan3A_286 : i32 to index
        %swap3A_324 = arith.constant 32 : index
        %swap3A_325 = tpu.vector_load %arg14[%swap3A_323, %swap3A_324] {strides = array<i32>} : memref<128x64xf32, #tpu.memory_space<vmem>>, vector<1x16xf32>,
        %swap3A_326 = vector.shape_cast %swap3A_325 : vector<1x16xf32> to vector<16xf32>
        %swap3A_327 = vector.shape_cast %add3A_322 : vector<16xf32> to vector<1x16xf32>
        tpu.vector_store %arg14[%swap3A_323, %swap3A_324], %swap3A_327 {strides = array<i32>} : memref<128x64xf32, #tpu.memory_space<vmem>>, vector<1x16xf32>,
        %get3A_328 = arith.index_cast %scan3A_286 : i32 to index
        %get3A_329 = arith.constant 48 : index
        %get3A_330 = tpu.vector_load %arg9[%get3A_328, %get3A_329] {strides = array<i32>} : memref<128x64xf32, #tpu.memory_space<vmem>>, vector<1x16xf32>,
        %get3A_331 = vector.shape_cast %get3A_330 : vector<1x16xf32> to vector<16xf32>
        %get3A_332 = arith.index_cast %add3A_287 : i32 to index
        %get3A_333 = arith.constant 48 : index
        %get3A_334 = tpu.vector_load %arg17[%get3A_332, %get3A_333] {strides = array<i32>} : memref<400x64xf32, #tpu.memory_space<vmem>>, vector<1x16xf32>,
        %get3A_335 = vector.shape_cast %get3A_334 : vector<1x16xf32> to vector<16xf32>
        %add3A_336 = arith.addf %get3A_331, %get3A_335 : vector<16xf32>
        %swap3A_337 = arith.index_cast %scan3A_286 : i32 to index
        %swap3A_338 = arith.constant 48 : index
        %swap3A_339 = tpu.vector_load %arg14[%swap3A_337, %swap3A_338] {strides = array<i32>} : memref<128x64xf32, #tpu.memory_space<vmem>>, vector<1x16xf32>,
        %swap3A_340 = vector.shape_cast %swap3A_339 : vector<1x16xf32> to vector<16xf32>
        %swap3A_341 = vector.shape_cast %add3A_336 : vector<16xf32> to vector<1x16xf32>
        tpu.vector_store %arg14[%swap3A_337, %swap3A_338], %swap3A_341 {strides = array<i32>} : memref<128x64xf32, #tpu.memory_space<vmem>>, vector<1x16xf32>,
        %scan3A_342 = arith.constant 1 : i32
        %scan3A_343 = arith.addi %scan3A_286, %scan3A_342 : i32
        %add3A_344 = arith.addi %rem3A_192, %scan3A_343 : i32
        %get3A_345 = arith.index_cast %scan3A_343 : i32 to index
        %get3A_346 = arith.constant 0 : index
        %get3A_347 = tpu.vector_load %arg9[%get3A_345, %get3A_346] {strides = array<i32>} : memref<128x64xf32, #tpu.memory_space<vmem>>, vector<1x16xf32>,
        %get3A_348 = vector.shape_cast %get3A_347 : vector<1x16xf32> to vector<16xf32>
        %get3A_349 = arith.index_cast %add3A_344 : i32 to index
        %get3A_350 = arith.constant 0 : index
        %get3A_351 = tpu.vector_load %arg17[%get3A_349, %get3A_350] {strides = array<i32>} : memref<400x64xf32, #tpu.memory_space<vmem>>, vector<1x16xf32>,
        %get3A_352 = vector.shape_cast %get3A_351 : vector<1x16xf32> to vector<16xf32>
        %add3A_353 = arith.addf %get3A_348, %get3A_352 : vector<16xf32>
        %swap3A_354 = arith.index_cast %scan3A_343 : i32 to index
        %swap3A_355 = arith.constant 0 : index
        %swap3A_356 = tpu.vector_load %arg14[%swap3A_354, %swap3A_355] {strides = array<i32>} : memref<128x64xf32, #tpu.memory_space<vmem>>, vector<1x16xf32>,
        %swap3A_357 = vector.shape_cast %swap3A_356 : vector<1x16xf32> to vector<16xf32>
        %swap3A_358 = vector.shape_cast %add3A_353 : vector<16xf32> to vector<1x16xf32>
        tpu.vector_store %arg14[%swap3A_354, %swap3A_355], %swap3A_358 {strides = array<i32>} : memref<128x64xf32, #tpu.memory_space<vmem>>, vector<1x16xf32>,
        %get3A_359 = arith.index_cast %scan3A_343 : i32 to index
        %get3A_360 = arith.constant 16 : index
        %get3A_361 = tpu.vector_load %arg9[%get3A_359, %get3A_360] {strides = array<i32>} : memref<128x64xf32, #tpu.memory_space<vmem>>, vector<1x16xf32>,
        %get3A_362 = vector.shape_cast %get3A_361 : vector<1x16xf32> to vector<16xf32>
        %get3A_363 = arith.index_cast %add3A_344 : i32 to index
        %get3A_364 = arith.constant 16 : index
        %get3A_365 = tpu.vector_load %arg17[%get3A_363, %get3A_364] {strides = array<i32>} : memref<400x64xf32, #tpu.memory_space<vmem>>, vector<1x16xf32>,
        %get3A_366 = vector.shape_cast %get3A_365 : vector<1x16xf32> to vector<16xf32>
        %add3A_367 = arith.addf %get3A_362, %get3A_366 : vector<16xf32>
        %swap3A_368 = arith.index_cast %scan3A_343 : i32 to index
        %swap3A_369 = arith.constant 16 : index
        %swap3A_370 = tpu.vector_load %arg14[%swap3A_368, %swap3A_369] {strides = array<i32>} : memref<128x64xf32, #tpu.memory_space<vmem>>, vector<1x16xf32>,
        %swap3A_371 = vector.shape_cast %swap3A_370 : vector<1x16xf32> to vector<16xf32>
        %swap3A_372 = vector.shape_cast %add3A_367 : vector<16xf32> to vector<1x16xf32>
        tpu.vector_store %arg14[%swap3A_368, %swap3A_369], %swap3A_372 {strides = array<i32>} : memref<128x64xf32, #tpu.memory_space<vmem>>, vector<1x16xf32>,
        %get3A_373 = arith.index_cast %scan3A_343 : i32 to index
        %get3A_374 = arith.constant 32 : index
        %get3A_375 = tpu.vector_load %arg9[%get3A_373, %get3A_374] {strides = array<i32>} : memref<128x64xf32, #tpu.memory_space<vmem>>, vector<1x16xf32>,
        %get3A_376 = vector.shape_cast %get3A_375 : vector<1x16xf32> to vector<16xf32>
        %get3A_377 = arith.index_cast %add3A_344 : i32 to index
        %get3A_378 = arith.constant 32 : index
        %get3A_379 = tpu.vector_load %arg17[%get3A_377, %get3A_378] {strides = array<i32>} : memref<400x64xf32, #tpu.memory_space<vmem>>, vector<1x16xf32>,
        %get3A_380 = vector.shape_cast %get3A_379 : vector<1x16xf32> to vector<16xf32>
        %add3A_381 = arith.addf %get3A_376, %get3A_380 : vector<16xf32>
        %swap3A_382 = arith.index_cast %scan3A_343 : i32 to index
        %swap3A_383 = arith.constant 32 : index
        %swap3A_384 = tpu.vector_load %arg14[%swap3A_382, %swap3A_383] {strides = array<i32>} : memref<128x64xf32, #tpu.memory_space<vmem>>, vector<1x16xf32>,
        %swap3A_385 = vector.shape_cast %swap3A_384 : vector<1x16xf32> to vector<16xf32>
        %swap3A_386 = vector.shape_cast %add3A_381 : vector<16xf32> to vector<1x16xf32>
        tpu.vector_store %arg14[%swap3A_382, %swap3A_383], %swap3A_386 {strides = array<i32>} : memref<128x64xf32, #tpu.memory_space<vmem>>, vector<1x16xf32>,
        %get3A_387 = arith.index_cast %scan3A_343 : i32 to index
        %get3A_388 = arith.constant 48 : index
        %get3A_389 = tpu.vector_load %arg9[%get3A_387, %get3A_388] {strides = array<i32>} : memref<128x64xf32, #tpu.memory_space<vmem>>, vector<1x16xf32>,
        %get3A_390 = vector.shape_cast %get3A_389 : vector<1x16xf32> to vector<16xf32>
        %get3A_391 = arith.index_cast %add3A_344 : i32 to index
        %get3A_392 = arith.constant 48 : index
        %get3A_393 = tpu.vector_load %arg17[%get3A_391, %get3A_392] {strides = array<i32>} : memref<400x64xf32, #tpu.memory_space<vmem>>, vector<1x16xf32>,
        %get3A_394 = vector.shape_cast %get3A_393 : vector<1x16xf32> to vector<16xf32>
        %add3A_395 = arith.addf %get3A_390, %get3A_394 : vector<16xf32>
        %swap3A_396 = arith.index_cast %scan3A_343 : i32 to index
        %swap3A_397 = arith.constant 48 : index
        %swap3A_398 = tpu.vector_load %arg14[%swap3A_396, %swap3A_397] {strides = array<i32>} : memref<128x64xf32, #tpu.memory_space<vmem>>, vector<1x16xf32>,
        %swap3A_399 = vector.shape_cast %swap3A_398 : vector<1x16xf32> to vector<16xf32>
        %swap3A_400 = vector.shape_cast %add3A_395 : vector<16xf32> to vector<1x16xf32>
        tpu.vector_store %arg14[%swap3A_396, %swap3A_397], %swap3A_400 {strides = array<i32>} : memref<128x64xf32, #tpu.memory_space<vmem>>, vector<1x16xf32>,
        %scan3A_401 = arith.constant 2 : i32
        %scan3A_402 = arith.addi %scan3A_286, %scan3A_401 : i32
        %add3A_403 = arith.addi %rem3A_192, %scan3A_402 : i32
        %get3A_404 = arith.index_cast %scan3A_402 : i32 to index
        %get3A_405 = arith.constant 0 : index
        %get3A_406 = tpu.vector_load %arg9[%get3A_404, %get3A_405] {strides = array<i32>} : memref<128x64xf32, #tpu.memory_space<vmem>>, vector<1x16xf32>,
        %get3A_407 = vector.shape_cast %get3A_406 : vector<1x16xf32> to vector<16xf32>
        %get3A_408 = arith.index_cast %add3A_403 : i32 to index
        %get3A_409 = arith.constant 0 : index
        %get3A_410 = tpu.vector_load %arg17[%get3A_408, %get3A_409] {strides = array<i32>} : memref<400x64xf32, #tpu.memory_space<vmem>>, vector<1x16xf32>,
        %get3A_411 = vector.shape_cast %get3A_410 : vector<1x16xf32> to vector<16xf32>
        %add3A_412 = arith.addf %get3A_407, %get3A_411 : vector<16xf32>
        %swap3A_413 = arith.index_cast %scan3A_402 : i32 to index
        %swap3A_414 = arith.constant 0 : index
        %swap3A_415 = tpu.vector_load %arg14[%swap3A_413, %swap3A_414] {strides = array<i32>} : memref<128x64xf32, #tpu.memory_space<vmem>>, vector<1x16xf32>,
        %swap3A_416 = vector.shape_cast %swap3A_415 : vector<1x16xf32> to vector<16xf32>
        %swap3A_417 = vector.shape_cast %add3A_412 : vector<16xf32> to vector<1x16xf32>
        tpu.vector_store %arg14[%swap3A_413, %swap3A_414], %swap3A_417 {strides = array<i32>} : memref<128x64xf32, #tpu.memory_space<vmem>>, vector<1x16xf32>,
        %get3A_418 = arith.index_cast %scan3A_402 : i32 to index
        %get3A_419 = arith.constant 16 : index
        %get3A_420 = tpu.vector_load %arg9[%get3A_418, %get3A_419] {strides = array<i32>} : memref<128x64xf32, #tpu.memory_space<vmem>>, vector<1x16xf32>,
        %get3A_421 = vector.shape_cast %get3A_420 : vector<1x16xf32> to vector<16xf32>
        %get3A_422 = arith.index_cast %add3A_403 : i32 to index
        %get3A_423 = arith.constant 16 : index
        %get3A_424 = tpu.vector_load %arg17[%get3A_422, %get3A_423] {strides = array<i32>} : memref<400x64xf32, #tpu.memory_space<vmem>>, vector<1x16xf32>,
        %get3A_425 = vector.shape_cast %get3A_424 : vector<1x16xf32> to vector<16xf32>
        %add3A_426 = arith.addf %get3A_421, %get3A_425 : vector<16xf32>
        %swap3A_427 = arith.index_cast %scan3A_402 : i32 to index
        %swap3A_428 = arith.constant 16 : index
        %swap3A_429 = tpu.vector_load %arg14[%swap3A_427, %swap3A_428] {strides = array<i32>} : memref<128x64xf32, #tpu.memory_space<vmem>>, vector<1x16xf32>,
        %swap3A_430 = vector.shape_cast %swap3A_429 : vector<1x16xf32> to vector<16xf32>
        %swap3A_431 = vector.shape_cast %add3A_426 : vector<16xf32> to vector<1x16xf32>
        tpu.vector_store %arg14[%swap3A_427, %swap3A_428], %swap3A_431 {strides = array<i32>} : memref<128x64xf32, #tpu.memory_space<vmem>>, vector<1x16xf32>,
        %get3A_432 = arith.index_cast %scan3A_402 : i32 to index
        %get3A_433 = arith.constant 32 : index
        %get3A_434 = tpu.vector_load %arg9[%get3A_432, %get3A_433] {strides = array<i32>} : memref<128x64xf32, #tpu.memory_space<vmem>>, vector<1x16xf32>,
        %get3A_435 = vector.shape_cast %get3A_434 : vector<1x16xf32> to vector<16xf32>
        %get3A_436 = arith.index_cast %add3A_403 : i32 to index
        %get3A_437 = arith.constant 32 : index
        %get3A_438 = tpu.vector_load %arg17[%get3A_436, %get3A_437] {strides = array<i32>} : memref<400x64xf32, #tpu.memory_space<vmem>>, vector<1x16xf32>,
        %get3A_439 = vector.shape_cast %get3A_438 : vector<1x16xf32> to vector<16xf32>
        %add3A_440 = arith.addf %get3A_435, %get3A_439 : vector<16xf32>
        %swap3A_441 = arith.index_cast %scan3A_402 : i32 to index
        %swap3A_442 = arith.constant 32 : index
        %swap3A_443 = tpu.vector_load %arg14[%swap3A_441, %swap3A_442] {strides = array<i32>} : memref<128x64xf32, #tpu.memory_space<vmem>>, vector<1x16xf32>,
        %swap3A_444 = vector.shape_cast %swap3A_443 : vector<1x16xf32> to vector<16xf32>
        %swap3A_445 = vector.shape_cast %add3A_440 : vector<16xf32> to vector<1x16xf32>
        tpu.vector_store %arg14[%swap3A_441, %swap3A_442], %swap3A_445 {strides = array<i32>} : memref<128x64xf32, #tpu.memory_space<vmem>>, vector<1x16xf32>,
        %get3A_446 = arith.index_cast %scan3A_402 : i32 to index
        %get3A_447 = arith.constant 48 : index
        %get3A_448 = tpu.vector_load %arg9[%get3A_446, %get3A_447] {strides = array<i32>} : memref<128x64xf32, #tpu.memory_space<vmem>>, vector<1x16xf32>,
        %get3A_449 = vector.shape_cast %get3A_448 : vector<1x16xf32> to vector<16xf32>
        %get3A_450 = arith.index_cast %add3A_403 : i32 to index
        %get3A_451 = arith.constant 48 : index
        %get3A_452 = tpu.vector_load %arg17[%get3A_450, %get3A_451] {strides = array<i32>} : memref<400x64xf32, #tpu.memory_space<vmem>>, vector<1x16xf32>,
        %get3A_453 = vector.shape_cast %get3A_452 : vector<1x16xf32> to vector<16xf32>
        %add3A_454 = arith.addf %get3A_449, %get3A_453 : vector<16xf32>
        %swap3A_455 = arith.index_cast %scan3A_402 : i32 to index
        %swap3A_456 = arith.constant 48 : index
        %swap3A_457 = tpu.vector_load %arg14[%swap3A_455, %swap3A_456] {strides = array<i32>} : memref<128x64xf32, #tpu.memory_space<vmem>>, vector<1x16xf32>,
        %swap3A_458 = vector.shape_cast %swap3A_457 : vector<1x16xf32> to vector<16xf32>
        %swap3A_459 = vector.shape_cast %add3A_454 : vector<16xf32> to vector<1x16xf32>
        tpu.vector_store %arg14[%swap3A_455, %swap3A_456], %swap3A_459 {strides = array<i32>} : memref<128x64xf32, #tpu.memory_space<vmem>>, vector<1x16xf32>,
        %scan3A_460 = arith.constant 3 : i32
        %scan3A_461 = arith.addi %scan3A_286, %scan3A_460 : i32
        %add3A_462 = arith.addi %rem3A_192, %scan3A_461 : i32
        %get3A_463 = arith.index_cast %scan3A_461 : i32 to index
        %get3A_464 = arith.constant 0 : index
        %get3A_465 = tpu.vector_load %arg9[%get3A_463, %get3A_464] {strides = array<i32>} : memref<128x64xf32, #tpu.memory_space<vmem>>, vector<1x16xf32>,
        %get3A_466 = vector.shape_cast %get3A_465 : vector<1x16xf32> to vector<16xf32>
        %get3A_467 = arith.index_cast %add3A_462 : i32 to index
        %get3A_468 = arith.constant 0 : index
        %get3A_469 = tpu.vector_load %arg17[%get3A_467, %get3A_468] {strides = array<i32>} : memref<400x64xf32, #tpu.memory_space<vmem>>, vector<1x16xf32>,
        %get3A_470 = vector.shape_cast %get3A_469 : vector<1x16xf32> to vector<16xf32>
        %add3A_471 = arith.addf %get3A_466, %get3A_470 : vector<16xf32>
        %swap3A_472 = arith.index_cast %scan3A_461 : i32 to index
        %swap3A_473 = arith.constant 0 : index
        %swap3A_474 = tpu.vector_load %arg14[%swap3A_472, %swap3A_473] {strides = array<i32>} : memref<128x64xf32, #tpu.memory_space<vmem>>, vector<1x16xf32>,
        %swap3A_475 = vector.shape_cast %swap3A_474 : vector<1x16xf32> to vector<16xf32>
        %swap3A_476 = vector.shape_cast %add3A_471 : vector<16xf32> to vector<1x16xf32>
        tpu.vector_store %arg14[%swap3A_472, %swap3A_473], %swap3A_476 {strides = array<i32>} : memref<128x64xf32, #tpu.memory_space<vmem>>, vector<1x16xf32>,
        %get3A_477 = arith.index_cast %scan3A_461 : i32 to index
        %get3A_478 = arith.constant 16 : index
        %get3A_479 = tpu.vector_load %arg9[%get3A_477, %get3A_478] {strides = array<i32>} : memref<128x64xf32, #tpu.memory_space<vmem>>, vector<1x16xf32>,
        %get3A_480 = vector.shape_cast %get3A_479 : vector<1x16xf32> to vector<16xf32>
        %get3A_481 = arith.index_cast %add3A_462 : i32 to index
        %get3A_482 = arith.constant 16 : index
        %get3A_483 = tpu.vector_load %arg17[%get3A_481, %get3A_482] {strides = array<i32>} : memref<400x64xf32, #tpu.memory_space<vmem>>, vector<1x16xf32>,
        %get3A_484 = vector.shape_cast %get3A_483 : vector<1x16xf32> to vector<16xf32>
        %add3A_485 = arith.addf %get3A_480, %get3A_484 : vector<16xf32>
        %swap3A_486 = arith.index_cast %scan3A_461 : i32 to index
        %swap3A_487 = arith.constant 16 : index
        %swap3A_488 = tpu.vector_load %arg14[%swap3A_486, %swap3A_487] {strides = array<i32>} : memref<128x64xf32, #tpu.memory_space<vmem>>, vector<1x16xf32>,
        %swap3A_489 = vector.shape_cast %swap3A_488 : vector<1x16xf32> to vector<16xf32>
        %swap3A_490 = vector.shape_cast %add3A_485 : vector<16xf32> to vector<1x16xf32>
        tpu.vector_store %arg14[%swap3A_486, %swap3A_487], %swap3A_490 {strides = array<i32>} : memref<128x64xf32, #tpu.memory_space<vmem>>, vector<1x16xf32>,
        %get3A_491 = arith.index_cast %scan3A_461 : i32 to index
        %get3A_492 = arith.constant 32 : index
        %get3A_493 = tpu.vector_load %arg9[%get3A_491, %get3A_492] {strides = array<i32>} : memref<128x64xf32, #tpu.memory_space<vmem>>, vector<1x16xf32>,
        %get3A_494 = vector.shape_cast %get3A_493 : vector<1x16xf32> to vector<16xf32>
        %get3A_495 = arith.index_cast %add3A_462 : i32 to index
        %get3A_496 = arith.constant 32 : index
        %get3A_497 = tpu.vector_load %arg17[%get3A_495, %get3A_496] {strides = array<i32>} : memref<400x64xf32, #tpu.memory_space<vmem>>, vector<1x16xf32>,
        %get3A_498 = vector.shape_cast %get3A_497 : vector<1x16xf32> to vector<16xf32>
        %add3A_499 = arith.addf %get3A_494, %get3A_498 : vector<16xf32>
        %swap3A_500 = arith.index_cast %scan3A_461 : i32 to index
        %swap3A_501 = arith.constant 32 : index
        %swap3A_502 = tpu.vector_load %arg14[%swap3A_500, %swap3A_501] {strides = array<i32>} : memref<128x64xf32, #tpu.memory_space<vmem>>, vector<1x16xf32>,
        %swap3A_503 = vector.shape_cast %swap3A_502 : vector<1x16xf32> to vector<16xf32>
        %swap3A_504 = vector.shape_cast %add3A_499 : vector<16xf32> to vector<1x16xf32>
        tpu.vector_store %arg14[%swap3A_500, %swap3A_501], %swap3A_504 {strides = array<i32>} : memref<128x64xf32, #tpu.memory_space<vmem>>, vector<1x16xf32>,
        %get3A_505 = arith.index_cast %scan3A_461 : i32 to index
        %get3A_506 = arith.constant 48 : index
        %get3A_507 = tpu.vector_load %arg9[%get3A_505, %get3A_506] {strides = array<i32>} : memref<128x64xf32, #tpu.memory_space<vmem>>, vector<1x16xf32>,
        %get3A_508 = vector.shape_cast %get3A_507 : vector<1x16xf32> to vector<16xf32>
        %get3A_509 = arith.index_cast %add3A_462 : i32 to index
        %get3A_510 = arith.constant 48 : index
        %get3A_511 = tpu.vector_load %arg17[%get3A_509, %get3A_510] {strides = array<i32>} : memref<400x64xf32, #tpu.memory_space<vmem>>, vector<1x16xf32>,
        %get3A_512 = vector.shape_cast %get3A_511 : vector<1x16xf32> to vector<16xf32>
        %add3A_513 = arith.addf %get3A_508, %get3A_512 : vector<16xf32>
        %swap3A_514 = arith.index_cast %scan3A_461 : i32 to index
        %swap3A_515 = arith.constant 48 : index
        %swap3A_516 = tpu.vector_load %arg14[%swap3A_514, %swap3A_515] {strides = array<i32>} : memref<128x64xf32, #tpu.memory_space<vmem>>, vector<1x16xf32>,
        %swap3A_517 = vector.shape_cast %swap3A_516 : vector<1x16xf32> to vector<16xf32>
        %swap3A_518 = vector.shape_cast %add3A_513 : vector<16xf32> to vector<1x16xf32>
        tpu.vector_store %arg14[%swap3A_514, %swap3A_515], %swap3A_518 {strides = array<i32>} : memref<128x64xf32, #tpu.memory_space<vmem>>, vector<1x16xf32>,
      }
      %scan3A_198 = arith.constant 128 : i32
      %add3A_199 = arith.constant 5 : i32
      %add3A_200 = arith.addi %add3A_175, %add3A_199 : i32
      %lt3A_201 = arith.constant 50 : i32
      %lt3A_202 = arith.cmpi slt, %add3A_200, %lt3A_201 : i32
      %convert_element_type3A_203 = arith.extui %lt3A_202 : i1 to i32
      %cond3A_204 = arith.constant 0 : i32
      %cond3A_205 = arith.cmpi ne, %convert_element_type3A_203, %cond3A_204 : i32
      scf.if %cond3A_205 {
        %add3A_286 = arith.constant 5 : i32
        %add3A_287 = arith.addi %add3A_175, %add3A_286 : i32
        %dma_start3A_288 = arith.constant 0 : i32
        %dma_start3A_289 = tpu.memref_slice %arg6[%add3A_287, %dma_start3A_288] : memref<50x128xi32, #tpu.memory_space<vmem>> -> memref<1x128xi32, #tpu.memory_space<vmem>>
        %dma_start3A_290 = tpu.memref_squeeze %dma_start3A_289 : memref<1x128xi32, #tpu.memory_space<vmem>> -> memref<128xi32, #tpu.memory_space<vmem>>
        %dma_start3A_291 = arith.constant 0 : i32
        %dma_start3A_292 = arith.constant 0 : i32
        %dma_start3A_293 = tpu.memref_slice %arg3[%dma_start3A_291, %dma_start3A_292] : memref<1000000x64xf32, #tpu.memory_space<hbm>> -> memref<1000000x64xf32, #tpu.memory_space<hbm>>
        tpu.enqueue_indirect_dma source(%dma_start3A_293 : memref<1000000x64xf32, #tpu.memory_space<hbm>>) target(%arg9 : memref<128x64xf32, #tpu.memory_space<vmem>>) offsets(%dma_start3A_290 : memref<128xi32, #tpu.memory_space<vmem>>) semaphore(%arg20 : memref<!tpu.dma_semaphore, #tpu.memory_space<semaphore_mem>>)
      } else {
      }
      %dma_start3A_206 = arith.constant 0 : i32
      %dma_start3A_207 = tpu.memref_slice %arg5[%mul3A_178, %dma_start3A_206] : memref<204800x64xf32, #tpu.memory_space<hbm>> -> memref<128x64xf32, #tpu.memory_space<hbm>>
      %dma_start3A_208 = arith.constant 0 : i32
      %dma_start3A_209 = tpu.memref_slice %arg5[%mul3A_178, %dma_start3A_208] : memref<204800x64xf32, #tpu.memory_space<hbm>> -> memref<128x64xf32, #tpu.memory_space<hbm>>
      tpu.enqueue_dma source(%arg14 : memref<128x64xf32, #tpu.memory_space<vmem>>) target(%dma_start3A_209 : memref<128x64xf32, #tpu.memory_space<hbm>>) target_semaphore(%arg25 : memref<!tpu.dma_semaphore, #tpu.memory_space<semaphore_mem>>)
      %mul3A_210 = arith.constant 5 : i32
      %mul3A_211 = arith.muli %mul3A_210, %scan3A_100 : i32
      %add3A_212 = arith.constant 3 : i32
      %add3A_213 = arith.addi %mul3A_211, %add3A_212 : i32
      %add3A_214 = arith.addi %mul3A_2, %add3A_213 : i32
      %mul3A_215 = arith.constant 128 : i32
      %mul3A_216 = arith.muli %add3A_214, %mul3A_215 : i32
      %dma_wait3A_217 = arith.constant 3 : i32
      %dma_wait3A_218 = arith.constant 0 : i32
      %dma_wait3A_219 = tpu.memref_slice %arg6[%dma_wait3A_217, %dma_wait3A_218] : memref<50x128xi32, #tpu.memory_space<vmem>> -> memref<1x128xi32, #tpu.memory_space<vmem>>
      %dma_wait3A_220 = tpu.memref_squeeze %dma_wait3A_219 : memref<1x128xi32, #tpu.memory_space<vmem>> -> memref<128xi32, #tpu.memory_space<vmem>>
      %dma_wait3A_221 = arith.constant 0 : i32
      %dma_wait3A_222 = arith.constant 0 : i32
      %dma_wait3A_223 = tpu.memref_slice %arg3[%dma_wait3A_221, %dma_wait3A_222] : memref<1000000x64xf32, #tpu.memory_space<hbm>> -> memref<1000000x64xf32, #tpu.memory_space<hbm>>
      tpu.wait_indirect_dma semaphore(%arg21 : memref<!tpu.dma_semaphore, #tpu.memory_space<semaphore_mem>>) src(%dma_wait3A_223 : memref<1000000x64xf32, #tpu.memory_space<hbm>>) dst(%arg10 : memref<128x64xf32, #tpu.memory_space<vmem>>)
      %gt3A_224 = arith.constant 0 : i32
      %gt3A_225 = arith.cmpi sgt, %scan3A_100, %gt3A_224 : i32
      %convert_element_type3A_226 = arith.extui %gt3A_225 : i1 to i32
      %cond3A_227 = arith.constant 0 : i32
      %cond3A_228 = arith.cmpi ne, %convert_element_type3A_226, %cond3A_227 : i32
      scf.if %cond3A_228 {
        %sub3A_286 = arith.constant 5 : i32
        %sub3A_287 = arith.subi %add3A_214, %sub3A_286 : i32
        %mul3A_288 = arith.constant 128 : i32
        %mul3A_289 = arith.muli %sub3A_287, %mul3A_288 : i32
        %dma_wait3A_290 = arith.constant 0 : i32
        %dma_wait3A_291 = tpu.memref_slice %arg5[%mul3A_289, %dma_wait3A_290] : memref<204800x64xf32, #tpu.memory_space<hbm>> -> memref<128x64xf32, #tpu.memory_space<hbm>>
        %dma_wait3A_292 = arith.constant 0 : i32
        %dma_wait3A_293 = tpu.memref_slice %arg5[%mul3A_289, %dma_wait3A_292] : memref<204800x64xf32, #tpu.memory_space<hbm>> -> memref<128x64xf32, #tpu.memory_space<hbm>>
        tpu.wait_dma2 semaphore(%arg26 : memref<!tpu.dma_semaphore, #tpu.memory_space<semaphore_mem>>) src(%arg15 : memref<128x64xf32, #tpu.memory_space<vmem>>) dst(%dma_wait3A_293 : memref<128x64xf32, #tpu.memory_space<hbm>>)
      } else {
      }
      %rem3A_229 = arith.constant 200 : i32
      %rem3A_230 = arith.remsi %mul3A_216, %rem3A_229 : i32
      %scan3A_231 = arith.constant 0 : i32
      %scan3A_232 = arith.constant 0 : i32
      %scan3A_233 = arith.constant 128 : i32
      %scan3A_234 = arith.addi %scan3A_232, %scan3A_233 : i32
      %scan3A_235 = arith.constant 4 : i32
      scf.for %scan3A_286 = %scan3A_232 to %scan3A_234 step %scan3A_235  : i32 {
        %add3A_287 = arith.addi %rem3A_230, %scan3A_286 : i32
        %get3A = arith.index_cast %scan3A_286 : i32 to index
        %get3A_288 = arith.constant 0 : index
        %get3A_289 = tpu.vector_load %arg10[%get3A, %get3A_288] {strides = array<i32>} : memref<128x64xf32, #tpu.memory_space<vmem>>, vector<1x16xf32>,
        %get3A_290 = vector.shape_cast %get3A_289 : vector<1x16xf32> to vector<16xf32>
        %get3A_291 = arith.index_cast %add3A_287 : i32 to index
        %get3A_292 = arith.constant 0 : index
        %get3A_293 = tpu.vector_load %arg17[%get3A_291, %get3A_292] {strides = array<i32>} : memref<400x64xf32, #tpu.memory_space<vmem>>, vector<1x16xf32>,
        %get3A_294 = vector.shape_cast %get3A_293 : vector<1x16xf32> to vector<16xf32>
        %add3A_295 = arith.addf %get3A_290, %get3A_294 : vector<16xf32>
        %swap3A = arith.index_cast %scan3A_286 : i32 to index
        %swap3A_296 = arith.constant 0 : index
        %swap3A_297 = tpu.vector_load %arg15[%swap3A, %swap3A_296] {strides = array<i32>} : memref<128x64xf32, #tpu.memory_space<vmem>>, vector<1x16xf32>,
        %swap3A_298 = vector.shape_cast %swap3A_297 : vector<1x16xf32> to vector<16xf32>
        %swap3A_299 = vector.shape_cast %add3A_295 : vector<16xf32> to vector<1x16xf32>
        tpu.vector_store %arg15[%swap3A, %swap3A_296], %swap3A_299 {strides = array<i32>} : memref<128x64xf32, #tpu.memory_space<vmem>>, vector<1x16xf32>,
        %get3A_300 = arith.index_cast %scan3A_286 : i32 to index
        %get3A_301 = arith.constant 16 : index
        %get3A_302 = tpu.vector_load %arg10[%get3A_300, %get3A_301] {strides = array<i32>} : memref<128x64xf32, #tpu.memory_space<vmem>>, vector<1x16xf32>,
        %get3A_303 = vector.shape_cast %get3A_302 : vector<1x16xf32> to vector<16xf32>
        %get3A_304 = arith.index_cast %add3A_287 : i32 to index
        %get3A_305 = arith.constant 16 : index
        %get3A_306 = tpu.vector_load %arg17[%get3A_304, %get3A_305] {strides = array<i32>} : memref<400x64xf32, #tpu.memory_space<vmem>>, vector<1x16xf32>,
        %get3A_307 = vector.shape_cast %get3A_306 : vector<1x16xf32> to vector<16xf32>
        %add3A_308 = arith.addf %get3A_303, %get3A_307 : vector<16xf32>
        %swap3A_309 = arith.index_cast %scan3A_286 : i32 to index
        %swap3A_310 = arith.constant 16 : index
        %swap3A_311 = tpu.vector_load %arg15[%swap3A_309, %swap3A_310] {strides = array<i32>} : memref<128x64xf32, #tpu.memory_space<vmem>>, vector<1x16xf32>,
        %swap3A_312 = vector.shape_cast %swap3A_311 : vector<1x16xf32> to vector<16xf32>
        %swap3A_313 = vector.shape_cast %add3A_308 : vector<16xf32> to vector<1x16xf32>
        tpu.vector_store %arg15[%swap3A_309, %swap3A_310], %swap3A_313 {strides = array<i32>} : memref<128x64xf32, #tpu.memory_space<vmem>>, vector<1x16xf32>,
        %get3A_314 = arith.index_cast %scan3A_286 : i32 to index
        %get3A_315 = arith.constant 32 : index
        %get3A_316 = tpu.vector_load %arg10[%get3A_314, %get3A_315] {strides = array<i32>} : memref<128x64xf32, #tpu.memory_space<vmem>>, vector<1x16xf32>,
        %get3A_317 = vector.shape_cast %get3A_316 : vector<1x16xf32> to vector<16xf32>
        %get3A_318 = arith.index_cast %add3A_287 : i32 to index
        %get3A_319 = arith.constant 32 : index
        %get3A_320 = tpu.vector_load %arg17[%get3A_318, %get3A_319] {strides = array<i32>} : memref<400x64xf32, #tpu.memory_space<vmem>>, vector<1x16xf32>,
        %get3A_321 = vector.shape_cast %get3A_320 : vector<1x16xf32> to vector<16xf32>
        %add3A_322 = arith.addf %get3A_317, %get3A_321 : vector<16xf32>
        %swap3A_323 = arith.index_cast %scan3A_286 : i32 to index
        %swap3A_324 = arith.constant 32 : index
        %swap3A_325 = tpu.vector_load %arg15[%swap3A_323, %swap3A_324] {strides = array<i32>} : memref<128x64xf32, #tpu.memory_space<vmem>>, vector<1x16xf32>,
        %swap3A_326 = vector.shape_cast %swap3A_325 : vector<1x16xf32> to vector<16xf32>
        %swap3A_327 = vector.shape_cast %add3A_322 : vector<16xf32> to vector<1x16xf32>
        tpu.vector_store %arg15[%swap3A_323, %swap3A_324], %swap3A_327 {strides = array<i32>} : memref<128x64xf32, #tpu.memory_space<vmem>>, vector<1x16xf32>,
        %get3A_328 = arith.index_cast %scan3A_286 : i32 to index
        %get3A_329 = arith.constant 48 : index
        %get3A_330 = tpu.vector_load %arg10[%get3A_328, %get3A_329] {strides = array<i32>} : memref<128x64xf32, #tpu.memory_space<vmem>>, vector<1x16xf32>,
        %get3A_331 = vector.shape_cast %get3A_330 : vector<1x16xf32> to vector<16xf32>
        %get3A_332 = arith.index_cast %add3A_287 : i32 to index
        %get3A_333 = arith.constant 48 : index
        %get3A_334 = tpu.vector_load %arg17[%get3A_332, %get3A_333] {strides = array<i32>} : memref<400x64xf32, #tpu.memory_space<vmem>>, vector<1x16xf32>,
        %get3A_335 = vector.shape_cast %get3A_334 : vector<1x16xf32> to vector<16xf32>
        %add3A_336 = arith.addf %get3A_331, %get3A_335 : vector<16xf32>
        %swap3A_337 = arith.index_cast %scan3A_286 : i32 to index
        %swap3A_338 = arith.constant 48 : index
        %swap3A_339 = tpu.vector_load %arg15[%swap3A_337, %swap3A_338] {strides = array<i32>} : memref<128x64xf32, #tpu.memory_space<vmem>>, vector<1x16xf32>,
        %swap3A_340 = vector.shape_cast %swap3A_339 : vector<1x16xf32> to vector<16xf32>
        %swap3A_341 = vector.shape_cast %add3A_336 : vector<16xf32> to vector<1x16xf32>
        tpu.vector_store %arg15[%swap3A_337, %swap3A_338], %swap3A_341 {strides = array<i32>} : memref<128x64xf32, #tpu.memory_space<vmem>>, vector<1x16xf32>,
        %scan3A_342 = arith.constant 1 : i32
        %scan3A_343 = arith.addi %scan3A_286, %scan3A_342 : i32
        %add3A_344 = arith.addi %rem3A_230, %scan3A_343 : i32
        %get3A_345 = arith.index_cast %scan3A_343 : i32 to index
        %get3A_346 = arith.constant 0 : index
        %get3A_347 = tpu.vector_load %arg10[%get3A_345, %get3A_346] {strides = array<i32>} : memref<128x64xf32, #tpu.memory_space<vmem>>, vector<1x16xf32>,
        %get3A_348 = vector.shape_cast %get3A_347 : vector<1x16xf32> to vector<16xf32>
        %get3A_349 = arith.index_cast %add3A_344 : i32 to index
        %get3A_350 = arith.constant 0 : index
        %get3A_351 = tpu.vector_load %arg17[%get3A_349, %get3A_350] {strides = array<i32>} : memref<400x64xf32, #tpu.memory_space<vmem>>, vector<1x16xf32>,
        %get3A_352 = vector.shape_cast %get3A_351 : vector<1x16xf32> to vector<16xf32>
        %add3A_353 = arith.addf %get3A_348, %get3A_352 : vector<16xf32>
        %swap3A_354 = arith.index_cast %scan3A_343 : i32 to index
        %swap3A_355 = arith.constant 0 : index
        %swap3A_356 = tpu.vector_load %arg15[%swap3A_354, %swap3A_355] {strides = array<i32>} : memref<128x64xf32, #tpu.memory_space<vmem>>, vector<1x16xf32>,
        %swap3A_357 = vector.shape_cast %swap3A_356 : vector<1x16xf32> to vector<16xf32>
        %swap3A_358 = vector.shape_cast %add3A_353 : vector<16xf32> to vector<1x16xf32>
        tpu.vector_store %arg15[%swap3A_354, %swap3A_355], %swap3A_358 {strides = array<i32>} : memref<128x64xf32, #tpu.memory_space<vmem>>, vector<1x16xf32>,
        %get3A_359 = arith.index_cast %scan3A_343 : i32 to index
        %get3A_360 = arith.constant 16 : index
        %get3A_361 = tpu.vector_load %arg10[%get3A_359, %get3A_360] {strides = array<i32>} : memref<128x64xf32, #tpu.memory_space<vmem>>, vector<1x16xf32>,
        %get3A_362 = vector.shape_cast %get3A_361 : vector<1x16xf32> to vector<16xf32>
        %get3A_363 = arith.index_cast %add3A_344 : i32 to index
        %get3A_364 = arith.constant 16 : index
        %get3A_365 = tpu.vector_load %arg17[%get3A_363, %get3A_364] {strides = array<i32>} : memref<400x64xf32, #tpu.memory_space<vmem>>, vector<1x16xf32>,
        %get3A_366 = vector.shape_cast %get3A_365 : vector<1x16xf32> to vector<16xf32>
        %add3A_367 = arith.addf %get3A_362, %get3A_366 : vector<16xf32>
        %swap3A_368 = arith.index_cast %scan3A_343 : i32 to index
        %swap3A_369 = arith.constant 16 : index
        %swap3A_370 = tpu.vector_load %arg15[%swap3A_368, %swap3A_369] {strides = array<i32>} : memref<128x64xf32, #tpu.memory_space<vmem>>, vector<1x16xf32>,
        %swap3A_371 = vector.shape_cast %swap3A_370 : vector<1x16xf32> to vector<16xf32>
        %swap3A_372 = vector.shape_cast %add3A_367 : vector<16xf32> to vector<1x16xf32>
        tpu.vector_store %arg15[%swap3A_368, %swap3A_369], %swap3A_372 {strides = array<i32>} : memref<128x64xf32, #tpu.memory_space<vmem>>, vector<1x16xf32>,
        %get3A_373 = arith.index_cast %scan3A_343 : i32 to index
        %get3A_374 = arith.constant 32 : index
        %get3A_375 = tpu.vector_load %arg10[%get3A_373, %get3A_374] {strides = array<i32>} : memref<128x64xf32, #tpu.memory_space<vmem>>, vector<1x16xf32>,
        %get3A_376 = vector.shape_cast %get3A_375 : vector<1x16xf32> to vector<16xf32>
        %get3A_377 = arith.index_cast %add3A_344 : i32 to index
        %get3A_378 = arith.constant 32 : index
        %get3A_379 = tpu.vector_load %arg17[%get3A_377, %get3A_378] {strides = array<i32>} : memref<400x64xf32, #tpu.memory_space<vmem>>, vector<1x16xf32>,
        %get3A_380 = vector.shape_cast %get3A_379 : vector<1x16xf32> to vector<16xf32>
        %add3A_381 = arith.addf %get3A_376, %get3A_380 : vector<16xf32>
        %swap3A_382 = arith.index_cast %scan3A_343 : i32 to index
        %swap3A_383 = arith.constant 32 : index
        %swap3A_384 = tpu.vector_load %arg15[%swap3A_382, %swap3A_383] {strides = array<i32>} : memref<128x64xf32, #tpu.memory_space<vmem>>, vector<1x16xf32>,
        %swap3A_385 = vector.shape_cast %swap3A_384 : vector<1x16xf32> to vector<16xf32>
        %swap3A_386 = vector.shape_cast %add3A_381 : vector<16xf32> to vector<1x16xf32>
        tpu.vector_store %arg15[%swap3A_382, %swap3A_383], %swap3A_386 {strides = array<i32>} : memref<128x64xf32, #tpu.memory_space<vmem>>, vector<1x16xf32>,
        %get3A_387 = arith.index_cast %scan3A_343 : i32 to index
        %get3A_388 = arith.constant 48 : index
        %get3A_389 = tpu.vector_load %arg10[%get3A_387, %get3A_388] {strides = array<i32>} : memref<128x64xf32, #tpu.memory_space<vmem>>, vector<1x16xf32>,
        %get3A_390 = vector.shape_cast %get3A_389 : vector<1x16xf32> to vector<16xf32>
        %get3A_391 = arith.index_cast %add3A_344 : i32 to index
        %get3A_392 = arith.constant 48 : index
        %get3A_393 = tpu.vector_load %arg17[%get3A_391, %get3A_392] {strides = array<i32>} : memref<400x64xf32, #tpu.memory_space<vmem>>, vector<1x16xf32>,
        %get3A_394 = vector.shape_cast %get3A_393 : vector<1x16xf32> to vector<16xf32>
        %add3A_395 = arith.addf %get3A_390, %get3A_394 : vector<16xf32>
        %swap3A_396 = arith.index_cast %scan3A_343 : i32 to index
        %swap3A_397 = arith.constant 48 : index
        %swap3A_398 = tpu.vector_load %arg15[%swap3A_396, %swap3A_397] {strides = array<i32>} : memref<128x64xf32, #tpu.memory_space<vmem>>, vector<1x16xf32>,
        %swap3A_399 = vector.shape_cast %swap3A_398 : vector<1x16xf32> to vector<16xf32>
        %swap3A_400 = vector.shape_cast %add3A_395 : vector<16xf32> to vector<1x16xf32>
        tpu.vector_store %arg15[%swap3A_396, %swap3A_397], %swap3A_400 {strides = array<i32>} : memref<128x64xf32, #tpu.memory_space<vmem>>, vector<1x16xf32>,
        %scan3A_401 = arith.constant 2 : i32
        %scan3A_402 = arith.addi %scan3A_286, %scan3A_401 : i32
        %add3A_403 = arith.addi %rem3A_230, %scan3A_402 : i32
        %get3A_404 = arith.index_cast %scan3A_402 : i32 to index
        %get3A_405 = arith.constant 0 : index
        %get3A_406 = tpu.vector_load %arg10[%get3A_404, %get3A_405] {strides = array<i32>} : memref<128x64xf32, #tpu.memory_space<vmem>>, vector<1x16xf32>,
        %get3A_407 = vector.shape_cast %get3A_406 : vector<1x16xf32> to vector<16xf32>
        %get3A_408 = arith.index_cast %add3A_403 : i32 to index
        %get3A_409 = arith.constant 0 : index
        %get3A_410 = tpu.vector_load %arg17[%get3A_408, %get3A_409] {strides = array<i32>} : memref<400x64xf32, #tpu.memory_space<vmem>>, vector<1x16xf32>,
        %get3A_411 = vector.shape_cast %get3A_410 : vector<1x16xf32> to vector<16xf32>
        %add3A_412 = arith.addf %get3A_407, %get3A_411 : vector<16xf32>
        %swap3A_413 = arith.index_cast %scan3A_402 : i32 to index
        %swap3A_414 = arith.constant 0 : index
        %swap3A_415 = tpu.vector_load %arg15[%swap3A_413, %swap3A_414] {strides = array<i32>} : memref<128x64xf32, #tpu.memory_space<vmem>>, vector<1x16xf32>,
        %swap3A_416 = vector.shape_cast %swap3A_415 : vector<1x16xf32> to vector<16xf32>
        %swap3A_417 = vector.shape_cast %add3A_412 : vector<16xf32> to vector<1x16xf32>
        tpu.vector_store %arg15[%swap3A_413, %swap3A_414], %swap3A_417 {strides = array<i32>} : memref<128x64xf32, #tpu.memory_space<vmem>>, vector<1x16xf32>,
        %get3A_418 = arith.index_cast %scan3A_402 : i32 to index
        %get3A_419 = arith.constant 16 : index
        %get3A_420 = tpu.vector_load %arg10[%get3A_418, %get3A_419] {strides = array<i32>} : memref<128x64xf32, #tpu.memory_space<vmem>>, vector<1x16xf32>,
        %get3A_421 = vector.shape_cast %get3A_420 : vector<1x16xf32> to vector<16xf32>
        %get3A_422 = arith.index_cast %add3A_403 : i32 to index
        %get3A_423 = arith.constant 16 : index
        %get3A_424 = tpu.vector_load %arg17[%get3A_422, %get3A_423] {strides = array<i32>} : memref<400x64xf32, #tpu.memory_space<vmem>>, vector<1x16xf32>,
        %get3A_425 = vector.shape_cast %get3A_424 : vector<1x16xf32> to vector<16xf32>
        %add3A_426 = arith.addf %get3A_421, %get3A_425 : vector<16xf32>
        %swap3A_427 = arith.index_cast %scan3A_402 : i32 to index
        %swap3A_428 = arith.constant 16 : index
        %swap3A_429 = tpu.vector_load %arg15[%swap3A_427, %swap3A_428] {strides = array<i32>} : memref<128x64xf32, #tpu.memory_space<vmem>>, vector<1x16xf32>,
        %swap3A_430 = vector.shape_cast %swap3A_429 : vector<1x16xf32> to vector<16xf32>
        %swap3A_431 = vector.shape_cast %add3A_426 : vector<16xf32> to vector<1x16xf32>
        tpu.vector_store %arg15[%swap3A_427, %swap3A_428], %swap3A_431 {strides = array<i32>} : memref<128x64xf32, #tpu.memory_space<vmem>>, vector<1x16xf32>,
        %get3A_432 = arith.index_cast %scan3A_402 : i32 to index
        %get3A_433 = arith.constant 32 : index
        %get3A_434 = tpu.vector_load %arg10[%get3A_432, %get3A_433] {strides = array<i32>} : memref<128x64xf32, #tpu.memory_space<vmem>>, vector<1x16xf32>,
        %get3A_435 = vector.shape_cast %get3A_434 : vector<1x16xf32> to vector<16xf32>
        %get3A_436 = arith.index_cast %add3A_403 : i32 to index
        %get3A_437 = arith.constant 32 : index
        %get3A_438 = tpu.vector_load %arg17[%get3A_436, %get3A_437] {strides = array<i32>} : memref<400x64xf32, #tpu.memory_space<vmem>>, vector<1x16xf32>,
        %get3A_439 = vector.shape_cast %get3A_438 : vector<1x16xf32> to vector<16xf32>
        %add3A_440 = arith.addf %get3A_435, %get3A_439 : vector<16xf32>
        %swap3A_441 = arith.index_cast %scan3A_402 : i32 to index
        %swap3A_442 = arith.constant 32 : index
        %swap3A_443 = tpu.vector_load %arg15[%swap3A_441, %swap3A_442] {strides = array<i32>} : memref<128x64xf32, #tpu.memory_space<vmem>>, vector<1x16xf32>,
        %swap3A_444 = vector.shape_cast %swap3A_443 : vector<1x16xf32> to vector<16xf32>
        %swap3A_445 = vector.shape_cast %add3A_440 : vector<16xf32> to vector<1x16xf32>
        tpu.vector_store %arg15[%swap3A_441, %swap3A_442], %swap3A_445 {strides = array<i32>} : memref<128x64xf32, #tpu.memory_space<vmem>>, vector<1x16xf32>,
        %get3A_446 = arith.index_cast %scan3A_402 : i32 to index
        %get3A_447 = arith.constant 48 : index
        %get3A_448 = tpu.vector_load %arg10[%get3A_446, %get3A_447] {strides = array<i32>} : memref<128x64xf32, #tpu.memory_space<vmem>>, vector<1x16xf32>,
        %get3A_449 = vector.shape_cast %get3A_448 : vector<1x16xf32> to vector<16xf32>
        %get3A_450 = arith.index_cast %add3A_403 : i32 to index
        %get3A_451 = arith.constant 48 : index
        %get3A_452 = tpu.vector_load %arg17[%get3A_450, %get3A_451] {strides = array<i32>} : memref<400x64xf32, #tpu.memory_space<vmem>>, vector<1x16xf32>,
        %get3A_453 = vector.shape_cast %get3A_452 : vector<1x16xf32> to vector<16xf32>
        %add3A_454 = arith.addf %get3A_449, %get3A_453 : vector<16xf32>
        %swap3A_455 = arith.index_cast %scan3A_402 : i32 to index
        %swap3A_456 = arith.constant 48 : index
        %swap3A_457 = tpu.vector_load %arg15[%swap3A_455, %swap3A_456] {strides = array<i32>} : memref<128x64xf32, #tpu.memory_space<vmem>>, vector<1x16xf32>,
        %swap3A_458 = vector.shape_cast %swap3A_457 : vector<1x16xf32> to vector<16xf32>
        %swap3A_459 = vector.shape_cast %add3A_454 : vector<16xf32> to vector<1x16xf32>
        tpu.vector_store %arg15[%swap3A_455, %swap3A_456], %swap3A_459 {strides = array<i32>} : memref<128x64xf32, #tpu.memory_space<vmem>>, vector<1x16xf32>,
        %scan3A_460 = arith.constant 3 : i32
        %scan3A_461 = arith.addi %scan3A_286, %scan3A_460 : i32
        %add3A_462 = arith.addi %rem3A_230, %scan3A_461 : i32
        %get3A_463 = arith.index_cast %scan3A_461 : i32 to index
        %get3A_464 = arith.constant 0 : index
        %get3A_465 = tpu.vector_load %arg10[%get3A_463, %get3A_464] {strides = array<i32>} : memref<128x64xf32, #tpu.memory_space<vmem>>, vector<1x16xf32>,
        %get3A_466 = vector.shape_cast %get3A_465 : vector<1x16xf32> to vector<16xf32>
        %get3A_467 = arith.index_cast %add3A_462 : i32 to index
        %get3A_468 = arith.constant 0 : index
        %get3A_469 = tpu.vector_load %arg17[%get3A_467, %get3A_468] {strides = array<i32>} : memref<400x64xf32, #tpu.memory_space<vmem>>, vector<1x16xf32>,
        %get3A_470 = vector.shape_cast %get3A_469 : vector<1x16xf32> to vector<16xf32>
        %add3A_471 = arith.addf %get3A_466, %get3A_470 : vector<16xf32>
        %swap3A_472 = arith.index_cast %scan3A_461 : i32 to index
        %swap3A_473 = arith.constant 0 : index
        %swap3A_474 = tpu.vector_load %arg15[%swap3A_472, %swap3A_473] {strides = array<i32>} : memref<128x64xf32, #tpu.memory_space<vmem>>, vector<1x16xf32>,
        %swap3A_475 = vector.shape_cast %swap3A_474 : vector<1x16xf32> to vector<16xf32>
        %swap3A_476 = vector.shape_cast %add3A_471 : vector<16xf32> to vector<1x16xf32>
        tpu.vector_store %arg15[%swap3A_472, %swap3A_473], %swap3A_476 {strides = array<i32>} : memref<128x64xf32, #tpu.memory_space<vmem>>, vector<1x16xf32>,
        %get3A_477 = arith.index_cast %scan3A_461 : i32 to index
        %get3A_478 = arith.constant 16 : index
        %get3A_479 = tpu.vector_load %arg10[%get3A_477, %get3A_478] {strides = array<i32>} : memref<128x64xf32, #tpu.memory_space<vmem>>, vector<1x16xf32>,
        %get3A_480 = vector.shape_cast %get3A_479 : vector<1x16xf32> to vector<16xf32>
        %get3A_481 = arith.index_cast %add3A_462 : i32 to index
        %get3A_482 = arith.constant 16 : index
        %get3A_483 = tpu.vector_load %arg17[%get3A_481, %get3A_482] {strides = array<i32>} : memref<400x64xf32, #tpu.memory_space<vmem>>, vector<1x16xf32>,
        %get3A_484 = vector.shape_cast %get3A_483 : vector<1x16xf32> to vector<16xf32>
        %add3A_485 = arith.addf %get3A_480, %get3A_484 : vector<16xf32>
        %swap3A_486 = arith.index_cast %scan3A_461 : i32 to index
        %swap3A_487 = arith.constant 16 : index
        %swap3A_488 = tpu.vector_load %arg15[%swap3A_486, %swap3A_487] {strides = array<i32>} : memref<128x64xf32, #tpu.memory_space<vmem>>, vector<1x16xf32>,
        %swap3A_489 = vector.shape_cast %swap3A_488 : vector<1x16xf32> to vector<16xf32>
        %swap3A_490 = vector.shape_cast %add3A_485 : vector<16xf32> to vector<1x16xf32>
        tpu.vector_store %arg15[%swap3A_486, %swap3A_487], %swap3A_490 {strides = array<i32>} : memref<128x64xf32, #tpu.memory_space<vmem>>, vector<1x16xf32>,
        %get3A_491 = arith.index_cast %scan3A_461 : i32 to index
        %get3A_492 = arith.constant 32 : index
        %get3A_493 = tpu.vector_load %arg10[%get3A_491, %get3A_492] {strides = array<i32>} : memref<128x64xf32, #tpu.memory_space<vmem>>, vector<1x16xf32>,
        %get3A_494 = vector.shape_cast %get3A_493 : vector<1x16xf32> to vector<16xf32>
        %get3A_495 = arith.index_cast %add3A_462 : i32 to index
        %get3A_496 = arith.constant 32 : index
        %get3A_497 = tpu.vector_load %arg17[%get3A_495, %get3A_496] {strides = array<i32>} : memref<400x64xf32, #tpu.memory_space<vmem>>, vector<1x16xf32>,
        %get3A_498 = vector.shape_cast %get3A_497 : vector<1x16xf32> to vector<16xf32>
        %add3A_499 = arith.addf %get3A_494, %get3A_498 : vector<16xf32>
        %swap3A_500 = arith.index_cast %scan3A_461 : i32 to index
        %swap3A_501 = arith.constant 32 : index
        %swap3A_502 = tpu.vector_load %arg15[%swap3A_500, %swap3A_501] {strides = array<i32>} : memref<128x64xf32, #tpu.memory_space<vmem>>, vector<1x16xf32>,
        %swap3A_503 = vector.shape_cast %swap3A_502 : vector<1x16xf32> to vector<16xf32>
        %swap3A_504 = vector.shape_cast %add3A_499 : vector<16xf32> to vector<1x16xf32>
        tpu.vector_store %arg15[%swap3A_500, %swap3A_501], %swap3A_504 {strides = array<i32>} : memref<128x64xf32, #tpu.memory_space<vmem>>, vector<1x16xf32>,
        %get3A_505 = arith.index_cast %scan3A_461 : i32 to index
        %get3A_506 = arith.constant 48 : index
        %get3A_507 = tpu.vector_load %arg10[%get3A_505, %get3A_506] {strides = array<i32>} : memref<128x64xf32, #tpu.memory_space<vmem>>, vector<1x16xf32>,
        %get3A_508 = vector.shape_cast %get3A_507 : vector<1x16xf32> to vector<16xf32>
        %get3A_509 = arith.index_cast %add3A_462 : i32 to index
        %get3A_510 = arith.constant 48 : index
        %get3A_511 = tpu.vector_load %arg17[%get3A_509, %get3A_510] {strides = array<i32>} : memref<400x64xf32, #tpu.memory_space<vmem>>, vector<1x16xf32>,
        %get3A_512 = vector.shape_cast %get3A_511 : vector<1x16xf32> to vector<16xf32>
        %add3A_513 = arith.addf %get3A_508, %get3A_512 : vector<16xf32>
        %swap3A_514 = arith.index_cast %scan3A_461 : i32 to index
        %swap3A_515 = arith.constant 48 : index
        %swap3A_516 = tpu.vector_load %arg15[%swap3A_514, %swap3A_515] {strides = array<i32>} : memref<128x64xf32, #tpu.memory_space<vmem>>, vector<1x16xf32>,
        %swap3A_517 = vector.shape_cast %swap3A_516 : vector<1x16xf32> to vector<16xf32>
        %swap3A_518 = vector.shape_cast %add3A_513 : vector<16xf32> to vector<1x16xf32>
        tpu.vector_store %arg15[%swap3A_514, %swap3A_515], %swap3A_518 {strides = array<i32>} : memref<128x64xf32, #tpu.memory_space<vmem>>, vector<1x16xf32>,
      }
      %scan3A_236 = arith.constant 128 : i32
      %add3A_237 = arith.constant 5 : i32
      %add3A_238 = arith.addi %add3A_213, %add3A_237 : i32
      %lt3A_239 = arith.constant 50 : i32
      %lt3A_240 = arith.cmpi slt, %add3A_238, %lt3A_239 : i32
      %convert_element_type3A_241 = arith.extui %lt3A_240 : i1 to i32
      %cond3A_242 = arith.constant 0 : i32
      %cond3A_243 = arith.cmpi ne, %convert_element_type3A_241, %cond3A_242 : i32
      scf.if %cond3A_243 {
        %add3A_286 = arith.constant 5 : i32
        %add3A_287 = arith.addi %add3A_213, %add3A_286 : i32
        %dma_start3A_288 = arith.constant 0 : i32
        %dma_start3A_289 = tpu.memref_slice %arg6[%add3A_287, %dma_start3A_288] : memref<50x128xi32, #tpu.memory_space<vmem>> -> memref<1x128xi32, #tpu.memory_space<vmem>>
        %dma_start3A_290 = tpu.memref_squeeze %dma_start3A_289 : memref<1x128xi32, #tpu.memory_space<vmem>> -> memref<128xi32, #tpu.memory_space<vmem>>
        %dma_start3A_291 = arith.constant 0 : i32
        %dma_start3A_292 = arith.constant 0 : i32
        %dma_start3A_293 = tpu.memref_slice %arg3[%dma_start3A_291, %dma_start3A_292] : memref<1000000x64xf32, #tpu.memory_space<hbm>> -> memref<1000000x64xf32, #tpu.memory_space<hbm>>
        tpu.enqueue_indirect_dma source(%dma_start3A_293 : memref<1000000x64xf32, #tpu.memory_space<hbm>>) target(%arg10 : memref<128x64xf32, #tpu.memory_space<vmem>>) offsets(%dma_start3A_290 : memref<128xi32, #tpu.memory_space<vmem>>) semaphore(%arg21 : memref<!tpu.dma_semaphore, #tpu.memory_space<semaphore_mem>>)
      } else {
      }
      %dma_start3A_244 = arith.constant 0 : i32
      %dma_start3A_245 = tpu.memref_slice %arg5[%mul3A_216, %dma_start3A_244] : memref<204800x64xf32, #tpu.memory_space<hbm>> -> memref<128x64xf32, #tpu.memory_space<hbm>>
      %dma_start3A_246 = arith.constant 0 : i32
      %dma_start3A_247 = tpu.memref_slice %arg5[%mul3A_216, %dma_start3A_246] : memref<204800x64xf32, #tpu.memory_space<hbm>> -> memref<128x64xf32, #tpu.memory_space<hbm>>
      tpu.enqueue_dma source(%arg15 : memref<128x64xf32, #tpu.memory_space<vmem>>) target(%dma_start3A_247 : memref<128x64xf32, #tpu.memory_space<hbm>>) target_semaphore(%arg26 : memref<!tpu.dma_semaphore, #tpu.memory_space<semaphore_mem>>)
      %mul3A_248 = arith.constant 5 : i32
      %mul3A_249 = arith.muli %mul3A_248, %scan3A_100 : i32
      %add3A_250 = arith.constant 4 : i32
      %add3A_251 = arith.addi %mul3A_249, %add3A_250 : i32
      %add3A_252 = arith.addi %mul3A_2, %add3A_251 : i32
      %mul3A_253 = arith.constant 128 : i32
      %mul3A_254 = arith.muli %add3A_252, %mul3A_253 : i32
      %dma_wait3A_255 = arith.constant 4 : i32
      %dma_wait3A_256 = arith.constant 0 : i32
      %dma_wait3A_257 = tpu.memref_slice %arg6[%dma_wait3A_255, %dma_wait3A_256] : memref<50x128xi32, #tpu.memory_space<vmem>> -> memref<1x128xi32, #tpu.memory_space<vmem>>
      %dma_wait3A_258 = tpu.memref_squeeze %dma_wait3A_257 : memref<1x128xi32, #tpu.memory_space<vmem>> -> memref<128xi32, #tpu.memory_space<vmem>>
      %dma_wait3A_259 = arith.constant 0 : i32
      %dma_wait3A_260 = arith.constant 0 : i32
      %dma_wait3A_261 = tpu.memref_slice %arg3[%dma_wait3A_259, %dma_wait3A_260] : memref<1000000x64xf32, #tpu.memory_space<hbm>> -> memref<1000000x64xf32, #tpu.memory_space<hbm>>
      tpu.wait_indirect_dma semaphore(%arg22 : memref<!tpu.dma_semaphore, #tpu.memory_space<semaphore_mem>>) src(%dma_wait3A_261 : memref<1000000x64xf32, #tpu.memory_space<hbm>>) dst(%arg11 : memref<128x64xf32, #tpu.memory_space<vmem>>)
      %gt3A_262 = arith.constant 0 : i32
      %gt3A_263 = arith.cmpi sgt, %scan3A_100, %gt3A_262 : i32
      %convert_element_type3A_264 = arith.extui %gt3A_263 : i1 to i32
      %cond3A_265 = arith.constant 0 : i32
      %cond3A_266 = arith.cmpi ne, %convert_element_type3A_264, %cond3A_265 : i32
      scf.if %cond3A_266 {
        %sub3A_286 = arith.constant 5 : i32
        %sub3A_287 = arith.subi %add3A_252, %sub3A_286 : i32
        %mul3A_288 = arith.constant 128 : i32
        %mul3A_289 = arith.muli %sub3A_287, %mul3A_288 : i32
        %dma_wait3A_290 = arith.constant 0 : i32
        %dma_wait3A_291 = tpu.memref_slice %arg5[%mul3A_289, %dma_wait3A_290] : memref<204800x64xf32, #tpu.memory_space<hbm>> -> memref<128x64xf32, #tpu.memory_space<hbm>>
        %dma_wait3A_292 = arith.constant 0 : i32
        %dma_wait3A_293 = tpu.memref_slice %arg5[%mul3A_289, %dma_wait3A_292] : memref<204800x64xf32, #tpu.memory_space<hbm>> -> memref<128x64xf32, #tpu.memory_space<hbm>>
        tpu.wait_dma2 semaphore(%arg27 : memref<!tpu.dma_semaphore, #tpu.memory_space<semaphore_mem>>) src(%arg16 : memref<128x64xf32, #tpu.memory_space<vmem>>) dst(%dma_wait3A_293 : memref<128x64xf32, #tpu.memory_space<hbm>>)
      } else {
      }
      %rem3A_267 = arith.constant 200 : i32
      %rem3A_268 = arith.remsi %mul3A_254, %rem3A_267 : i32
      %scan3A_269 = arith.constant 0 : i32
      %scan3A_270 = arith.constant 0 : i32
      %scan3A_271 = arith.constant 128 : i32
      %scan3A_272 = arith.addi %scan3A_270, %scan3A_271 : i32
      %scan3A_273 = arith.constant 4 : i32
      scf.for %scan3A_286 = %scan3A_270 to %scan3A_272 step %scan3A_273  : i32 {
        %add3A_287 = arith.addi %rem3A_268, %scan3A_286 : i32
        %get3A = arith.index_cast %scan3A_286 : i32 to index
        %get3A_288 = arith.constant 0 : index
        %get3A_289 = tpu.vector_load %arg11[%get3A, %get3A_288] {strides = array<i32>} : memref<128x64xf32, #tpu.memory_space<vmem>>, vector<1x16xf32>,
        %get3A_290 = vector.shape_cast %get3A_289 : vector<1x16xf32> to vector<16xf32>
        %get3A_291 = arith.index_cast %add3A_287 : i32 to index
        %get3A_292 = arith.constant 0 : index
        %get3A_293 = tpu.vector_load %arg17[%get3A_291, %get3A_292] {strides = array<i32>} : memref<400x64xf32, #tpu.memory_space<vmem>>, vector<1x16xf32>,
        %get3A_294 = vector.shape_cast %get3A_293 : vector<1x16xf32> to vector<16xf32>
        %add3A_295 = arith.addf %get3A_290, %get3A_294 : vector<16xf32>
        %swap3A = arith.index_cast %scan3A_286 : i32 to index
        %swap3A_296 = arith.constant 0 : index
        %swap3A_297 = tpu.vector_load %arg16[%swap3A, %swap3A_296] {strides = array<i32>} : memref<128x64xf32, #tpu.memory_space<vmem>>, vector<1x16xf32>,
        %swap3A_298 = vector.shape_cast %swap3A_297 : vector<1x16xf32> to vector<16xf32>
        %swap3A_299 = vector.shape_cast %add3A_295 : vector<16xf32> to vector<1x16xf32>
        tpu.vector_store %arg16[%swap3A, %swap3A_296], %swap3A_299 {strides = array<i32>} : memref<128x64xf32, #tpu.memory_space<vmem>>, vector<1x16xf32>,
        %get3A_300 = arith.index_cast %scan3A_286 : i32 to index
        %get3A_301 = arith.constant 16 : index
        %get3A_302 = tpu.vector_load %arg11[%get3A_300, %get3A_301] {strides = array<i32>} : memref<128x64xf32, #tpu.memory_space<vmem>>, vector<1x16xf32>,
        %get3A_303 = vector.shape_cast %get3A_302 : vector<1x16xf32> to vector<16xf32>
        %get3A_304 = arith.index_cast %add3A_287 : i32 to index
        %get3A_305 = arith.constant 16 : index
        %get3A_306 = tpu.vector_load %arg17[%get3A_304, %get3A_305] {strides = array<i32>} : memref<400x64xf32, #tpu.memory_space<vmem>>, vector<1x16xf32>,
        %get3A_307 = vector.shape_cast %get3A_306 : vector<1x16xf32> to vector<16xf32>
        %add3A_308 = arith.addf %get3A_303, %get3A_307 : vector<16xf32>
        %swap3A_309 = arith.index_cast %scan3A_286 : i32 to index
        %swap3A_310 = arith.constant 16 : index
        %swap3A_311 = tpu.vector_load %arg16[%swap3A_309, %swap3A_310] {strides = array<i32>} : memref<128x64xf32, #tpu.memory_space<vmem>>, vector<1x16xf32>,
        %swap3A_312 = vector.shape_cast %swap3A_311 : vector<1x16xf32> to vector<16xf32>
        %swap3A_313 = vector.shape_cast %add3A_308 : vector<16xf32> to vector<1x16xf32>
        tpu.vector_store %arg16[%swap3A_309, %swap3A_310], %swap3A_313 {strides = array<i32>} : memref<128x64xf32, #tpu.memory_space<vmem>>, vector<1x16xf32>,
        %get3A_314 = arith.index_cast %scan3A_286 : i32 to index
        %get3A_315 = arith.constant 32 : index
        %get3A_316 = tpu.vector_load %arg11[%get3A_314, %get3A_315] {strides = array<i32>} : memref<128x64xf32, #tpu.memory_space<vmem>>, vector<1x16xf32>,
        %get3A_317 = vector.shape_cast %get3A_316 : vector<1x16xf32> to vector<16xf32>
        %get3A_318 = arith.index_cast %add3A_287 : i32 to index
        %get3A_319 = arith.constant 32 : index
        %get3A_320 = tpu.vector_load %arg17[%get3A_318, %get3A_319] {strides = array<i32>} : memref<400x64xf32, #tpu.memory_space<vmem>>, vector<1x16xf32>,
        %get3A_321 = vector.shape_cast %get3A_320 : vector<1x16xf32> to vector<16xf32>
        %add3A_322 = arith.addf %get3A_317, %get3A_321 : vector<16xf32>
        %swap3A_323 = arith.index_cast %scan3A_286 : i32 to index
        %swap3A_324 = arith.constant 32 : index
        %swap3A_325 = tpu.vector_load %arg16[%swap3A_323, %swap3A_324] {strides = array<i32>} : memref<128x64xf32, #tpu.memory_space<vmem>>, vector<1x16xf32>,
        %swap3A_326 = vector.shape_cast %swap3A_325 : vector<1x16xf32> to vector<16xf32>
        %swap3A_327 = vector.shape_cast %add3A_322 : vector<16xf32> to vector<1x16xf32>
        tpu.vector_store %arg16[%swap3A_323, %swap3A_324], %swap3A_327 {strides = array<i32>} : memref<128x64xf32, #tpu.memory_space<vmem>>, vector<1x16xf32>,
        %get3A_328 = arith.index_cast %scan3A_286 : i32 to index
        %get3A_329 = arith.constant 48 : index
        %get3A_330 = tpu.vector_load %arg11[%get3A_328, %get3A_329] {strides = array<i32>} : memref<128x64xf32, #tpu.memory_space<vmem>>, vector<1x16xf32>,
        %get3A_331 = vector.shape_cast %get3A_330 : vector<1x16xf32> to vector<16xf32>
        %get3A_332 = arith.index_cast %add3A_287 : i32 to index
        %get3A_333 = arith.constant 48 : index
        %get3A_334 = tpu.vector_load %arg17[%get3A_332, %get3A_333] {strides = array<i32>} : memref<400x64xf32, #tpu.memory_space<vmem>>, vector<1x16xf32>,
        %get3A_335 = vector.shape_cast %get3A_334 : vector<1x16xf32> to vector<16xf32>
        %add3A_336 = arith.addf %get3A_331, %get3A_335 : vector<16xf32>
        %swap3A_337 = arith.index_cast %scan3A_286 : i32 to index
        %swap3A_338 = arith.constant 48 : index
        %swap3A_339 = tpu.vector_load %arg16[%swap3A_337, %swap3A_338] {strides = array<i32>} : memref<128x64xf32, #tpu.memory_space<vmem>>, vector<1x16xf32>,
        %swap3A_340 = vector.shape_cast %swap3A_339 : vector<1x16xf32> to vector<16xf32>
        %swap3A_341 = vector.shape_cast %add3A_336 : vector<16xf32> to vector<1x16xf32>
        tpu.vector_store %arg16[%swap3A_337, %swap3A_338], %swap3A_341 {strides = array<i32>} : memref<128x64xf32, #tpu.memory_space<vmem>>, vector<1x16xf32>,
        %scan3A_342 = arith.constant 1 : i32
        %scan3A_343 = arith.addi %scan3A_286, %scan3A_342 : i32
        %add3A_344 = arith.addi %rem3A_268, %scan3A_343 : i32
        %get3A_345 = arith.index_cast %scan3A_343 : i32 to index
        %get3A_346 = arith.constant 0 : index
        %get3A_347 = tpu.vector_load %arg11[%get3A_345, %get3A_346] {strides = array<i32>} : memref<128x64xf32, #tpu.memory_space<vmem>>, vector<1x16xf32>,
        %get3A_348 = vector.shape_cast %get3A_347 : vector<1x16xf32> to vector<16xf32>
        %get3A_349 = arith.index_cast %add3A_344 : i32 to index
        %get3A_350 = arith.constant 0 : index
        %get3A_351 = tpu.vector_load %arg17[%get3A_349, %get3A_350] {strides = array<i32>} : memref<400x64xf32, #tpu.memory_space<vmem>>, vector<1x16xf32>,
        %get3A_352 = vector.shape_cast %get3A_351 : vector<1x16xf32> to vector<16xf32>
        %add3A_353 = arith.addf %get3A_348, %get3A_352 : vector<16xf32>
        %swap3A_354 = arith.index_cast %scan3A_343 : i32 to index
        %swap3A_355 = arith.constant 0 : index
        %swap3A_356 = tpu.vector_load %arg16[%swap3A_354, %swap3A_355] {strides = array<i32>} : memref<128x64xf32, #tpu.memory_space<vmem>>, vector<1x16xf32>,
        %swap3A_357 = vector.shape_cast %swap3A_356 : vector<1x16xf32> to vector<16xf32>
        %swap3A_358 = vector.shape_cast %add3A_353 : vector<16xf32> to vector<1x16xf32>
        tpu.vector_store %arg16[%swap3A_354, %swap3A_355], %swap3A_358 {strides = array<i32>} : memref<128x64xf32, #tpu.memory_space<vmem>>, vector<1x16xf32>,
        %get3A_359 = arith.index_cast %scan3A_343 : i32 to index
        %get3A_360 = arith.constant 16 : index
        %get3A_361 = tpu.vector_load %arg11[%get3A_359, %get3A_360] {strides = array<i32>} : memref<128x64xf32, #tpu.memory_space<vmem>>, vector<1x16xf32>,
        %get3A_362 = vector.shape_cast %get3A_361 : vector<1x16xf32> to vector<16xf32>
        %get3A_363 = arith.index_cast %add3A_344 : i32 to index
        %get3A_364 = arith.constant 16 : index
        %get3A_365 = tpu.vector_load %arg17[%get3A_363, %get3A_364] {strides = array<i32>} : memref<400x64xf32, #tpu.memory_space<vmem>>, vector<1x16xf32>,
        %get3A_366 = vector.shape_cast %get3A_365 : vector<1x16xf32> to vector<16xf32>
        %add3A_367 = arith.addf %get3A_362, %get3A_366 : vector<16xf32>
        %swap3A_368 = arith.index_cast %scan3A_343 : i32 to index
        %swap3A_369 = arith.constant 16 : index
        %swap3A_370 = tpu.vector_load %arg16[%swap3A_368, %swap3A_369] {strides = array<i32>} : memref<128x64xf32, #tpu.memory_space<vmem>>, vector<1x16xf32>,
        %swap3A_371 = vector.shape_cast %swap3A_370 : vector<1x16xf32> to vector<16xf32>
        %swap3A_372 = vector.shape_cast %add3A_367 : vector<16xf32> to vector<1x16xf32>
        tpu.vector_store %arg16[%swap3A_368, %swap3A_369], %swap3A_372 {strides = array<i32>} : memref<128x64xf32, #tpu.memory_space<vmem>>, vector<1x16xf32>,
        %get3A_373 = arith.index_cast %scan3A_343 : i32 to index
        %get3A_374 = arith.constant 32 : index
        %get3A_375 = tpu.vector_load %arg11[%get3A_373, %get3A_374] {strides = array<i32>} : memref<128x64xf32, #tpu.memory_space<vmem>>, vector<1x16xf32>,
        %get3A_376 = vector.shape_cast %get3A_375 : vector<1x16xf32> to vector<16xf32>
        %get3A_377 = arith.index_cast %add3A_344 : i32 to index
        %get3A_378 = arith.constant 32 : index
        %get3A_379 = tpu.vector_load %arg17[%get3A_377, %get3A_378] {strides = array<i32>} : memref<400x64xf32, #tpu.memory_space<vmem>>, vector<1x16xf32>,
        %get3A_380 = vector.shape_cast %get3A_379 : vector<1x16xf32> to vector<16xf32>
        %add3A_381 = arith.addf %get3A_376, %get3A_380 : vector<16xf32>
        %swap3A_382 = arith.index_cast %scan3A_343 : i32 to index
        %swap3A_383 = arith.constant 32 : index
        %swap3A_384 = tpu.vector_load %arg16[%swap3A_382, %swap3A_383] {strides = array<i32>} : memref<128x64xf32, #tpu.memory_space<vmem>>, vector<1x16xf32>,
        %swap3A_385 = vector.shape_cast %swap3A_384 : vector<1x16xf32> to vector<16xf32>
        %swap3A_386 = vector.shape_cast %add3A_381 : vector<16xf32> to vector<1x16xf32>
        tpu.vector_store %arg16[%swap3A_382, %swap3A_383], %swap3A_386 {strides = array<i32>} : memref<128x64xf32, #tpu.memory_space<vmem>>, vector<1x16xf32>,
        %get3A_387 = arith.index_cast %scan3A_343 : i32 to index
        %get3A_388 = arith.constant 48 : index
        %get3A_389 = tpu.vector_load %arg11[%get3A_387, %get3A_388] {strides = array<i32>} : memref<128x64xf32, #tpu.memory_space<vmem>>, vector<1x16xf32>,
        %get3A_390 = vector.shape_cast %get3A_389 : vector<1x16xf32> to vector<16xf32>
        %get3A_391 = arith.index_cast %add3A_344 : i32 to index
        %get3A_392 = arith.constant 48 : index
        %get3A_393 = tpu.vector_load %arg17[%get3A_391, %get3A_392] {strides = array<i32>} : memref<400x64xf32, #tpu.memory_space<vmem>>, vector<1x16xf32>,
        %get3A_394 = vector.shape_cast %get3A_393 : vector<1x16xf32> to vector<16xf32>
        %add3A_395 = arith.addf %get3A_390, %get3A_394 : vector<16xf32>
        %swap3A_396 = arith.index_cast %scan3A_343 : i32 to index
        %swap3A_397 = arith.constant 48 : index
        %swap3A_398 = tpu.vector_load %arg16[%swap3A_396, %swap3A_397] {strides = array<i32>} : memref<128x64xf32, #tpu.memory_space<vmem>>, vector<1x16xf32>,
        %swap3A_399 = vector.shape_cast %swap3A_398 : vector<1x16xf32> to vector<16xf32>
        %swap3A_400 = vector.shape_cast %add3A_395 : vector<16xf32> to vector<1x16xf32>
        tpu.vector_store %arg16[%swap3A_396, %swap3A_397], %swap3A_400 {strides = array<i32>} : memref<128x64xf32, #tpu.memory_space<vmem>>, vector<1x16xf32>,
        %scan3A_401 = arith.constant 2 : i32
        %scan3A_402 = arith.addi %scan3A_286, %scan3A_401 : i32
        %add3A_403 = arith.addi %rem3A_268, %scan3A_402 : i32
        %get3A_404 = arith.index_cast %scan3A_402 : i32 to index
        %get3A_405 = arith.constant 0 : index
        %get3A_406 = tpu.vector_load %arg11[%get3A_404, %get3A_405] {strides = array<i32>} : memref<128x64xf32, #tpu.memory_space<vmem>>, vector<1x16xf32>,
        %get3A_407 = vector.shape_cast %get3A_406 : vector<1x16xf32> to vector<16xf32>
        %get3A_408 = arith.index_cast %add3A_403 : i32 to index
        %get3A_409 = arith.constant 0 : index
        %get3A_410 = tpu.vector_load %arg17[%get3A_408, %get3A_409] {strides = array<i32>} : memref<400x64xf32, #tpu.memory_space<vmem>>, vector<1x16xf32>,
        %get3A_411 = vector.shape_cast %get3A_410 : vector<1x16xf32> to vector<16xf32>
        %add3A_412 = arith.addf %get3A_407, %get3A_411 : vector<16xf32>
        %swap3A_413 = arith.index_cast %scan3A_402 : i32 to index
        %swap3A_414 = arith.constant 0 : index
        %swap3A_415 = tpu.vector_load %arg16[%swap3A_413, %swap3A_414] {strides = array<i32>} : memref<128x64xf32, #tpu.memory_space<vmem>>, vector<1x16xf32>,
        %swap3A_416 = vector.shape_cast %swap3A_415 : vector<1x16xf32> to vector<16xf32>
        %swap3A_417 = vector.shape_cast %add3A_412 : vector<16xf32> to vector<1x16xf32>
        tpu.vector_store %arg16[%swap3A_413, %swap3A_414], %swap3A_417 {strides = array<i32>} : memref<128x64xf32, #tpu.memory_space<vmem>>, vector<1x16xf32>,
        %get3A_418 = arith.index_cast %scan3A_402 : i32 to index
        %get3A_419 = arith.constant 16 : index
        %get3A_420 = tpu.vector_load %arg11[%get3A_418, %get3A_419] {strides = array<i32>} : memref<128x64xf32, #tpu.memory_space<vmem>>, vector<1x16xf32>,
        %get3A_421 = vector.shape_cast %get3A_420 : vector<1x16xf32> to vector<16xf32>
        %get3A_422 = arith.index_cast %add3A_403 : i32 to index
        %get3A_423 = arith.constant 16 : index
        %get3A_424 = tpu.vector_load %arg17[%get3A_422, %get3A_423] {strides = array<i32>} : memref<400x64xf32, #tpu.memory_space<vmem>>, vector<1x16xf32>,
        %get3A_425 = vector.shape_cast %get3A_424 : vector<1x16xf32> to vector<16xf32>
        %add3A_426 = arith.addf %get3A_421, %get3A_425 : vector<16xf32>
        %swap3A_427 = arith.index_cast %scan3A_402 : i32 to index
        %swap3A_428 = arith.constant 16 : index
        %swap3A_429 = tpu.vector_load %arg16[%swap3A_427, %swap3A_428] {strides = array<i32>} : memref<128x64xf32, #tpu.memory_space<vmem>>, vector<1x16xf32>,
        %swap3A_430 = vector.shape_cast %swap3A_429 : vector<1x16xf32> to vector<16xf32>
        %swap3A_431 = vector.shape_cast %add3A_426 : vector<16xf32> to vector<1x16xf32>
        tpu.vector_store %arg16[%swap3A_427, %swap3A_428], %swap3A_431 {strides = array<i32>} : memref<128x64xf32, #tpu.memory_space<vmem>>, vector<1x16xf32>,
        %get3A_432 = arith.index_cast %scan3A_402 : i32 to index
        %get3A_433 = arith.constant 32 : index
        %get3A_434 = tpu.vector_load %arg11[%get3A_432, %get3A_433] {strides = array<i32>} : memref<128x64xf32, #tpu.memory_space<vmem>>, vector<1x16xf32>,
        %get3A_435 = vector.shape_cast %get3A_434 : vector<1x16xf32> to vector<16xf32>
        %get3A_436 = arith.index_cast %add3A_403 : i32 to index
        %get3A_437 = arith.constant 32 : index
        %get3A_438 = tpu.vector_load %arg17[%get3A_436, %get3A_437] {strides = array<i32>} : memref<400x64xf32, #tpu.memory_space<vmem>>, vector<1x16xf32>,
        %get3A_439 = vector.shape_cast %get3A_438 : vector<1x16xf32> to vector<16xf32>
        %add3A_440 = arith.addf %get3A_435, %get3A_439 : vector<16xf32>
        %swap3A_441 = arith.index_cast %scan3A_402 : i32 to index
        %swap3A_442 = arith.constant 32 : index
        %swap3A_443 = tpu.vector_load %arg16[%swap3A_441, %swap3A_442] {strides = array<i32>} : memref<128x64xf32, #tpu.memory_space<vmem>>, vector<1x16xf32>,
        %swap3A_444 = vector.shape_cast %swap3A_443 : vector<1x16xf32> to vector<16xf32>
        %swap3A_445 = vector.shape_cast %add3A_440 : vector<16xf32> to vector<1x16xf32>
        tpu.vector_store %arg16[%swap3A_441, %swap3A_442], %swap3A_445 {strides = array<i32>} : memref<128x64xf32, #tpu.memory_space<vmem>>, vector<1x16xf32>,
        %get3A_446 = arith.index_cast %scan3A_402 : i32 to index
        %get3A_447 = arith.constant 48 : index
        %get3A_448 = tpu.vector_load %arg11[%get3A_446, %get3A_447] {strides = array<i32>} : memref<128x64xf32, #tpu.memory_space<vmem>>, vector<1x16xf32>,
        %get3A_449 = vector.shape_cast %get3A_448 : vector<1x16xf32> to vector<16xf32>
        %get3A_450 = arith.index_cast %add3A_403 : i32 to index
        %get3A_451 = arith.constant 48 : index
        %get3A_452 = tpu.vector_load %arg17[%get3A_450, %get3A_451] {strides = array<i32>} : memref<400x64xf32, #tpu.memory_space<vmem>>, vector<1x16xf32>,
        %get3A_453 = vector.shape_cast %get3A_452 : vector<1x16xf32> to vector<16xf32>
        %add3A_454 = arith.addf %get3A_449, %get3A_453 : vector<16xf32>
        %swap3A_455 = arith.index_cast %scan3A_402 : i32 to index
        %swap3A_456 = arith.constant 48 : index
        %swap3A_457 = tpu.vector_load %arg16[%swap3A_455, %swap3A_456] {strides = array<i32>} : memref<128x64xf32, #tpu.memory_space<vmem>>, vector<1x16xf32>,
        %swap3A_458 = vector.shape_cast %swap3A_457 : vector<1x16xf32> to vector<16xf32>
        %swap3A_459 = vector.shape_cast %add3A_454 : vector<16xf32> to vector<1x16xf32>
        tpu.vector_store %arg16[%swap3A_455, %swap3A_456], %swap3A_459 {strides = array<i32>} : memref<128x64xf32, #tpu.memory_space<vmem>>, vector<1x16xf32>,
        %scan3A_460 = arith.constant 3 : i32
        %scan3A_461 = arith.addi %scan3A_286, %scan3A_460 : i32
        %add3A_462 = arith.addi %rem3A_268, %scan3A_461 : i32
        %get3A_463 = arith.index_cast %scan3A_461 : i32 to index
        %get3A_464 = arith.constant 0 : index
        %get3A_465 = tpu.vector_load %arg11[%get3A_463, %get3A_464] {strides = array<i32>} : memref<128x64xf32, #tpu.memory_space<vmem>>, vector<1x16xf32>,
        %get3A_466 = vector.shape_cast %get3A_465 : vector<1x16xf32> to vector<16xf32>
        %get3A_467 = arith.index_cast %add3A_462 : i32 to index
        %get3A_468 = arith.constant 0 : index
        %get3A_469 = tpu.vector_load %arg17[%get3A_467, %get3A_468] {strides = array<i32>} : memref<400x64xf32, #tpu.memory_space<vmem>>, vector<1x16xf32>,
        %get3A_470 = vector.shape_cast %get3A_469 : vector<1x16xf32> to vector<16xf32>
        %add3A_471 = arith.addf %get3A_466, %get3A_470 : vector<16xf32>
        %swap3A_472 = arith.index_cast %scan3A_461 : i32 to index
        %swap3A_473 = arith.constant 0 : index
        %swap3A_474 = tpu.vector_load %arg16[%swap3A_472, %swap3A_473] {strides = array<i32>} : memref<128x64xf32, #tpu.memory_space<vmem>>, vector<1x16xf32>,
        %swap3A_475 = vector.shape_cast %swap3A_474 : vector<1x16xf32> to vector<16xf32>
        %swap3A_476 = vector.shape_cast %add3A_471 : vector<16xf32> to vector<1x16xf32>
        tpu.vector_store %arg16[%swap3A_472, %swap3A_473], %swap3A_476 {strides = array<i32>} : memref<128x64xf32, #tpu.memory_space<vmem>>, vector<1x16xf32>,
        %get3A_477 = arith.index_cast %scan3A_461 : i32 to index
        %get3A_478 = arith.constant 16 : index
        %get3A_479 = tpu.vector_load %arg11[%get3A_477, %get3A_478] {strides = array<i32>} : memref<128x64xf32, #tpu.memory_space<vmem>>, vector<1x16xf32>,
        %get3A_480 = vector.shape_cast %get3A_479 : vector<1x16xf32> to vector<16xf32>
        %get3A_481 = arith.index_cast %add3A_462 : i32 to index
        %get3A_482 = arith.constant 16 : index
        %get3A_483 = tpu.vector_load %arg17[%get3A_481, %get3A_482] {strides = array<i32>} : memref<400x64xf32, #tpu.memory_space<vmem>>, vector<1x16xf32>,
        %get3A_484 = vector.shape_cast %get3A_483 : vector<1x16xf32> to vector<16xf32>
        %add3A_485 = arith.addf %get3A_480, %get3A_484 : vector<16xf32>
        %swap3A_486 = arith.index_cast %scan3A_461 : i32 to index
        %swap3A_487 = arith.constant 16 : index
        %swap3A_488 = tpu.vector_load %arg16[%swap3A_486, %swap3A_487] {strides = array<i32>} : memref<128x64xf32, #tpu.memory_space<vmem>>, vector<1x16xf32>,
        %swap3A_489 = vector.shape_cast %swap3A_488 : vector<1x16xf32> to vector<16xf32>
        %swap3A_490 = vector.shape_cast %add3A_485 : vector<16xf32> to vector<1x16xf32>
        tpu.vector_store %arg16[%swap3A_486, %swap3A_487], %swap3A_490 {strides = array<i32>} : memref<128x64xf32, #tpu.memory_space<vmem>>, vector<1x16xf32>,
        %get3A_491 = arith.index_cast %scan3A_461 : i32 to index
        %get3A_492 = arith.constant 32 : index
        %get3A_493 = tpu.vector_load %arg11[%get3A_491, %get3A_492] {strides = array<i32>} : memref<128x64xf32, #tpu.memory_space<vmem>>, vector<1x16xf32>,
        %get3A_494 = vector.shape_cast %get3A_493 : vector<1x16xf32> to vector<16xf32>
        %get3A_495 = arith.index_cast %add3A_462 : i32 to index
        %get3A_496 = arith.constant 32 : index
        %get3A_497 = tpu.vector_load %arg17[%get3A_495, %get3A_496] {strides = array<i32>} : memref<400x64xf32, #tpu.memory_space<vmem>>, vector<1x16xf32>,
        %get3A_498 = vector.shape_cast %get3A_497 : vector<1x16xf32> to vector<16xf32>
        %add3A_499 = arith.addf %get3A_494, %get3A_498 : vector<16xf32>
        %swap3A_500 = arith.index_cast %scan3A_461 : i32 to index
        %swap3A_501 = arith.constant 32 : index
        %swap3A_502 = tpu.vector_load %arg16[%swap3A_500, %swap3A_501] {strides = array<i32>} : memref<128x64xf32, #tpu.memory_space<vmem>>, vector<1x16xf32>,
        %swap3A_503 = vector.shape_cast %swap3A_502 : vector<1x16xf32> to vector<16xf32>
        %swap3A_504 = vector.shape_cast %add3A_499 : vector<16xf32> to vector<1x16xf32>
        tpu.vector_store %arg16[%swap3A_500, %swap3A_501], %swap3A_504 {strides = array<i32>} : memref<128x64xf32, #tpu.memory_space<vmem>>, vector<1x16xf32>,
        %get3A_505 = arith.index_cast %scan3A_461 : i32 to index
        %get3A_506 = arith.constant 48 : index
        %get3A_507 = tpu.vector_load %arg11[%get3A_505, %get3A_506] {strides = array<i32>} : memref<128x64xf32, #tpu.memory_space<vmem>>, vector<1x16xf32>,
        %get3A_508 = vector.shape_cast %get3A_507 : vector<1x16xf32> to vector<16xf32>
        %get3A_509 = arith.index_cast %add3A_462 : i32 to index
        %get3A_510 = arith.constant 48 : index
        %get3A_511 = tpu.vector_load %arg17[%get3A_509, %get3A_510] {strides = array<i32>} : memref<400x64xf32, #tpu.memory_space<vmem>>, vector<1x16xf32>,
        %get3A_512 = vector.shape_cast %get3A_511 : vector<1x16xf32> to vector<16xf32>
        %add3A_513 = arith.addf %get3A_508, %get3A_512 : vector<16xf32>
        %swap3A_514 = arith.index_cast %scan3A_461 : i32 to index
        %swap3A_515 = arith.constant 48 : index
        %swap3A_516 = tpu.vector_load %arg16[%swap3A_514, %swap3A_515] {strides = array<i32>} : memref<128x64xf32, #tpu.memory_space<vmem>>, vector<1x16xf32>,
        %swap3A_517 = vector.shape_cast %swap3A_516 : vector<1x16xf32> to vector<16xf32>
        %swap3A_518 = vector.shape_cast %add3A_513 : vector<16xf32> to vector<1x16xf32>
        tpu.vector_store %arg16[%swap3A_514, %swap3A_515], %swap3A_518 {strides = array<i32>} : memref<128x64xf32, #tpu.memory_space<vmem>>, vector<1x16xf32>,
      }
      %scan3A_274 = arith.constant 128 : i32
      %add3A_275 = arith.constant 5 : i32
      %add3A_276 = arith.addi %add3A_251, %add3A_275 : i32
      %lt3A_277 = arith.constant 50 : i32
      %lt3A_278 = arith.cmpi slt, %add3A_276, %lt3A_277 : i32
      %convert_element_type3A_279 = arith.extui %lt3A_278 : i1 to i32
      %cond3A_280 = arith.constant 0 : i32
      %cond3A_281 = arith.cmpi ne, %convert_element_type3A_279, %cond3A_280 : i32
      scf.if %cond3A_281 {
        %add3A_286 = arith.constant 5 : i32
        %add3A_287 = arith.addi %add3A_251, %add3A_286 : i32
        %dma_start3A_288 = arith.constant 0 : i32
        %dma_start3A_289 = tpu.memref_slice %arg6[%add3A_287, %dma_start3A_288] : memref<50x128xi32, #tpu.memory_space<vmem>> -> memref<1x128xi32, #tpu.memory_space<vmem>>
        %dma_start3A_290 = tpu.memref_squeeze %dma_start3A_289 : memref<1x128xi32, #tpu.memory_space<vmem>> -> memref<128xi32, #tpu.memory_space<vmem>>
        %dma_start3A_291 = arith.constant 0 : i32
        %dma_start3A_292 = arith.constant 0 : i32
        %dma_start3A_293 = tpu.memref_slice %arg3[%dma_start3A_291, %dma_start3A_292] : memref<1000000x64xf32, #tpu.memory_space<hbm>> -> memref<1000000x64xf32, #tpu.memory_space<hbm>>
        tpu.enqueue_indirect_dma source(%dma_start3A_293 : memref<1000000x64xf32, #tpu.memory_space<hbm>>) target(%arg11 : memref<128x64xf32, #tpu.memory_space<vmem>>) offsets(%dma_start3A_290 : memref<128xi32, #tpu.memory_space<vmem>>) semaphore(%arg22 : memref<!tpu.dma_semaphore, #tpu.memory_space<semaphore_mem>>)
      } else {
      }
      %dma_start3A_282 = arith.constant 0 : i32
      %dma_start3A_283 = tpu.memref_slice %arg5[%mul3A_254, %dma_start3A_282] : memref<204800x64xf32, #tpu.memory_space<hbm>> -> memref<128x64xf32, #tpu.memory_space<hbm>>
      %dma_start3A_284 = arith.constant 0 : i32
      %dma_start3A_285 = tpu.memref_slice %arg5[%mul3A_254, %dma_start3A_284] : memref<204800x64xf32, #tpu.memory_space<hbm>> -> memref<128x64xf32, #tpu.memory_space<hbm>>
      tpu.enqueue_dma source(%arg16 : memref<128x64xf32, #tpu.memory_space<vmem>>) target(%dma_start3A_285 : memref<128x64xf32, #tpu.memory_space<hbm>>) target_semaphore(%arg27 : memref<!tpu.dma_semaphore, #tpu.memory_space<semaphore_mem>>)
    }
    %scan3A_41 = arith.constant 10 : i32
    %add3A_42 = arith.constant 50 : i32
    %add3A_43 = arith.addi %mul3A_2, %add3A_42 : i32
    %sub3A = arith.constant 5 : i32
    %sub3A_44 = arith.subi %add3A_43, %sub3A : i32
    %add3A_45 = arith.constant 0 : i32
    %add3A_46 = arith.addi %sub3A_44, %add3A_45 : i32
    %mul3A_47 = arith.constant 128 : i32
    %mul3A_48 = arith.muli %add3A_46, %mul3A_47 : i32
    %dma_wait3A = arith.constant 0 : i32
    %dma_wait3A_49 = tpu.memref_slice %arg5[%mul3A_48, %dma_wait3A] : memref<204800x64xf32, #tpu.memory_space<hbm>> -> memref<128x64xf32, #tpu.memory_space<hbm>>
    %dma_wait3A_50 = arith.constant 0 : i32
    %dma_wait3A_51 = tpu.memref_slice %arg5[%mul3A_48, %dma_wait3A_50] : memref<204800x64xf32, #tpu.memory_space<hbm>> -> memref<128x64xf32, #tpu.memory_space<hbm>>
    tpu.wait_dma2 semaphore(%arg23 : memref<!tpu.dma_semaphore, #tpu.memory_space<semaphore_mem>>) src(%arg12 : memref<128x64xf32, #tpu.memory_space<vmem>>) dst(%dma_wait3A_51 : memref<128x64xf32, #tpu.memory_space<hbm>>)
    %add3A_52 = arith.constant 50 : i32
    %add3A_53 = arith.addi %mul3A_2, %add3A_52 : i32
    %sub3A_54 = arith.constant 5 : i32
    %sub3A_55 = arith.subi %add3A_53, %sub3A_54 : i32
    %add3A_56 = arith.constant 1 : i32
    %add3A_57 = arith.addi %sub3A_55, %add3A_56 : i32
    %mul3A_58 = arith.constant 128 : i32
    %mul3A_59 = arith.muli %add3A_57, %mul3A_58 : i32
    %dma_wait3A_60 = arith.constant 0 : i32
    %dma_wait3A_61 = tpu.memref_slice %arg5[%mul3A_59, %dma_wait3A_60] : memref<204800x64xf32, #tpu.memory_space<hbm>> -> memref<128x64xf32, #tpu.memory_space<hbm>>
    %dma_wait3A_62 = arith.constant 0 : i32
    %dma_wait3A_63 = tpu.memref_slice %arg5[%mul3A_59, %dma_wait3A_62] : memref<204800x64xf32, #tpu.memory_space<hbm>> -> memref<128x64xf32, #tpu.memory_space<hbm>>
    tpu.wait_dma2 semaphore(%arg24 : memref<!tpu.dma_semaphore, #tpu.memory_space<semaphore_mem>>) src(%arg13 : memref<128x64xf32, #tpu.memory_space<vmem>>) dst(%dma_wait3A_63 : memref<128x64xf32, #tpu.memory_space<hbm>>)
    %add3A_64 = arith.constant 50 : i32
    %add3A_65 = arith.addi %mul3A_2, %add3A_64 : i32
    %sub3A_66 = arith.constant 5 : i32
    %sub3A_67 = arith.subi %add3A_65, %sub3A_66 : i32
    %add3A_68 = arith.constant 2 : i32
    %add3A_69 = arith.addi %sub3A_67, %add3A_68 : i32
    %mul3A_70 = arith.constant 128 : i32
    %mul3A_71 = arith.muli %add3A_69, %mul3A_70 : i32
    %dma_wait3A_72 = arith.constant 0 : i32
    %dma_wait3A_73 = tpu.memref_slice %arg5[%mul3A_71, %dma_wait3A_72] : memref<204800x64xf32, #tpu.memory_space<hbm>> -> memref<128x64xf32, #tpu.memory_space<hbm>>
    %dma_wait3A_74 = arith.constant 0 : i32
    %dma_wait3A_75 = tpu.memref_slice %arg5[%mul3A_71, %dma_wait3A_74] : memref<204800x64xf32, #tpu.memory_space<hbm>> -> memref<128x64xf32, #tpu.memory_space<hbm>>
    tpu.wait_dma2 semaphore(%arg25 : memref<!tpu.dma_semaphore, #tpu.memory_space<semaphore_mem>>) src(%arg14 : memref<128x64xf32, #tpu.memory_space<vmem>>) dst(%dma_wait3A_75 : memref<128x64xf32, #tpu.memory_space<hbm>>)
    %add3A_76 = arith.constant 50 : i32
    %add3A_77 = arith.addi %mul3A_2, %add3A_76 : i32
    %sub3A_78 = arith.constant 5 : i32
    %sub3A_79 = arith.subi %add3A_77, %sub3A_78 : i32
    %add3A_80 = arith.constant 3 : i32
    %add3A_81 = arith.addi %sub3A_79, %add3A_80 : i32
    %mul3A_82 = arith.constant 128 : i32
    %mul3A_83 = arith.muli %add3A_81, %mul3A_82 : i32
    %dma_wait3A_84 = arith.constant 0 : i32
    %dma_wait3A_85 = tpu.memref_slice %arg5[%mul3A_83, %dma_wait3A_84] : memref<204800x64xf32, #tpu.memory_space<hbm>> -> memref<128x64xf32, #tpu.memory_space<hbm>>
    %dma_wait3A_86 = arith.constant 0 : i32
    %dma_wait3A_87 = tpu.memref_slice %arg5[%mul3A_83, %dma_wait3A_86] : memref<204800x64xf32, #tpu.memory_space<hbm>> -> memref<128x64xf32, #tpu.memory_space<hbm>>
    tpu.wait_dma2 semaphore(%arg26 : memref<!tpu.dma_semaphore, #tpu.memory_space<semaphore_mem>>) src(%arg15 : memref<128x64xf32, #tpu.memory_space<vmem>>) dst(%dma_wait3A_87 : memref<128x64xf32, #tpu.memory_space<hbm>>)
    %add3A_88 = arith.constant 50 : i32
    %add3A_89 = arith.addi %mul3A_2, %add3A_88 : i32
    %sub3A_90 = arith.constant 5 : i32
    %sub3A_91 = arith.subi %add3A_89, %sub3A_90 : i32
    %add3A_92 = arith.constant 4 : i32
    %add3A_93 = arith.addi %sub3A_91, %add3A_92 : i32
    %mul3A_94 = arith.constant 128 : i32
    %mul3A_95 = arith.muli %add3A_93, %mul3A_94 : i32
    %dma_wait3A_96 = arith.constant 0 : i32
    %dma_wait3A_97 = tpu.memref_slice %arg5[%mul3A_95, %dma_wait3A_96] : memref<204800x64xf32, #tpu.memory_space<hbm>> -> memref<128x64xf32, #tpu.memory_space<hbm>>
    %dma_wait3A_98 = arith.constant 0 : i32
    %dma_wait3A_99 = tpu.memref_slice %arg5[%mul3A_95, %dma_wait3A_98] : memref<204800x64xf32, #tpu.memory_space<hbm>> -> memref<128x64xf32, #tpu.memory_space<hbm>>
    tpu.wait_dma2 semaphore(%arg27 : memref<!tpu.dma_semaphore, #tpu.memory_space<semaphore_mem>>) src(%arg16 : memref<128x64xf32, #tpu.memory_space<vmem>>) dst(%dma_wait3A_99 : memref<128x64xf32, #tpu.memory_space<hbm>>)
    return
  }
}

</mosaic_0001>

<sc_bundles>
// kernel: kernel.3.cloned.1.call-start
scs
__scs_entry_jumppad:
0x0: {  	(pc) =	sbr.rel $0x88, $3  }
0x1: {  	(tag) =	ssettag $0x0;
	lr =	simm.s32 $0x1  }
0x2: {  	[smem:$0x3F9F] =	sst lr;
	_ =	strace $0xD0000000  }
0x3: {  	_ = 	snop  }
0x4: {  	_ = 	snop  }
0x5: {  	_ = 	snop  }
0x6: {  	_ = 	snop  }
0x7: {  	_ = 	snop  }
__scs_overlays_trampoline_lowered:
0x8: {  	[smem:$0x3FAE] =	sst s0  }
0x9: {  	[smem:$0x3FAF] =	sst s1  }
0xa: {  	[smem:$0x3FB0] =	sst s2  }
0xb: {  	[smem:$0x3FB1] =	sst s3  }
0xc: {  	[smem:$0x3FB2] =	sst s4  }
0xd: {  	[smem:$0x3FB3] =	sst s5  }
0xe: {  	[smem:$0x3FB4] =	sst s6  }
0xf: {  	[smem:$0x3FB5] =	sst s7  }
0x10: {  	[smem:$0x3FB6] =	sst s8  }
0x11: {  	[smem:$0x3FB7] =	sst s9;
	s0 =	simm.s32 @!p0 $0x0  }
0x12: {  	s1 =	sld [smem:$0x3F9D];
	s0 =	simm.s32 @p0 $0x1  }
0x13: {  	[smem:$0x3FB8] =	sst s0;
	s0 =	simm.s32 @!p1 $0x0  }
0x14: {  	s2 =	sld [smem:$0x3F9C];
	s0 =	simm.s32 @p1 $0x1  }
0x15: {  	[smem:$0x3FB9] =	sst s0;
	s0 =	simm.s32 @!p2 $0x0  }
0x16: {  	s3 =	sld [smem:$0x3FDB];
	s0 =	simm.s32 @p2 $0x1  }
0x17: {  	s4 =	simm.s32 $0x1BF5;
	[smem:$0x3FBB] =	sst s0  }
0x18: {  	s0 =	sld [smem:$0x3F9E];
	_ =	swait.ge [sflag:s4], $0x0  }
0x19: {  	s7 =	sld [smem:$0x3F9F]  }
0x1a: {  	s8 =	sadd.s32 $0xFFFFE003, lr  }
0x1b: {  	s9 =	sadd.s32 $0xFFFFFEF7, lr;
	s5 =	simm.s32 $0xFFFFFFFF;
	p2 =	slt.u32 s8, $0xFFFFF086  }
0x1c: {  	p1 =	slt.u32 s9, $0xF7A;
	s5 =	simm.s32 @!p2 $0x0  }
0x1d: {  	s5 =	simm.s32 @p1 $0x1;
	p0 =	seq.s32 s7, s2  }
0x1e: {  	s7 =	smul.u32 @!p0 $0xF7A, s2;
	p2 =	seq.s32 @!p0 s5, $0x0  }
0x1f: {  	s9 =	smul.u32 $0xF7A, s1;
	s8 =	simm.s32 @!p0 $0x1BF5;
	p2 =	por !p2, p0  }
0x20: {  	[sflag:s8] =	ssyncset.s32 @!p0 $0xFFFFF086;
	s6 =	sadd.s32 @!p0 s3, s7;
	s7 =	simm.s32 @!p0 $0x108  }
0x21: {  	s3 =	sadd.s32 s3, s9;
	s6 =	sadd.s32 @!p0 $0x88, s6;
	s7 =	simm.s32 @p2 $0x1082  }
0x22: {  	[simem:s7], [sflag:s8] =	dma.local @!p0 [hbm:s6], $0xF7A  }
0x23: {  	s9 =	sor.u32 $0xD0000000, s2;
	s6 =	simm.s32 $0x108;
	_ =	swait.ge @!p0 [sflag:s8], $0x0  }
0x24: {  	s3 =	sadd.s32 $0x88, s3;
	s6 =	simm.s32 @!p1 $0x1082;
	[sflag:s4] =	ssyncset.s32 $0xFFFFF086  }
0x25: {  	[simem:s6], [sflag:s4] =	dma.local [hbm:s3], $0xF7A  }
0x26: {  	[smem:$0x3F9F] =	sst s1;
	(tag) =	ssettag s2;
	_ =	strace s9  }
0x27: {  	s1 =	sld [smem:$0x3FAF]  }
0x28: {  	s2 =	sld [smem:$0x3FB0]  }
0x29: {  	s4 =	sld [smem:$0x3FB2]  }
0x2a: {  	p0 =	seq.s32 s5, $0x0;
	s5 =	sld [smem:$0x3FB3]  }
0x2b: {  	s6 =	sld [smem:$0x3FB4]  }
0x2c: {  	s7 =	sld [smem:$0x3FB5]  }
0x2d: {  	s3 =	simm.s32 $0x108;
	s8 =	sld [smem:$0x3FB6]  }
0x2e: {  	s3 =	simm.s32 @!p0 $0x1082;
	s9 =	sld [smem:$0x3FB7]  }
0x2f: {  	lr =	sadd.s32 s0, s3;
	s0 =	sld [smem:$0x3FAE]  }
0x30: {  	s3 =	sld [smem:$0x3FB1]  }
0x31: {  	[smem:$0x3FBA] =	sst s10  }
0x32: {  	s10 =	sld [smem:$0x3FB8];
	_ =	sdelay $0x3  }
0x33: {  	p0 =	seq.s32 s10, $0x1;
	s10 =	sld [smem:$0x3FBA];
	_ =	sdelay $0x3  }
0x34: {  	[smem:$0x3FBA] =	sst s10  }
0x35: {  	s10 =	sld [smem:$0x3FB9];
	_ =	sdelay $0x3  }
0x36: {  	p1 =	seq.s32 s10, $0x1;
	s10 =	sld [smem:$0x3FBA];
	_ =	sdelay $0x3  }
0x37: {  	[smem:$0x3FBA] =	sst s10  }
0x38: {  	s10 =	sld [smem:$0x3FBB]  }
0x39: {  	_ = 	snop;
	(pc) =	sbr.ind lr, $3  }
0x3a: {  	_ = 	snop  }
0x3b: {  	_ = 	snop  }
0x3c: {  	p2 =	seq.s32 s10, $0x1;
	s10 =	sld [smem:$0x3FBA]  }
0x3d: {  	_ =	shalt  }
0x3e: {  	_ =	shalt  }
0x3f: {  	_ =	shalt  }
0x40: {  	_ =	shalt  }
0x41: {  	_ =	shalt  }
0x42: {  	_ =	shalt  }
0x43: {  	_ =	shalt  }
0x44: {  	_ =	shalt  }
0x45: {  	_ =	shalt  }
0x46: {  	_ =	shalt  }
0x47: {  	_ =	shalt  }
0x48: {  	_ =	shalt  }
0x49: {  	_ =	shalt  }
0x4a: {  	_ =	shalt  }
0x4b: {  	_ =	shalt  }
0x4c: {  	_ =	shalt  }
0x4d: {  	_ =	shalt  }
0x4e: {  	_ =	shalt  }
0x4f: {  	_ =	shalt  }
0x50: {  	_ =	shalt  }
0x51: {  	_ =	shalt  }
0x52: {  	_ =	shalt  }
0x53: {  	_ =	shalt  }
0x54: {  	_ =	shalt  }
0x55: {  	_ =	shalt  }
0x56: {  	_ =	shalt  }
0x57: {  	_ =	shalt  }
0x58: {  	_ =	shalt  }
0x59: {  	_ =	shalt  }
0x5a: {  	_ =	shalt  }
0x5b: {  	_ =	shalt  }
0x5c: {  	_ =	shalt  }
0x5d: {  	_ =	shalt  }
0x5e: {  	_ =	shalt  }
0x5f: {  	_ =	shalt  }
0x60: {  	_ =	shalt  }
0x61: {  	_ =	shalt  }
0x62: {  	_ =	shalt  }
0x63: {  	_ =	shalt  }
0x64: {  	_ =	shalt  }
0x65: {  	_ =	shalt  }
0x66: {  	_ =	shalt  }
0x67: {  	_ =	shalt  }
0x68: {  	_ =	shalt  }
0x69: {  	_ =	shalt  }
0x6a: {  	_ =	shalt  }
0x6b: {  	_ =	shalt  }
0x6c: {  	_ =	shalt  }
0x6d: {  	_ =	shalt  }
0x6e: {  	_ =	shalt  }
0x6f: {  	_ =	shalt  }
0x70: {  	_ =	shalt  }
0x71: {  	_ =	shalt  }
0x72: {  	_ =	shalt  }
0x73: {  	_ =	shalt  }
0x74: {  	_ =	shalt  }
0x75: {  	_ =	shalt  }
0x76: {  	_ =	shalt  }
0x77: {  	_ =	shalt  }
0x78: {  	_ =	shalt  }
0x79: {  	_ =	shalt  }
0x7a: {  	_ =	shalt  }
0x7b: {  	_ =	shalt  }
0x7c: {  	_ =	shalt  }
0x7d: {  	_ =	shalt  }
0x7e: {  	_ =	shalt  }
0x7f: {  	_ =	shalt  }
0x80: {  	_ =	shalt  }
0x81: {  	_ =	shalt  }
0x82: {  	_ =	shalt  }
0x83: {  	_ =	shalt  }
0x84: {  	_ =	shalt  }
0x85: {  	_ =	shalt  }
0x86: {  	_ =	shalt  }
0x87: {  	_ =	shalt  }
.Lfunc_end0:
.L_simem_size_0:
called_computation.1_lowered:
.L_overlay_start_0:
0x88: {  	s2 =	sld [smem:$0x3FD9]  }
0x89: {  	s3 =	sld [smem:$0x3FFE];
	_ =	sdelay $0x1  }
0x8a: {  	s1 =	srdreg.scid  }
0x8b: {  	s0 =	sand.u32 $0x1, s1  }
0x8c: {  	s17 =	sshll.u32 s0, $0xA;
	s2 =	sadd.s32 s3, s2  }
0x8d: {  	s2 =	sadd.s32 s2, s17  }
0x8e: {  	[smem:$0x3FC6] =	sst s2  }
0x8f: {  	_ = 	snop  }
0x90: {  	s2 =	sld [smem:$0x3FD0];
	(tm) =	ssettm $0x1  }
0x91: {  	s18 =	sld [smem:$0x3FFB];
	_ =	sdelay $0x3  }
0x92: {  	_ =	strace s18  }
0x93: {  	s3 =	sld [smem:$0x3FFC];
	_ =	sdelay $0x3  }
0x94: {  	_ =	strace s3  }
0x95: {  	s3 =	sld [smem:$0x3FFD];
	_ =	sdelay $0x3  }
0x96: {  	_ =	strace s3  }
0x97: {  	_ =	strace $0x8FFFFFFF  }
0x98: {  	s19 =	sld [smem:$0x3FDB];
	_ =	sdelay $0x1  }
0x99: {  	s4 =	simm.s32 $_scs_section_size  }
0x9a: {  	s5 =	simm.s32 $_size__tile_overlayer_lowered;
	s6 =	simm.s32 $_tile_overlayer_lowered  }
0x9b: {  	s22 =	simm.s32 $0x1BFF;
	s21 =	sshll.u32 s6, $0x1;
	s3 =	sadd.s32 s4, s19  }
0x9c: {  	s7 =	simm.s32 $0x0;
	s20 =	sshll.u32 s5, $0x1;
	s5 =	sadd.s32 s21, s3  }
0x9d: {  	[timem:s7], [sflag:s22] =	dma.local [hbm:s5], s20  }
0x9e: {  	_ =	swait.ge [sflag:s22], s20  }
0x9f: {  	s4 =	ssub.s32 $0x0, s20;
	[sflag:s22] =	ssyncset.done $0x0  }
0xa0: {  	[sflag:s22] =	ssyncadd.s32 s4;
	_ =	sdelay $0x1  }
0xa1: {  	s23 =	simm.s32 $0x1B8B  }
0xa2: {  	_ =	swait.ge [sflag:s23], $0x1  }
0xa3: {  	[sflag:s23] =	ssyncset.done $0x0  }
0xa4: {  	s25 =	simm.s32 $0x1B8E;
	s24 =	sld [smem:$0x3FFE];
	[sflag:s23] =	ssyncadd.s32 $0xFFFFFFFF  }
0xa5: {  	s26 =	simm.s32 $execute0_lowered;
	[smem:$0x3FD2] =	sst s25  }
0xa6: {  	s5 =	sshll.u32 s26, $0x1;
	_ =	strace $0x80000046;
	[dreg:$0x1] =	wrdreg $0xFFFFFFFF  }
0xa7: {  	s28 =	simm.s32 $_size_execute0_lowered;
	s3 =	sadd.s32 s3, s5;
	[dreg:$0x0] =	wrdreg $0x0  }
0xa8: {  	s5 =	sshll.u32 s28, $0x1;
	[dreg:$0x2] =	wrdreg s3  }
0xa9: {  	[dreg:$0x3] =	wrdreg s5  }
0xaa: {  	[dreg:$0x4] =	wrdreg $0xC0  }
0xab: {  	_ =	task [dreg:s7], $0x5FFFF  }
0xac: {  	[dreg:$0x1] =	wrdreg $0xFFFFFFFF  }
0xad: {  	[dreg:$0x0] =	wrdreg $0x60  }
0xae: {  	[dreg:$0x2] =	wrdreg s24  }
0xaf: {  	[dreg:$0x3] =	wrdreg s2  }
0xb0: {  	[dreg:$0x4] =	wrdreg $0x9  }
0xb1: {  	_ =	task.clear_ibuf [dreg:s7], $0x5FFFF;
	_ =	strace $0x90000046  }
0xb2: {  	s29 =	simm.s32 $0x9;
	_ =	strace $0x80000048  }
0xb3: {  	_ =	swait.ge [sflag:s29], $0x1  }
0xb4: {  	[sflag:s29] =	ssyncadd.s32 $0xFFFFFFFF  }
0xb5: {  	_ =	strace $0x90000048  }
0xb6: {  	_ =	sfence  }
0xb7: {  	s30 =	sld [smem:$0x0];
	_ =	sdelay $0x2  }
0xb8: {  	s31 =	sshll.u32 s1, $0xD;
	s1 =	sshrl.u32 s1, $0x2  }
0xb9: {  	s3 =	sand.u32 $0x4000, s31;
	s1 =	sadd.s32 s1, s30  }
0xba: {  	s0 =	sor.u32 s3, s0;
	s1 =	sshll.u32 s1, $0x11  }
0xbb: {  	s0 =	sor.u32 s1, s0  }
0xbc: {  	s0 =	sadd.s32 $0x8F2B, s0  }
0xbd: {  	[sflag:s0] =	ssyncadd.remote.s32 $0x1  }
0xbe: {  	_ =	sfence.sel $0xFFFF  }
0xbf: {  	[dreg:$0x0] =	wrdreg $0xFFFFFFFF;
	(pc) =	sbr.abs _section_cstart, $3  }
0xc0: {  	[dreg:$0x1] =	wrdreg $0xFFFFFFFF  }
0xc1: {  	_ =	task.clear_ibuf [dreg:s7], $0x2FFFF;
	_ =	strace $0x9FFFFFFF  }
0xc2: {  	(tm) =	ssettm $0x7FFFFFFF  }
0xc3: {  	_ =	shalt  }
tec
execute0_lowered:
.L_overlay_start_1:
0x0: {  	(tag) =	ssettag $0x1  }
0x1: {  	s9 =	stileid.u32  }
0x2: {  	s14 =	smul.u32 $0x320000, s9  }
0x3: {  	s0 =	srdreg.scid;
	s19 =	smul.u32 $0x64, s9  }
0x4: {  	s0 =	sand.u32 $0x1, s0;
	s22 =	smul.u32 $0x3200, s9  }
0x5: {  	s1 =	rddreg [dreg:$0x0];
	s3 =	sshll.u32 s9, $0x1;
	s16 =	smul.u32 $0x190000, s0  }
0x6: {  	s2 =	rddreg [dreg:$0x1];
	s5 =	sor.u32 s0, s3;
	s20 =	smul.u32 $0x32, s0  }
0x7: {  	s3 =	simm.s32 $0x0;
	s7 =	ssub.s32 $0x2, s0;
	s0 =	smul.u32 $0x1900, s0  }
0x8: {  	s29 =	simm.s32 $0x5;
	s4 =	smul.u32 $0x320, s5;
	[smem:$0x7FF] =	sst s3  }
0x9: {  	s8 =	sshrl.u32 s7, $0x1;
	s11 =	smul.u32 $0x32, s5;
	_ =	strace $0x80000047  }
0xa: {  	s13 =	ssub.s32 s7, s8;
	s0 =	sadd.s32 s0, s22;
	s6 =	sadd.s32 s4, s1  }
0xb: {  	s4 =	sadd.s32 $0xF43000, s1;
	s1 =	sadd.s32 $0x7000, s1;
	[dreg:$0xa] =	wrdreg s0  }
0xc: {  	s5 =	sadd.s32 s16, s14;
	s15 =	sor.u32 $0x1, s11;
	[dreg:$0x3] =	wrdreg s1  }
0xd: {  	s17 =	sadd.s32 $0x2, s11;
	s18 =	sadd.s32 $0x3, s11;
	[dreg:$0x5] =	wrdreg s15  }
0xe: {  	s10 =	smov.u32 s11;
	s21 =	sor.u32 $0x3C0, s5;
	[dreg:$0x6] =	wrdreg s17  }
0xf: {  	s23 =	sshrl.u32 s5, $0x2;
	s6 =	sadd.s32 $0xC00, s6;
	[dreg:$0x7] =	wrdreg s18  }
0x10: {  	s1 =	smax.u32 s13, $0x1;
	s25 =	sadd.s32 $0x15900, s23;
	[dreg:$0x4] =	wrdreg s6  }
0x11: {  	[dreg:$0x8] =	wrdreg s1;
	s1 =	sshrl.u32 s21, $0x2;
	s6 =	sadd.s32 s20, s19  }
0x12: {  	[dreg:$0xb] =	wrdreg s25;
	s1 =	sadd.s32 $0x15900, s1;
	s24 =	sshll.u32 s6, $0x7  }
0x13: {  	s11 =	sadd.s32 $0x4, s11;
	[dreg:$0x9] =	wrdreg s1;
	s26 =	sor.u32 $0x80, s24  }
0x14: {  	s20 =	simm.s32 $0x2;
	s28 =	sadd.s32 $0x100, s24;
	[dreg:$0xc] =	wrdreg s26  }
0x15: {  	s6 =	simm.s32 $0x0;
	s30 =	sadd.s32 $0x180, s24;
	[dreg:$0xd] =	wrdreg s28  }
0x16: {  	s31 =	sadd.s32 $0x200, s24;
	s1 =	simm.s32 $0x1;
	[dreg:$0xe] =	wrdreg s30  }
0x17: {  	s24 =	simm.s32 $0x3;
	[dreg:$0xf] =	wrdreg s31;
	s26 =	simm.s32 $0x4  }
.LBB2_1:
0x18: {  	[dreg:$0x10] =	wrdreg s6  }
0x19: {  	s0 =	rddreg [dreg:$0x3];
	s5 =	simm.s32 $0x15900;
	s15 =	simm.s32 $0xB  }
0x1a: {  	[tilespmem:s5], [sflag:$0xB] =	stream.linear.gather [hbm4b:s0+s3], $0x6400, $0x38;
	[tilespmem:$0x1BD00] =	vst v63  }
0x1b: {  	_ =	swait.ge [sflag:s15], $0x6400  }
0x1c: {  	[sflag:s15] =	ssyncset.done $0x0  }
0x1d: {  	s16 =	rddreg [dreg:$0x4];
	[sflag:s15] =	ssyncadd.s32 $0xFFFF9C00  }
0x1e: {  	[tilespmem:s3], [sflag:$0xB] =	stream.linear.gather [hbm4b:s16+s3], $0x1900, $0x38;
	[tilespmem:$0x1BD00] =	vst v63  }
0x1f: {  	_ =	swait.ge [sflag:s15], $0x1900  }
0x20: {  	s17 =	simm.s32 $0x80;
	[sflag:s15] =	ssyncset.done $0x0;
	s16 =	rddreg [dreg:$0xc]  }
0x21: {  	s18 =	simm.s32 $0x1900;
	s31 =	rddreg [dreg:$0xa];
	[sflag:s15] =	ssyncadd.s32 $0xFFFFE700  }
0x22: {  	[tilespmem:s18], [sflag:$0x1] =	stream.indirect.gather [hbm4b:s4+s17], $0x40, s3, s17, $0xb8;
	[tilespmem:$0x1BD00] =	vst v63  }
0x23: {  	s19 =	simm.s32 $0x3900;
	s6 =	rddreg [dreg:$0x9]  }
0x24: {  	[tilespmem:s19], [sflag:$0x2] =	stream.indirect.gather [hbm4b:s4+s17], $0x40, s17, s17, $0xb8;
	[tilespmem:$0x1BD00] =	vst v63  }
0x25: {  	s21 =	simm.s32 $0x100;
	s22 =	simm.s32 $0x5900;
	s15 =	rddreg [dreg:$0xb]  }
0x26: {  	[tilespmem:s22], [sflag:$0x3] =	stream.indirect.gather [hbm4b:s4+s17], $0x40, s21, s17, $0xb8;
	[tilespmem:$0x1BD00] =	vst v63  }
0x27: {  	s23 =	simm.s32 $0x180;
	s25 =	simm.s32 $0x7900;
	s18 =	rddreg [dreg:$0xe]  }
0x28: {  	[tilespmem:s25], [sflag:$0x4] =	stream.indirect.gather [hbm4b:s4+s17], $0x40, s23, s17, $0xb8;
	[tilespmem:$0x1BD00] =	vst v63  }
0x29: {  	s28 =	simm.s32 $0x200;
	s30 =	simm.s32 $0x9900;
	s19 =	rddreg [dreg:$0xf]  }
0x2a: {  	[tilespmem:s30], [sflag:$0x5] =	stream.indirect.gather [hbm4b:s4+s17], $0x40, s28, s17, $0xb8;
	[tilespmem:$0x1BD00] =	vst v63  }
0x2b: {  	s7 =	simm.s32 $0x0;
	s17 =	rddreg [dreg:$0xd]  }
.LBB2_2:
0x2c: {  	s0 =	smulhi.u32 $0x51EB851F, s31;
	_ =	swait.ge [sflag:s1], $0x2000  }
0x2d: {  	p0 =	seq.s32 s7, $0x0;
	[sflag:s1] =	ssyncset.done $0x0  }
0x2e: {  	s5 =	simm.s32 @!p0 $0x6;
	s0 =	sshrl.u32 s0, $0x6;
	[sflag:s1] =	ssyncadd.s32 $0xFFFFE000  }
0x2f: {  	s0 =	smul.u32 $0xFFFF3800, s0;
	_ =	swait.ge @!p0 [sflag:s5], $0x2000  }
0x30: {  	[sflag:s5] =	ssyncset.done @!p0 $0x0  }
0x31: {  	s8 =	sshra.s32 s0, $0x2;
	[sflag:s5] =	ssyncadd.s32 @!p0 $0xFFFFE000;
	s0 =	simm.s32 $0x1980  }
0x32: {  	s13 =	sadd.s32 s8, s6;
	v0 =	vld [tilespmem:s0+$0xFFFFFF80]  }
0x33: {  	v1 =	vld [tilespmem:s13+$0xFFFFFF10];
	_ =	sdelay $0x4  }
0x34: {  	v0 =	vadd.f32 v1, v0  }
0x35: {  	s23 =	simm.s32 $0xB980  }
0x36: {  	[tilespmem:s23+$0xFFFFFF80] =	vst v0  }
0x37: {  	v0 =	vld [tilespmem:s13+$0xFFFFFF20]  }
0x38: {  	v1 =	vld [tilespmem:s0+$0xFFFFFF90];
	_ =	sdelay $0x4  }
0x39: {  	v0 =	vadd.f32 v0, v1;
	_ =	sdelay $0x1  }
0x3a: {  	[tilespmem:s23+$0xFFFFFF90] =	vst v0  }
0x3b: {  	v0 =	vld [tilespmem:s0+$0xFFFFFFA0]  }
0x3c: {  	v1 =	vld [tilespmem:s13+$0xFFFFFF30];
	_ =	sdelay $0x4  }
0x3d: {  	v0 =	vadd.f32 v1, v0;
	_ =	sdelay $0x1  }
0x3e: {  	[tilespmem:s23+$0xFFFFFFA0] =	vst v0  }
0x3f: {  	v0 =	vld [tilespmem:s0+$0xFFFFFFB0]  }
0x40: {  	v1 =	vld [tilespmem:s13+$0xFFFFFF40];
	_ =	sdelay $0x4  }
0x41: {  	v0 =	vadd.f32 v1, v0;
	_ =	sdelay $0x1  }
0x42: {  	[tilespmem:s23+$0xFFFFFFB0] =	vst v0  }
0x43: {  	v0 =	vld [tilespmem:s0+$0xFFFFFFC0]  }
0x44: {  	v1 =	vld [tilespmem:s13+$0xFFFFFF50];
	_ =	sdelay $0x4  }
0x45: {  	v0 =	vadd.f32 v1, v0;
	_ =	sdelay $0x1  }
0x46: {  	[tilespmem:s23+$0xFFFFFFC0] =	vst v0  }
0x47: {  	v0 =	vld [tilespmem:s0+$0xFFFFFFD0]  }
0x48: {  	v1 =	vld [tilespmem:s13+$0xFFFFFF60];
	_ =	sdelay $0x4  }
0x49: {  	v0 =	vadd.f32 v1, v0;
	_ =	sdelay $0x1  }
0x4a: {  	[tilespmem:s23+$0xFFFFFFD0] =	vst v0  }
0x4b: {  	v0 =	vld [tilespmem:s0+$0xFFFFFFE0]  }
0x4c: {  	v1 =	vld [tilespmem:s13+$0xFFFFFF70];
	_ =	sdelay $0x4  }
0x4d: {  	v0 =	vadd.f32 v1, v0;
	_ =	sdelay $0x1  }
0x4e: {  	[tilespmem:s23+$0xFFFFFFE0] =	vst v0  }
0x4f: {  	v0 =	vld [tilespmem:s0+$0xFFFFFFF0]  }
0x50: {  	v1 =	vld [tilespmem:s13+$0xFFFFFF80];
	_ =	sdelay $0x4  }
0x51: {  	v0 =	vadd.f32 v1, v0;
	_ =	sdelay $0x1  }
0x52: {  	[tilespmem:s23+$0xFFFFFFF0] =	vst v0  }
0x53: {  	v0 =	vld [tilespmem:s0+$0x0]  }
0x54: {  	v1 =	vld [tilespmem:s13+$0xFFFFFF90];
	_ =	sdelay $0x4  }
0x55: {  	v0 =	vadd.f32 v1, v0;
	_ =	sdelay $0x1  }
0x56: {  	[tilespmem:s23+$0x0] =	vst v0  }
0x57: {  	v0 =	vld [tilespmem:s0+$0x10]  }
0x58: {  	v1 =	vld [tilespmem:s13+$0xFFFFFFA0];
	_ =	sdelay $0x4  }
0x59: {  	v0 =	vadd.f32 v1, v0;
	_ =	sdelay $0x1  }
0x5a: {  	[tilespmem:s23+$0x10] =	vst v0  }
0x5b: {  	v0 =	vld [tilespmem:s0+$0x20]  }
0x5c: {  	v1 =	vld [tilespmem:s13+$0xFFFFFFB0];
	_ =	sdelay $0x4  }
0x5d: {  	v0 =	vadd.f32 v1, v0;
	_ =	sdelay $0x1  }
0x5e: {  	[tilespmem:s23+$0x20] =	vst v0  }
0x5f: {  	v0 =	vld [tilespmem:s0+$0x30]  }
0x60: {  	v1 =	vld [tilespmem:s13+$0xFFFFFFC0];
	_ =	sdelay $0x4  }
0x61: {  	v0 =	vadd.f32 v1, v0;
	_ =	sdelay $0x1  }
0x62: {  	[tilespmem:s23+$0x30] =	vst v0  }
0x63: {  	v0 =	vld [tilespmem:s0+$0x40]  }
0x64: {  	v1 =	vld [tilespmem:s13+$0xFFFFFFD0];
	_ =	sdelay $0x4  }
0x65: {  	v0 =	vadd.f32 v1, v0  }
0x66: {  	s21 =	smulhi.u32 $0x51EB851F, s19  }
0x67: {  	s9 =	smulhi.u32 $0x51EB851F, s17;
	[tilespmem:s23+$0x40] =	vst v0  }
0x68: {  	s12 =	smulhi.u32 $0x51EB851F, s16;
	v0 =	vld [tilespmem:s0+$0x50]  }
0x69: {  	s22 =	smulhi.u32 $0x51EB851F, s18;
	s9 =	sshrl.u32 s9, $0x6;
	v1 =	vld [tilespmem:s13+$0xFFFFFFE0]  }
0x6a: {  	s12 =	sshrl.u32 s12, $0x6;
	s9 =	smul.u32 $0xFFFF3800, s9  }
0x6b: {  	s25 =	smul.u32 $0xFFFF3800, s12  }
0x6c: {  	s12 =	smul.u32 $0x5, s7;
	s5 =	sshrl.u32 s21, $0x6  }
0x6d: {  	s5 =	smul.u32 $0xFFFF3800, s5;
	s8 =	sshrl.u32 s22, $0x6  }
0x6e: {  	s9 =	sshra.s32 s9, $0x2;
	s8 =	smul.u32 $0xFFFF3800, s8;
	v0 =	vadd.f32 v1, v0  }
0x6f: {  	s30 =	simm.s32 $0xB980;
	s28 =	sadd.s32 s10, s12;
	s14 =	sadd.s32 s9, s15  }
0x70: {  	s9 =	sadd.s32 $0x100, s13;
	s5 =	sshra.s32 s5, $0x2;
	s8 =	sshra.s32 s8, $0x2;
	[tilespmem:s23+$0x50] =	vst v0  }
0x71: {  	s22 =	sadd.s32 s5, s15;
	s5 =	sshra.s32 s25, $0x2;
	s21 =	sadd.s32 s8, s15;
	v0 =	vld [tilespmem:s0+$0x60]  }
0x72: {  	s25 =	sadd.s32 s5, s15;
	s8 =	simm.s32 $0x0;
	s5 =	simm.s32 $0x1980;
	v1 =	vld [tilespmem:s13+$0xFFFFFFF0]  }
.LBB2_3:
0x73: {  	s8 =	sadd.s32 $0x4, s8;
	s0 =	sadd.s32 $0x100, s0;
	s23 =	sadd.s32 $0x100, s23  }
0x74: {  	p1 =	slt.u32 s8, $0x7C;
	_ =	sdelay $0x2  }
0x75: {  	v0 =	vadd.f32 v1, v0;
	_ =	sdelay $0x1  }
0x76: {  	[tilespmem:s30+$0x60] =	vst v0  }
0x77: {  	v0 =	vld [tilespmem:s5+$0x70];
	s5 =	smov.u32 s0  }
0x78: {  	v1 =	vld [tilespmem:s13+$0x0];
	s13 =	smov.u32 s9;
	_ =	sdelay $0x4  }
0x79: {  	v0 =	vadd.f32 v1, v0;
	_ =	sdelay $0x1  }
0x7a: {  	[tilespmem:s30+$0x70] =	vst v0;
	s30 =	smov.u32 s23  }
0x7b: {  	v0 =	vld [tilespmem:s0+$0xFFFFFF80]  }
0x7c: {  	v1 =	vld [tilespmem:s9+$0xFFFFFF10];
	_ =	sdelay $0x4  }
0x7d: {  	v0 =	vadd.f32 v1, v0;
	_ =	sdelay $0x1  }
0x7e: {  	[tilespmem:s23+$0xFFFFFF80] =	vst v0  }
0x7f: {  	v0 =	vld [tilespmem:s9+$0xFFFFFF20]  }
0x80: {  	v1 =	vld [tilespmem:s0+$0xFFFFFF90];
	_ =	sdelay $0x4  }
0x81: {  	v0 =	vadd.f32 v0, v1;
	_ =	sdelay $0x1  }
0x82: {  	[tilespmem:s23+$0xFFFFFF90] =	vst v0  }
0x83: {  	v0 =	vld [tilespmem:s0+$0xFFFFFFA0]  }
0x84: {  	v1 =	vld [tilespmem:s9+$0xFFFFFF30];
	_ =	sdelay $0x4  }
0x85: {  	v0 =	vadd.f32 v1, v0;
	_ =	sdelay $0x1  }
0x86: {  	[tilespmem:s23+$0xFFFFFFA0] =	vst v0  }
0x87: {  	v0 =	vld [tilespmem:s0+$0xFFFFFFB0]  }
0x88: {  	v1 =	vld [tilespmem:s9+$0xFFFFFF40];
	_ =	sdelay $0x4  }
0x89: {  	v0 =	vadd.f32 v1, v0;
	_ =	sdelay $0x1  }
0x8a: {  	[tilespmem:s23+$0xFFFFFFB0] =	vst v0  }
0x8b: {  	v0 =	vld [tilespmem:s0+$0xFFFFFFC0]  }
0x8c: {  	v1 =	vld [tilespmem:s9+$0xFFFFFF50];
	_ =	sdelay $0x4  }
0x8d: {  	v0 =	vadd.f32 v1, v0;
	_ =	sdelay $0x1  }
0x8e: {  	[tilespmem:s23+$0xFFFFFFC0] =	vst v0  }
0x8f: {  	v0 =	vld [tilespmem:s0+$0xFFFFFFD0]  }
0x90: {  	v1 =	vld [tilespmem:s9+$0xFFFFFF60];
	_ =	sdelay $0x4  }
0x91: {  	v0 =	vadd.f32 v1, v0;
	_ =	sdelay $0x1  }
0x92: {  	[tilespmem:s23+$0xFFFFFFD0] =	vst v0  }
0x93: {  	v0 =	vld [tilespmem:s0+$0xFFFFFFE0]  }
0x94: {  	v1 =	vld [tilespmem:s9+$0xFFFFFF70];
	_ =	sdelay $0x4  }
0x95: {  	v0 =	vadd.f32 v1, v0;
	_ =	sdelay $0x1  }
0x96: {  	[tilespmem:s23+$0xFFFFFFE0] =	vst v0  }
0x97: {  	v0 =	vld [tilespmem:s0+$0xFFFFFFF0]  }
0x98: {  	v1 =	vld [tilespmem:s9+$0xFFFFFF80];
	_ =	sdelay $0x4  }
0x99: {  	v0 =	vadd.f32 v1, v0;
	_ =	sdelay $0x1  }
0x9a: {  	[tilespmem:s23+$0xFFFFFFF0] =	vst v0  }
0x9b: {  	v0 =	vld [tilespmem:s0+$0x0]  }
0x9c: {  	v1 =	vld [tilespmem:s9+$0xFFFFFF90];
	_ =	sdelay $0x4  }
0x9d: {  	v0 =	vadd.f32 v1, v0;
	_ =	sdelay $0x1  }
0x9e: {  	[tilespmem:s23+$0x0] =	vst v0  }
0x9f: {  	v0 =	vld [tilespmem:s0+$0x10]  }
0xa0: {  	v1 =	vld [tilespmem:s9+$0xFFFFFFA0];
	_ =	sdelay $0x4  }
0xa1: {  	v0 =	vadd.f32 v1, v0;
	_ =	sdelay $0x1  }
0xa2: {  	[tilespmem:s23+$0x10] =	vst v0  }
0xa3: {  	v0 =	vld [tilespmem:s0+$0x20]  }
0xa4: {  	v1 =	vld [tilespmem:s9+$0xFFFFFFB0];
	_ =	sdelay $0x4  }
0xa5: {  	v0 =	vadd.f32 v1, v0;
	_ =	sdelay $0x1  }
0xa6: {  	[tilespmem:s23+$0x20] =	vst v0  }
0xa7: {  	v0 =	vld [tilespmem:s0+$0x30]  }
0xa8: {  	v1 =	vld [tilespmem:s9+$0xFFFFFFC0];
	_ =	sdelay $0x4  }
0xa9: {  	v0 =	vadd.f32 v1, v0;
	_ =	sdelay $0x1  }
0xaa: {  	[tilespmem:s23+$0x30] =	vst v0  }
0xab: {  	v0 =	vld [tilespmem:s0+$0x40]  }
0xac: {  	v1 =	vld [tilespmem:s9+$0xFFFFFFD0];
	_ =	sdelay $0x4  }
0xad: {  	v0 =	vadd.f32 v1, v0;
	_ =	sdelay $0x1  }
0xae: {  	[tilespmem:s23+$0x40] =	vst v0  }
0xaf: {  	v0 =	vld [tilespmem:s0+$0x50]  }
0xb0: {  	v1 =	vld [tilespmem:s9+$0xFFFFFFE0];
	_ =	sdelay $0x4  }
.Ltmp0:
0xb1: {  	v0 =	vadd.f32 v1, v0;
	(pc) =	sbr.rel @p1 .LBB2_3-.Ltmp0, $4  }
0xb2: {  	_ = 	snop  }
0xb3: {  	[tilespmem:s23+$0x50] =	vst v0  }
0xb4: {  	v0 =	vld [tilespmem:s0+$0x60]  }
0xb5: {  	s9 =	sadd.s32 $0x100, s9;
	v1 =	vld [tilespmem:s13+$0xFFFFFFF0]  }
0xb6: {  	_ =	sdelay $0x3  }
0xb7: {  	v0 =	vadd.f32 v1, v0;
	_ =	sdelay $0x1  }
0xb8: {  	[tilespmem:s30+$0x60] =	vst v0  }
0xb9: {  	v0 =	vld [tilespmem:s5+$0x70]  }
0xba: {  	v1 =	vld [tilespmem:s13+$0x0];
	_ =	sdelay $0x2  }
0xbb: {  	p1 =	seq.s32 s7, $0x9  }
0xbc: {  	s0 =	smul.u32 @!p1 $0xA00, s7  }
0xbd: {  	v0 =	vadd.f32 v1, v0  }
0xbe: {  	s23 =	sshll.u32 s28, $0xA;
	s13 =	sshra.s32 @!p1 s0, $0x2  }
0xbf: {  	s8 =	simm.s32 @!p1 $0x1900;
	s5 =	simm.s32 @!p1 $0x80;
	s0 =	sadd.s32 @!p1 $0x280, s13;
	[tilespmem:s30+$0x70] =	vst v0  }
0xc0: {  	[tilespmem:s8], [sflag:$0x1] =	stream.indirect.gather @!p1 [hbm4b:s4+s5], $0x40, s0, s5, $0xb8;
	[tilespmem:$0x1BD00] =	vst v63  }
0xc1: {  	s28 =	simm.s32 $0xB900;
	s0 =	sadd.s32 s2, s23  }
0xc2: {  	[hbm4b:s0+s3] =	stream.linear.scatter [tilespmem:s28], [sflag:$0x6], $0x2000, $0x38;
	[tilespmem:$0x1BD00] =	vst v63  }
0xc3: {  	_ =	swait.ge [sflag:s20], $0x2000  }
0xc4: {  	v0 =	vmov s25;
	[sflag:s20] =	ssyncset.done $0x0  }
0xc5: {  	s0 =	simm.s32 @!p0 $0x7;
	[sflag:s20] =	ssyncadd.s32 $0xFFFFE000  }
0xc6: {  	_ =	swait.ge @!p0 [sflag:s0], $0x2000  }
0xc7: {  	[sflag:s0] =	ssyncset.done @!p0 $0x0  }
0xc8: {  	[sflag:s0] =	ssyncadd.s32 @!p0 $0xFFFFE000;
	s0 =	simm.s32 $0x0  }
0xc9: {  	v1 =	vld.idx.msk [tilespmem:v0+s0+$0x2000 ss:$0x1], $0xffff  }
0xca: {  	v2 =	vld [tilespmem:s0+$0x3900];
	_ =	sdelay $0x4  }
0xcb: {  	v1 =	vadd.f32 v1, v2;
	_ =	sdelay $0x1  }
0xcc: {  	v2 =	vld [tilespmem:s0+$0x3910];
	[tilespmem:s0+$0xD900] =	vst v1  }
0xcd: {  	v1 =	vld.idx.msk [tilespmem:v0+s0+$0x2010 ss:$0x1], $0xffff;
	_ =	sdelay $0x4  }
0xce: {  	v1 =	vadd.f32 v1, v2;
	_ =	sdelay $0x1  }
0xcf: {  	v2 =	vld [tilespmem:s0+$0x3920];
	[tilespmem:s0+$0xD910] =	vst v1  }
0xd0: {  	v1 =	vld.idx.msk [tilespmem:v0+s0+$0x2020 ss:$0x1], $0xffff;
	_ =	sdelay $0x4  }
0xd1: {  	v1 =	vadd.f32 v1, v2;
	_ =	sdelay $0x1  }
0xd2: {  	v2 =	vld [tilespmem:s0+$0x3930];
	[tilespmem:s0+$0xD920] =	vst v1  }
0xd3: {  	v1 =	vld.idx.msk [tilespmem:v0+s0+$0x2030 ss:$0x1], $0xffff;
	_ =	sdelay $0x4  }
0xd4: {  	v1 =	vadd.f32 v1, v2;
	_ =	sdelay $0x1  }
0xd5: {  	v2 =	vld [tilespmem:s0+$0x3940];
	[tilespmem:s0+$0xD930] =	vst v1  }
0xd6: {  	v1 =	vld.idx.msk [tilespmem:v0+s0+$0x2040 ss:$0x1], $0xffff;
	_ =	sdelay $0x4  }
0xd7: {  	v1 =	vadd.f32 v1, v2;
	_ =	sdelay $0x1  }
0xd8: {  	v2 =	vld [tilespmem:s0+$0x3950];
	[tilespmem:s0+$0xD940] =	vst v1  }
0xd9: {  	v1 =	vld.idx.msk [tilespmem:v0+s0+$0x2050 ss:$0x1], $0xffff;
	_ =	sdelay $0x4  }
0xda: {  	v1 =	vadd.f32 v1, v2;
	_ =	sdelay $0x1  }
0xdb: {  	v2 =	vld [tilespmem:s0+$0x3960];
	[tilespmem:s0+$0xD950] =	vst v1  }
0xdc: {  	v1 =	vld.idx.msk [tilespmem:v0+s0+$0x2060 ss:$0x1], $0xffff;
	_ =	sdelay $0x4  }
0xdd: {  	v1 =	vadd.f32 v1, v2;
	_ =	sdelay $0x1  }
0xde: {  	v2 =	vld [tilespmem:s0+$0x3970];
	[tilespmem:s0+$0xD960] =	vst v1  }
0xdf: {  	v1 =	vld.idx.msk [tilespmem:v0+s0+$0x2070 ss:$0x1], $0xffff;
	_ =	sdelay $0x4  }
0xe0: {  	v1 =	vadd.f32 v1, v2;
	_ =	sdelay $0x1  }
0xe1: {  	v2 =	vld [tilespmem:s0+$0x3980];
	[tilespmem:s0+$0xD970] =	vst v1  }
0xe2: {  	v1 =	vld.idx.msk [tilespmem:v0+s0+$0x2080 ss:$0x1], $0xffff;
	_ =	sdelay $0x4  }
0xe3: {  	v1 =	vadd.f32 v1, v2;
	_ =	sdelay $0x1  }
0xe4: {  	v2 =	vld [tilespmem:s0+$0x3990];
	[tilespmem:s0+$0xD980] =	vst v1  }
0xe5: {  	v1 =	vld.idx.msk [tilespmem:v0+s0+$0x2090 ss:$0x1], $0xffff;
	_ =	sdelay $0x4  }
0xe6: {  	v1 =	vadd.f32 v1, v2;
	_ =	sdelay $0x1  }
0xe7: {  	v2 =	vld [tilespmem:s0+$0x39A0];
	[tilespmem:s0+$0xD990] =	vst v1  }
0xe8: {  	v1 =	vld.idx.msk [tilespmem:v0+s0+$0x20A0 ss:$0x1], $0xffff;
	_ =	sdelay $0x4  }
0xe9: {  	v1 =	vadd.f32 v1, v2;
	_ =	sdelay $0x1  }
0xea: {  	v2 =	vld [tilespmem:s0+$0x39B0];
	[tilespmem:s0+$0xD9A0] =	vst v1  }
0xeb: {  	v1 =	vld.idx.msk [tilespmem:v0+s0+$0x20B0 ss:$0x1], $0xffff;
	_ =	sdelay $0x4  }
0xec: {  	v1 =	vadd.f32 v1, v2;
	_ =	sdelay $0x1  }
0xed: {  	v2 =	vld [tilespmem:s0+$0x39C0];
	[tilespmem:s0+$0xD9B0] =	vst v1  }
0xee: {  	v1 =	vld.idx.msk [tilespmem:v0+s0+$0x20C0 ss:$0x1], $0xffff;
	_ =	sdelay $0x4  }
0xef: {  	v1 =	vadd.f32 v1, v2;
	_ =	sdelay $0x1  }
0xf0: {  	v2 =	vld [tilespmem:s0+$0x39D0];
	[tilespmem:s0+$0xD9C0] =	vst v1  }
0xf1: {  	v1 =	vld.idx.msk [tilespmem:v0+s0+$0x20D0 ss:$0x1], $0xffff;
	_ =	sdelay $0x4  }
0xf2: {  	v1 =	vadd.f32 v1, v2;
	_ =	sdelay $0x1  }
0xf3: {  	v2 =	vld [tilespmem:s0+$0x39E0];
	[tilespmem:s0+$0xD9D0] =	vst v1  }
0xf4: {  	v1 =	vld.idx.msk [tilespmem:v0+s0+$0x20E0 ss:$0x1], $0xffff;
	_ =	sdelay $0x4  }
0xf5: {  	v1 =	vadd.f32 v1, v2;
	_ =	sdelay $0x1  }
0xf6: {  	v2 =	vld [tilespmem:s0+$0x39F0];
	[tilespmem:s0+$0xD9E0] =	vst v1  }
0xf7: {  	v1 =	vld.idx.msk [tilespmem:v0+s0+$0x20F0 ss:$0x1], $0xffff;
	_ =	sdelay $0x4  }
0xf8: {  	s30 =	rddreg [dreg:$0x5];
	v1 =	vadd.f32 v1, v2  }
0xf9: {  	s5 =	simm.s32 $0x0;
	s8 =	simm.s32 $0x400;
	s23 =	sadd.s32 s12, s30  }
.LBB2_5:
0xfa: {  	s5 =	sadd.s32 $0x4, s5;
	[tilespmem:s0+$0xD9F0] =	vst v1;
	s0 =	sshra.s32 s8, $0x2  }
0xfb: {  	v1 =	vld.idx.msk [tilespmem:v0+s0+$0x2000 ss:$0x1], $0xffff;
	p2 =	slt.u32 s5, $0x7C  }
0xfc: {  	v2 =	vld [tilespmem:s0+$0x3900];
	_ =	sdelay $0x4  }
0xfd: {  	v1 =	vadd.f32 v1, v2;
	_ =	sdelay $0x1  }
0xfe: {  	[tilespmem:s0+$0xD900] =	vst v1  }
0xff: {  	v1 =	vld.idx.msk [tilespmem:v0+s0+$0x2010 ss:$0x1], $0xffff  }
0x100: {  	v2 =	vld [tilespmem:s0+$0x3910];
	_ =	sdelay $0x4  }
0x101: {  	v1 =	vadd.f32 v1, v2;
	_ =	sdelay $0x1  }
0x102: {  	[tilespmem:s0+$0xD910] =	vst v1  }
0x103: {  	v1 =	vld.idx.msk [tilespmem:v0+s0+$0x2020 ss:$0x1], $0xffff  }
0x104: {  	v2 =	vld [tilespmem:s0+$0x3920];
	_ =	sdelay $0x4  }
0x105: {  	v1 =	vadd.f32 v1, v2;
	_ =	sdelay $0x1  }
0x106: {  	[tilespmem:s0+$0xD920] =	vst v1  }
0x107: {  	v1 =	vld.idx.msk [tilespmem:v0+s0+$0x2030 ss:$0x1], $0xffff  }
0x108: {  	v2 =	vld [tilespmem:s0+$0x3930];
	_ =	sdelay $0x4  }
0x109: {  	v1 =	vadd.f32 v1, v2;
	_ =	sdelay $0x1  }
0x10a: {  	[tilespmem:s0+$0xD930] =	vst v1  }
0x10b: {  	v1 =	vld.idx.msk [tilespmem:v0+s0+$0x2040 ss:$0x1], $0xffff  }
0x10c: {  	v2 =	vld [tilespmem:s0+$0x3940];
	_ =	sdelay $0x4  }
0x10d: {  	v1 =	vadd.f32 v1, v2;
	_ =	sdelay $0x1  }
0x10e: {  	[tilespmem:s0+$0xD940] =	vst v1  }
0x10f: {  	v1 =	vld.idx.msk [tilespmem:v0+s0+$0x2050 ss:$0x1], $0xffff  }
0x110: {  	v2 =	vld [tilespmem:s0+$0x3950];
	_ =	sdelay $0x4  }
0x111: {  	v1 =	vadd.f32 v1, v2;
	_ =	sdelay $0x1  }
0x112: {  	[tilespmem:s0+$0xD950] =	vst v1  }
0x113: {  	v1 =	vld.idx.msk [tilespmem:v0+s0+$0x2060 ss:$0x1], $0xffff  }
0x114: {  	v2 =	vld [tilespmem:s0+$0x3960];
	_ =	sdelay $0x4  }
0x115: {  	v1 =	vadd.f32 v1, v2;
	_ =	sdelay $0x1  }
0x116: {  	[tilespmem:s0+$0xD960] =	vst v1  }
0x117: {  	v1 =	vld.idx.msk [tilespmem:v0+s0+$0x2070 ss:$0x1], $0xffff  }
0x118: {  	v2 =	vld [tilespmem:s0+$0x3970];
	_ =	sdelay $0x4  }
0x119: {  	v1 =	vadd.f32 v1, v2;
	_ =	sdelay $0x1  }
0x11a: {  	[tilespmem:s0+$0xD970] =	vst v1  }
0x11b: {  	v1 =	vld.idx.msk [tilespmem:v0+s0+$0x2080 ss:$0x1], $0xffff  }
0x11c: {  	v2 =	vld [tilespmem:s0+$0x3980];
	_ =	sdelay $0x4  }
0x11d: {  	v1 =	vadd.f32 v1, v2;
	_ =	sdelay $0x1  }
0x11e: {  	[tilespmem:s0+$0xD980] =	vst v1  }
0x11f: {  	v1 =	vld.idx.msk [tilespmem:v0+s0+$0x2090 ss:$0x1], $0xffff  }
0x120: {  	v2 =	vld [tilespmem:s0+$0x3990];
	_ =	sdelay $0x4  }
0x121: {  	v1 =	vadd.f32 v1, v2;
	_ =	sdelay $0x1  }
0x122: {  	[tilespmem:s0+$0xD990] =	vst v1  }
0x123: {  	v1 =	vld.idx.msk [tilespmem:v0+s0+$0x20A0 ss:$0x1], $0xffff  }
0x124: {  	v2 =	vld [tilespmem:s0+$0x39A0];
	_ =	sdelay $0x4  }
0x125: {  	v1 =	vadd.f32 v1, v2;
	_ =	sdelay $0x1  }
0x126: {  	[tilespmem:s0+$0xD9A0] =	vst v1  }
0x127: {  	v1 =	vld.idx.msk [tilespmem:v0+s0+$0x20B0 ss:$0x1], $0xffff  }
0x128: {  	v2 =	vld [tilespmem:s0+$0x39B0];
	_ =	sdelay $0x4  }
0x129: {  	v1 =	vadd.f32 v1, v2;
	_ =	sdelay $0x1  }
0x12a: {  	[tilespmem:s0+$0xD9B0] =	vst v1  }
0x12b: {  	v1 =	vld.idx.msk [tilespmem:v0+s0+$0x20C0 ss:$0x1], $0xffff  }
0x12c: {  	v2 =	vld [tilespmem:s0+$0x39C0];
	_ =	sdelay $0x4  }
0x12d: {  	v1 =	vadd.f32 v1, v2;
	_ =	sdelay $0x1  }
0x12e: {  	[tilespmem:s0+$0xD9C0] =	vst v1  }
0x12f: {  	v1 =	vld.idx.msk [tilespmem:v0+s0+$0x20D0 ss:$0x1], $0xffff  }
0x130: {  	v2 =	vld [tilespmem:s0+$0x39D0];
	_ =	sdelay $0x4  }
0x131: {  	v1 =	vadd.f32 v1, v2;
	_ =	sdelay $0x1  }
0x132: {  	[tilespmem:s0+$0xD9D0] =	vst v1  }
0x133: {  	v1 =	vld.idx.msk [tilespmem:v0+s0+$0x20E0 ss:$0x1], $0xffff  }
0x134: {  	v2 =	vld [tilespmem:s0+$0x39E0];
	_ =	sdelay $0x4  }
0x135: {  	v1 =	vadd.f32 v1, v2;
	_ =	sdelay $0x1  }
0x136: {  	[tilespmem:s0+$0xD9E0] =	vst v1  }
0x137: {  	v1 =	vld.idx.msk [tilespmem:v0+s0+$0x20F0 ss:$0x1], $0xffff  }
0x138: {  	v2 =	vld [tilespmem:s0+$0x39F0];
	_ =	sdelay $0x1  }
.Ltmp1:
0x139: {  	(pc) =	sbr.rel @p2 .LBB2_5-.Ltmp1, $3  }
0x13a: {  	_ =	sdelay $0x1  }
0x13b: {  	v1 =	vadd.f32 v1, v2  }
0x13c: {  	s8 =	sadd.s32 $0x400, s8  }
0x13d: {  	[tilespmem:s0+$0xD9F0] =	vst v1;
	s0 =	sadd.s32 @!p1 $0x300, s13  }
0x13e: {  	s5 =	simm.s32 @!p1 $0x80;
	s8 =	simm.s32 @!p1 $0x3900;
	s25 =	sshll.u32 s23, $0xA  }
0x13f: {  	[tilespmem:s8], [sflag:$0x2] =	stream.indirect.gather @!p1 [hbm4b:s4+s5], $0x40, s0, s5, $0xb8;
	[tilespmem:$0x1BD00] =	vst v63  }
0x140: {  	s0 =	sand.u32 $0x1FFFFC00, s25  }
0x141: {  	s28 =	simm.s32 $0xD900;
	s0 =	sadd.s32 s2, s0  }
0x142: {  	[hbm4b:s0+s3] =	stream.linear.scatter [tilespmem:s28], [sflag:$0x7], $0x2000, $0x38;
	[tilespmem:$0x1BD00] =	vst v63  }
0x143: {  	_ =	swait.ge [sflag:s24], $0x2000  }
0x144: {  	v0 =	vmov s14;
	[sflag:s24] =	ssyncset.done $0x0  }
0x145: {  	s0 =	simm.s32 @!p0 $0x8;
	[sflag:s24] =	ssyncadd.s32 $0xFFFFE000  }
0x146: {  	_ =	swait.ge @!p0 [sflag:s0], $0x2000  }
0x147: {  	[sflag:s0] =	ssyncset.done @!p0 $0x0  }
0x148: {  	[sflag:s0] =	ssyncadd.s32 @!p0 $0xFFFFE000;
	s0 =	simm.s32 $0x0  }
0x149: {  	v1 =	vld.idx.msk [tilespmem:v0+s0+$0x4000 ss:$0x1], $0xffff  }
0x14a: {  	v2 =	vld [tilespmem:s0+$0x5900];
	_ =	sdelay $0x4  }
0x14b: {  	v1 =	vadd.f32 v1, v2;
	_ =	sdelay $0x1  }
0x14c: {  	v2 =	vld [tilespmem:s0+$0x5910];
	[tilespmem:s0+$0xF900] =	vst v1  }
0x14d: {  	v1 =	vld.idx.msk [tilespmem:v0+s0+$0x4010 ss:$0x1], $0xffff;
	_ =	sdelay $0x4  }
0x14e: {  	v1 =	vadd.f32 v1, v2;
	_ =	sdelay $0x1  }
0x14f: {  	v2 =	vld [tilespmem:s0+$0x5920];
	[tilespmem:s0+$0xF910] =	vst v1  }
0x150: {  	v1 =	vld.idx.msk [tilespmem:v0+s0+$0x4020 ss:$0x1], $0xffff;
	_ =	sdelay $0x4  }
0x151: {  	v1 =	vadd.f32 v1, v2;
	_ =	sdelay $0x1  }
0x152: {  	v2 =	vld [tilespmem:s0+$0x5930];
	[tilespmem:s0+$0xF920] =	vst v1  }
0x153: {  	v1 =	vld.idx.msk [tilespmem:v0+s0+$0x4030 ss:$0x1], $0xffff;
	_ =	sdelay $0x4  }
0x154: {  	v1 =	vadd.f32 v1, v2;
	_ =	sdelay $0x1  }
0x155: {  	v2 =	vld [tilespmem:s0+$0x5940];
	[tilespmem:s0+$0xF930] =	vst v1  }
0x156: {  	v1 =	vld.idx.msk [tilespmem:v0+s0+$0x4040 ss:$0x1], $0xffff;
	_ =	sdelay $0x4  }
0x157: {  	v1 =	vadd.f32 v1, v2;
	_ =	sdelay $0x1  }
0x158: {  	v2 =	vld [tilespmem:s0+$0x5950];
	[tilespmem:s0+$0xF940] =	vst v1  }
0x159: {  	v1 =	vld.idx.msk [tilespmem:v0+s0+$0x4050 ss:$0x1], $0xffff;
	_ =	sdelay $0x4  }
0x15a: {  	v1 =	vadd.f32 v1, v2;
	_ =	sdelay $0x1  }
0x15b: {  	v2 =	vld [tilespmem:s0+$0x5960];
	[tilespmem:s0+$0xF950] =	vst v1  }
0x15c: {  	v1 =	vld.idx.msk [tilespmem:v0+s0+$0x4060 ss:$0x1], $0xffff;
	_ =	sdelay $0x4  }
0x15d: {  	v1 =	vadd.f32 v1, v2;
	_ =	sdelay $0x1  }
0x15e: {  	v2 =	vld [tilespmem:s0+$0x5970];
	[tilespmem:s0+$0xF960] =	vst v1  }
0x15f: {  	v1 =	vld.idx.msk [tilespmem:v0+s0+$0x4070 ss:$0x1], $0xffff;
	_ =	sdelay $0x4  }
0x160: {  	v1 =	vadd.f32 v1, v2;
	_ =	sdelay $0x1  }
0x161: {  	v2 =	vld [tilespmem:s0+$0x5980];
	[tilespmem:s0+$0xF970] =	vst v1  }
0x162: {  	v1 =	vld.idx.msk [tilespmem:v0+s0+$0x4080 ss:$0x1], $0xffff;
	_ =	sdelay $0x4  }
0x163: {  	v1 =	vadd.f32 v1, v2;
	_ =	sdelay $0x1  }
0x164: {  	v2 =	vld [tilespmem:s0+$0x5990];
	[tilespmem:s0+$0xF980] =	vst v1  }
0x165: {  	v1 =	vld.idx.msk [tilespmem:v0+s0+$0x4090 ss:$0x1], $0xffff;
	_ =	sdelay $0x4  }
0x166: {  	v1 =	vadd.f32 v1, v2;
	_ =	sdelay $0x1  }
0x167: {  	v2 =	vld [tilespmem:s0+$0x59A0];
	[tilespmem:s0+$0xF990] =	vst v1  }
0x168: {  	v1 =	vld.idx.msk [tilespmem:v0+s0+$0x40A0 ss:$0x1], $0xffff;
	_ =	sdelay $0x4  }
0x169: {  	v1 =	vadd.f32 v1, v2;
	_ =	sdelay $0x1  }
0x16a: {  	v2 =	vld [tilespmem:s0+$0x59B0];
	[tilespmem:s0+$0xF9A0] =	vst v1  }
0x16b: {  	v1 =	vld.idx.msk [tilespmem:v0+s0+$0x40B0 ss:$0x1], $0xffff;
	_ =	sdelay $0x4  }
0x16c: {  	v1 =	vadd.f32 v1, v2;
	_ =	sdelay $0x1  }
0x16d: {  	v2 =	vld [tilespmem:s0+$0x59C0];
	[tilespmem:s0+$0xF9B0] =	vst v1  }
0x16e: {  	v1 =	vld.idx.msk [tilespmem:v0+s0+$0x40C0 ss:$0x1], $0xffff;
	_ =	sdelay $0x4  }
0x16f: {  	v1 =	vadd.f32 v1, v2;
	_ =	sdelay $0x1  }
0x170: {  	v2 =	vld [tilespmem:s0+$0x59D0];
	[tilespmem:s0+$0xF9C0] =	vst v1  }
0x171: {  	v1 =	vld.idx.msk [tilespmem:v0+s0+$0x40D0 ss:$0x1], $0xffff;
	_ =	sdelay $0x4  }
0x172: {  	v1 =	vadd.f32 v1, v2;
	_ =	sdelay $0x1  }
0x173: {  	v2 =	vld [tilespmem:s0+$0x59E0];
	[tilespmem:s0+$0xF9D0] =	vst v1  }
0x174: {  	v1 =	vld.idx.msk [tilespmem:v0+s0+$0x40E0 ss:$0x1], $0xffff;
	_ =	sdelay $0x4  }
0x175: {  	v1 =	vadd.f32 v1, v2;
	_ =	sdelay $0x1  }
0x176: {  	v2 =	vld [tilespmem:s0+$0x59F0];
	[tilespmem:s0+$0xF9E0] =	vst v1  }
0x177: {  	v1 =	vld.idx.msk [tilespmem:v0+s0+$0x40F0 ss:$0x1], $0xffff;
	_ =	sdelay $0x4  }
0x178: {  	s30 =	rddreg [dreg:$0x6];
	v1 =	vadd.f32 v1, v2  }
0x179: {  	s5 =	simm.s32 $0x0;
	s8 =	simm.s32 $0x400;
	s14 =	sadd.s32 s12, s30  }
.LBB2_7:
0x17a: {  	s5 =	sadd.s32 $0x4, s5;
	[tilespmem:s0+$0xF9F0] =	vst v1;
	s0 =	sshra.s32 s8, $0x2  }
0x17b: {  	v1 =	vld.idx.msk [tilespmem:v0+s0+$0x4000 ss:$0x1], $0xffff;
	p2 =	slt.u32 s5, $0x7C  }
0x17c: {  	v2 =	vld [tilespmem:s0+$0x5900];
	_ =	sdelay $0x4  }
0x17d: {  	v1 =	vadd.f32 v1, v2;
	_ =	sdelay $0x1  }
0x17e: {  	[tilespmem:s0+$0xF900] =	vst v1  }
0x17f: {  	v1 =	vld.idx.msk [tilespmem:v0+s0+$0x4010 ss:$0x1], $0xffff  }
0x180: {  	v2 =	vld [tilespmem:s0+$0x5910];
	_ =	sdelay $0x4  }
0x181: {  	v1 =	vadd.f32 v1, v2;
	_ =	sdelay $0x1  }
0x182: {  	[tilespmem:s0+$0xF910] =	vst v1  }
0x183: {  	v1 =	vld.idx.msk [tilespmem:v0+s0+$0x4020 ss:$0x1], $0xffff  }
0x184: {  	v2 =	vld [tilespmem:s0+$0x5920];
	_ =	sdelay $0x4  }
0x185: {  	v1 =	vadd.f32 v1, v2;
	_ =	sdelay $0x1  }
0x186: {  	[tilespmem:s0+$0xF920] =	vst v1  }
0x187: {  	v1 =	vld.idx.msk [tilespmem:v0+s0+$0x4030 ss:$0x1], $0xffff  }
0x188: {  	v2 =	vld [tilespmem:s0+$0x5930];
	_ =	sdelay $0x4  }
0x189: {  	v1 =	vadd.f32 v1, v2;
	_ =	sdelay $0x1  }
0x18a: {  	[tilespmem:s0+$0xF930] =	vst v1  }
0x18b: {  	v1 =	vld.idx.msk [tilespmem:v0+s0+$0x4040 ss:$0x1], $0xffff  }
0x18c: {  	v2 =	vld [tilespmem:s0+$0x5940];
	_ =	sdelay $0x4  }
0x18d: {  	v1 =	vadd.f32 v1, v2;
	_ =	sdelay $0x1  }
0x18e: {  	[tilespmem:s0+$0xF940] =	vst v1  }
0x18f: {  	v1 =	vld.idx.msk [tilespmem:v0+s0+$0x4050 ss:$0x1], $0xffff  }
0x190: {  	v2 =	vld [tilespmem:s0+$0x5950];
	_ =	sdelay $0x4  }
0x191: {  	v1 =	vadd.f32 v1, v2;
	_ =	sdelay $0x1  }
0x192: {  	[tilespmem:s0+$0xF950] =	vst v1  }
0x193: {  	v1 =	vld.idx.msk [tilespmem:v0+s0+$0x4060 ss:$0x1], $0xffff  }
0x194: {  	v2 =	vld [tilespmem:s0+$0x5960];
	_ =	sdelay $0x4  }
0x195: {  	v1 =	vadd.f32 v1, v2;
	_ =	sdelay $0x1  }
0x196: {  	[tilespmem:s0+$0xF960] =	vst v1  }
0x197: {  	v1 =	vld.idx.msk [tilespmem:v0+s0+$0x4070 ss:$0x1], $0xffff  }
0x198: {  	v2 =	vld [tilespmem:s0+$0x5970];
	_ =	sdelay $0x4  }
0x199: {  	v1 =	vadd.f32 v1, v2;
	_ =	sdelay $0x1  }
0x19a: {  	[tilespmem:s0+$0xF970] =	vst v1  }
0x19b: {  	v1 =	vld.idx.msk [tilespmem:v0+s0+$0x4080 ss:$0x1], $0xffff  }
0x19c: {  	v2 =	vld [tilespmem:s0+$0x5980];
	_ =	sdelay $0x4  }
0x19d: {  	v1 =	vadd.f32 v1, v2;
	_ =	sdelay $0x1  }
0x19e: {  	[tilespmem:s0+$0xF980] =	vst v1  }
0x19f: {  	v1 =	vld.idx.msk [tilespmem:v0+s0+$0x4090 ss:$0x1], $0xffff  }
0x1a0: {  	v2 =	vld [tilespmem:s0+$0x5990];
	_ =	sdelay $0x4  }
0x1a1: {  	v1 =	vadd.f32 v1, v2;
	_ =	sdelay $0x1  }
0x1a2: {  	[tilespmem:s0+$0xF990] =	vst v1  }
0x1a3: {  	v1 =	vld.idx.msk [tilespmem:v0+s0+$0x40A0 ss:$0x1], $0xffff  }
0x1a4: {  	v2 =	vld [tilespmem:s0+$0x59A0];
	_ =	sdelay $0x4  }
0x1a5: {  	v1 =	vadd.f32 v1, v2;
	_ =	sdelay $0x1  }
0x1a6: {  	[tilespmem:s0+$0xF9A0] =	vst v1  }
0x1a7: {  	v1 =	vld.idx.msk [tilespmem:v0+s0+$0x40B0 ss:$0x1], $0xffff  }
0x1a8: {  	v2 =	vld [tilespmem:s0+$0x59B0];
	_ =	sdelay $0x4  }
0x1a9: {  	v1 =	vadd.f32 v1, v2;
	_ =	sdelay $0x1  }
0x1aa: {  	[tilespmem:s0+$0xF9B0] =	vst v1  }
0x1ab: {  	v1 =	vld.idx.msk [tilespmem:v0+s0+$0x40C0 ss:$0x1], $0xffff  }
0x1ac: {  	v2 =	vld [tilespmem:s0+$0x59C0];
	_ =	sdelay $0x4  }
0x1ad: {  	v1 =	vadd.f32 v1, v2;
	_ =	sdelay $0x1  }
0x1ae: {  	[tilespmem:s0+$0xF9C0] =	vst v1  }
0x1af: {  	v1 =	vld.idx.msk [tilespmem:v0+s0+$0x40D0 ss:$0x1], $0xffff  }
0x1b0: {  	v2 =	vld [tilespmem:s0+$0x59D0];
	_ =	sdelay $0x4  }
0x1b1: {  	v1 =	vadd.f32 v1, v2;
	_ =	sdelay $0x1  }
0x1b2: {  	[tilespmem:s0+$0xF9D0] =	vst v1  }
0x1b3: {  	v1 =	vld.idx.msk [tilespmem:v0+s0+$0x40E0 ss:$0x1], $0xffff  }
0x1b4: {  	v2 =	vld [tilespmem:s0+$0x59E0];
	_ =	sdelay $0x4  }
0x1b5: {  	v1 =	vadd.f32 v1, v2;
	_ =	sdelay $0x1  }
0x1b6: {  	[tilespmem:s0+$0xF9E0] =	vst v1  }
0x1b7: {  	v1 =	vld.idx.msk [tilespmem:v0+s0+$0x40F0 ss:$0x1], $0xffff  }
0x1b8: {  	v2 =	vld [tilespmem:s0+$0x59F0];
	_ =	sdelay $0x1  }
.Ltmp2:
0x1b9: {  	(pc) =	sbr.rel @p2 .LBB2_7-.Ltmp2, $3  }
0x1ba: {  	_ =	sdelay $0x1  }
0x1bb: {  	v1 =	vadd.f32 v1, v2  }
0x1bc: {  	s8 =	sadd.s32 $0x400, s8  }
0x1bd: {  	[tilespmem:s0+$0xF9F0] =	vst v1;
	s0 =	sadd.s32 @!p1 $0x380, s13  }
0x1be: {  	s5 =	simm.s32 @!p1 $0x80;
	s8 =	simm.s32 @!p1 $0x5900;
	s25 =	sshll.u32 s14, $0xA  }
0x1bf: {  	[tilespmem:s8], [sflag:$0x3] =	stream.indirect.gather @!p1 [hbm4b:s4+s5], $0x40, s0, s5, $0xb8;
	[tilespmem:$0x1BD00] =	vst v63  }
0x1c0: {  	s0 =	sand.u32 $0x1FFFFC00, s25  }
0x1c1: {  	s28 =	simm.s32 $0xF900;
	s0 =	sadd.s32 s2, s0  }
0x1c2: {  	[hbm4b:s0+s3] =	stream.linear.scatter [tilespmem:s28], [sflag:$0x8], $0x2000, $0x38;
	[tilespmem:$0x1BD00] =	vst v63  }
0x1c3: {  	_ =	swait.ge [sflag:s26], $0x2000  }
0x1c4: {  	v0 =	vmov s21;
	[sflag:s26] =	ssyncset.done $0x0  }
0x1c5: {  	s0 =	simm.s32 @!p0 $0x9;
	[sflag:s26] =	ssyncadd.s32 $0xFFFFE000  }
0x1c6: {  	_ =	swait.ge @!p0 [sflag:s0], $0x2000  }
0x1c7: {  	[sflag:s0] =	ssyncset.done @!p0 $0x0  }
0x1c8: {  	[sflag:s0] =	ssyncadd.s32 @!p0 $0xFFFFE000;
	s0 =	simm.s32 $0x0  }
0x1c9: {  	v1 =	vld.idx.msk [tilespmem:v0+s0+$0x6000 ss:$0x1], $0xffff  }
0x1ca: {  	v2 =	vld [tilespmem:s0+$0x7900];
	_ =	sdelay $0x4  }
0x1cb: {  	v1 =	vadd.f32 v1, v2;
	_ =	sdelay $0x1  }
0x1cc: {  	v2 =	vld [tilespmem:s0+$0x7910];
	[tilespmem:s0+$0x11900] =	vst v1  }
0x1cd: {  	v1 =	vld.idx.msk [tilespmem:v0+s0+$0x6010 ss:$0x1], $0xffff;
	_ =	sdelay $0x4  }
0x1ce: {  	v1 =	vadd.f32 v1, v2;
	_ =	sdelay $0x1  }
0x1cf: {  	v2 =	vld [tilespmem:s0+$0x7920];
	[tilespmem:s0+$0x11910] =	vst v1  }
0x1d0: {  	v1 =	vld.idx.msk [tilespmem:v0+s0+$0x6020 ss:$0x1], $0xffff;
	_ =	sdelay $0x4  }
0x1d1: {  	v1 =	vadd.f32 v1, v2;
	_ =	sdelay $0x1  }
0x1d2: {  	v2 =	vld [tilespmem:s0+$0x7930];
	[tilespmem:s0+$0x11920] =	vst v1  }
0x1d3: {  	v1 =	vld.idx.msk [tilespmem:v0+s0+$0x6030 ss:$0x1], $0xffff;
	_ =	sdelay $0x4  }
0x1d4: {  	v1 =	vadd.f32 v1, v2;
	_ =	sdelay $0x1  }
0x1d5: {  	v2 =	vld [tilespmem:s0+$0x7940];
	[tilespmem:s0+$0x11930] =	vst v1  }
0x1d6: {  	v1 =	vld.idx.msk [tilespmem:v0+s0+$0x6040 ss:$0x1], $0xffff;
	_ =	sdelay $0x4  }
0x1d7: {  	v1 =	vadd.f32 v1, v2;
	_ =	sdelay $0x1  }
0x1d8: {  	v2 =	vld [tilespmem:s0+$0x7950];
	[tilespmem:s0+$0x11940] =	vst v1  }
0x1d9: {  	v1 =	vld.idx.msk [tilespmem:v0+s0+$0x6050 ss:$0x1], $0xffff;
	_ =	sdelay $0x4  }
0x1da: {  	v1 =	vadd.f32 v1, v2;
	_ =	sdelay $0x1  }
0x1db: {  	v2 =	vld [tilespmem:s0+$0x7960];
	[tilespmem:s0+$0x11950] =	vst v1  }
0x1dc: {  	v1 =	vld.idx.msk [tilespmem:v0+s0+$0x6060 ss:$0x1], $0xffff;
	_ =	sdelay $0x4  }
0x1dd: {  	v1 =	vadd.f32 v1, v2;
	_ =	sdelay $0x1  }
0x1de: {  	v2 =	vld [tilespmem:s0+$0x7970];
	[tilespmem:s0+$0x11960] =	vst v1  }
0x1df: {  	v1 =	vld.idx.msk [tilespmem:v0+s0+$0x6070 ss:$0x1], $0xffff;
	_ =	sdelay $0x4  }
0x1e0: {  	v1 =	vadd.f32 v1, v2;
	_ =	sdelay $0x1  }
0x1e1: {  	v2 =	vld [tilespmem:s0+$0x7980];
	[tilespmem:s0+$0x11970] =	vst v1  }
0x1e2: {  	v1 =	vld.idx.msk [tilespmem:v0+s0+$0x6080 ss:$0x1], $0xffff;
	_ =	sdelay $0x4  }
0x1e3: {  	v1 =	vadd.f32 v1, v2;
	_ =	sdelay $0x1  }
0x1e4: {  	v2 =	vld [tilespmem:s0+$0x7990];
	[tilespmem:s0+$0x11980] =	vst v1  }
0x1e5: {  	v1 =	vld.idx.msk [tilespmem:v0+s0+$0x6090 ss:$0x1], $0xffff;
	_ =	sdelay $0x4  }
0x1e6: {  	v1 =	vadd.f32 v1, v2;
	_ =	sdelay $0x1  }
0x1e7: {  	v2 =	vld [tilespmem:s0+$0x79A0];
	[tilespmem:s0+$0x11990] =	vst v1  }
0x1e8: {  	v1 =	vld.idx.msk [tilespmem:v0+s0+$0x60A0 ss:$0x1], $0xffff;
	_ =	sdelay $0x4  }
0x1e9: {  	v1 =	vadd.f32 v1, v2;
	_ =	sdelay $0x1  }
0x1ea: {  	v2 =	vld [tilespmem:s0+$0x79B0];
	[tilespmem:s0+$0x119A0] =	vst v1  }
0x1eb: {  	v1 =	vld.idx.msk [tilespmem:v0+s0+$0x60B0 ss:$0x1], $0xffff;
	_ =	sdelay $0x4  }
0x1ec: {  	v1 =	vadd.f32 v1, v2;
	_ =	sdelay $0x1  }
0x1ed: {  	v2 =	vld [tilespmem:s0+$0x79C0];
	[tilespmem:s0+$0x119B0] =	vst v1  }
0x1ee: {  	v1 =	vld.idx.msk [tilespmem:v0+s0+$0x60C0 ss:$0x1], $0xffff;
	_ =	sdelay $0x4  }
0x1ef: {  	v1 =	vadd.f32 v1, v2;
	_ =	sdelay $0x1  }
0x1f0: {  	v2 =	vld [tilespmem:s0+$0x79D0];
	[tilespmem:s0+$0x119C0] =	vst v1  }
0x1f1: {  	v1 =	vld.idx.msk [tilespmem:v0+s0+$0x60D0 ss:$0x1], $0xffff;
	_ =	sdelay $0x4  }
0x1f2: {  	v1 =	vadd.f32 v1, v2;
	_ =	sdelay $0x1  }
0x1f3: {  	v2 =	vld [tilespmem:s0+$0x79E0];
	[tilespmem:s0+$0x119D0] =	vst v1  }
0x1f4: {  	v1 =	vld.idx.msk [tilespmem:v0+s0+$0x60E0 ss:$0x1], $0xffff;
	_ =	sdelay $0x4  }
0x1f5: {  	v1 =	vadd.f32 v1, v2;
	_ =	sdelay $0x1  }
0x1f6: {  	v2 =	vld [tilespmem:s0+$0x79F0];
	[tilespmem:s0+$0x119E0] =	vst v1  }
0x1f7: {  	v1 =	vld.idx.msk [tilespmem:v0+s0+$0x60F0 ss:$0x1], $0xffff;
	_ =	sdelay $0x4  }
0x1f8: {  	s30 =	rddreg [dreg:$0x7];
	v1 =	vadd.f32 v1, v2  }
0x1f9: {  	s5 =	simm.s32 $0x0;
	s8 =	simm.s32 $0x400;
	s14 =	sadd.s32 s12, s30  }
.LBB2_9:
0x1fa: {  	s5 =	sadd.s32 $0x4, s5;
	[tilespmem:s0+$0x119F0] =	vst v1;
	s0 =	sshra.s32 s8, $0x2  }
0x1fb: {  	v1 =	vld.idx.msk [tilespmem:v0+s0+$0x6000 ss:$0x1], $0xffff;
	p2 =	slt.u32 s5, $0x7C  }
0x1fc: {  	v2 =	vld [tilespmem:s0+$0x7900];
	_ =	sdelay $0x4  }
0x1fd: {  	v1 =	vadd.f32 v1, v2;
	_ =	sdelay $0x1  }
0x1fe: {  	[tilespmem:s0+$0x11900] =	vst v1  }
0x1ff: {  	v1 =	vld.idx.msk [tilespmem:v0+s0+$0x6010 ss:$0x1], $0xffff  }
0x200: {  	v2 =	vld [tilespmem:s0+$0x7910];
	_ =	sdelay $0x4  }
0x201: {  	v1 =	vadd.f32 v1, v2;
	_ =	sdelay $0x1  }
0x202: {  	[tilespmem:s0+$0x11910] =	vst v1  }
0x203: {  	v1 =	vld.idx.msk [tilespmem:v0+s0+$0x6020 ss:$0x1], $0xffff  }
0x204: {  	v2 =	vld [tilespmem:s0+$0x7920];
	_ =	sdelay $0x4  }
0x205: {  	v1 =	vadd.f32 v1, v2;
	_ =	sdelay $0x1  }
0x206: {  	[tilespmem:s0+$0x11920] =	vst v1  }
0x207: {  	v1 =	vld.idx.msk [tilespmem:v0+s0+$0x6030 ss:$0x1], $0xffff  }
0x208: {  	v2 =	vld [tilespmem:s0+$0x7930];
	_ =	sdelay $0x4  }
0x209: {  	v1 =	vadd.f32 v1, v2;
	_ =	sdelay $0x1  }
0x20a: {  	[tilespmem:s0+$0x11930] =	vst v1  }
0x20b: {  	v1 =	vld.idx.msk [tilespmem:v0+s0+$0x6040 ss:$0x1], $0xffff  }
0x20c: {  	v2 =	vld [tilespmem:s0+$0x7940];
	_ =	sdelay $0x4  }
0x20d: {  	v1 =	vadd.f32 v1, v2;
	_ =	sdelay $0x1  }
0x20e: {  	[tilespmem:s0+$0x11940] =	vst v1  }
0x20f: {  	v1 =	vld.idx.msk [tilespmem:v0+s0+$0x6050 ss:$0x1], $0xffff  }
0x210: {  	v2 =	vld [tilespmem:s0+$0x7950];
	_ =	sdelay $0x4  }
0x211: {  	v1 =	vadd.f32 v1, v2;
	_ =	sdelay $0x1  }
0x212: {  	[tilespmem:s0+$0x11950] =	vst v1  }
0x213: {  	v1 =	vld.idx.msk [tilespmem:v0+s0+$0x6060 ss:$0x1], $0xffff  }
0x214: {  	v2 =	vld [tilespmem:s0+$0x7960];
	_ =	sdelay $0x4  }
0x215: {  	v1 =	vadd.f32 v1, v2;
	_ =	sdelay $0x1  }
0x216: {  	[tilespmem:s0+$0x11960] =	vst v1  }
0x217: {  	v1 =	vld.idx.msk [tilespmem:v0+s0+$0x6070 ss:$0x1], $0xffff  }
0x218: {  	v2 =	vld [tilespmem:s0+$0x7970];
	_ =	sdelay $0x4  }
0x219: {  	v1 =	vadd.f32 v1, v2;
	_ =	sdelay $0x1  }
0x21a: {  	[tilespmem:s0+$0x11970] =	vst v1  }
0x21b: {  	v1 =	vld.idx.msk [tilespmem:v0+s0+$0x6080 ss:$0x1], $0xffff  }
0x21c: {  	v2 =	vld [tilespmem:s0+$0x7980];
	_ =	sdelay $0x4  }
0x21d: {  	v1 =	vadd.f32 v1, v2;
	_ =	sdelay $0x1  }
0x21e: {  	[tilespmem:s0+$0x11980] =	vst v1  }
0x21f: {  	v1 =	vld.idx.msk [tilespmem:v0+s0+$0x6090 ss:$0x1], $0xffff  }
0x220: {  	v2 =	vld [tilespmem:s0+$0x7990];
	_ =	sdelay $0x4  }
0x221: {  	v1 =	vadd.f32 v1, v2;
	_ =	sdelay $0x1  }
0x222: {  	[tilespmem:s0+$0x11990] =	vst v1  }
0x223: {  	v1 =	vld.idx.msk [tilespmem:v0+s0+$0x60A0 ss:$0x1], $0xffff  }
0x224: {  	v2 =	vld [tilespmem:s0+$0x79A0];
	_ =	sdelay $0x4  }
0x225: {  	v1 =	vadd.f32 v1, v2;
	_ =	sdelay $0x1  }
0x226: {  	[tilespmem:s0+$0x119A0] =	vst v1  }
0x227: {  	v1 =	vld.idx.msk [tilespmem:v0+s0+$0x60B0 ss:$0x1], $0xffff  }
0x228: {  	v2 =	vld [tilespmem:s0+$0x79B0];
	_ =	sdelay $0x4  }
0x229: {  	v1 =	vadd.f32 v1, v2;
	_ =	sdelay $0x1  }
0x22a: {  	[tilespmem:s0+$0x119B0] =	vst v1  }
0x22b: {  	v1 =	vld.idx.msk [tilespmem:v0+s0+$0x60C0 ss:$0x1], $0xffff  }
0x22c: {  	v2 =	vld [tilespmem:s0+$0x79C0];
	_ =	sdelay $0x4  }
0x22d: {  	v1 =	vadd.f32 v1, v2;
	_ =	sdelay $0x1  }
0x22e: {  	[tilespmem:s0+$0x119C0] =	vst v1  }
0x22f: {  	v1 =	vld.idx.msk [tilespmem:v0+s0+$0x60D0 ss:$0x1], $0xffff  }
0x230: {  	v2 =	vld [tilespmem:s0+$0x79D0];
	_ =	sdelay $0x4  }
0x231: {  	v1 =	vadd.f32 v1, v2;
	_ =	sdelay $0x1  }
0x232: {  	[tilespmem:s0+$0x119D0] =	vst v1  }
0x233: {  	v1 =	vld.idx.msk [tilespmem:v0+s0+$0x60E0 ss:$0x1], $0xffff  }
0x234: {  	v2 =	vld [tilespmem:s0+$0x79E0];
	_ =	sdelay $0x4  }
0x235: {  	v1 =	vadd.f32 v1, v2;
	_ =	sdelay $0x1  }
0x236: {  	[tilespmem:s0+$0x119E0] =	vst v1  }
0x237: {  	v1 =	vld.idx.msk [tilespmem:v0+s0+$0x60F0 ss:$0x1], $0xffff  }
0x238: {  	v2 =	vld [tilespmem:s0+$0x79F0];
	_ =	sdelay $0x1  }
.Ltmp3:
0x239: {  	(pc) =	sbr.rel @p2 .LBB2_9-.Ltmp3, $3  }
0x23a: {  	_ =	sdelay $0x1  }
0x23b: {  	v1 =	vadd.f32 v1, v2  }
0x23c: {  	s8 =	sadd.s32 $0x400, s8  }
0x23d: {  	[tilespmem:s0+$0x119F0] =	vst v1;
	s0 =	sadd.s32 @!p1 $0x400, s13  }
0x23e: {  	s5 =	simm.s32 @!p1 $0x80;
	s8 =	simm.s32 @!p1 $0x7900;
	s28 =	sshll.u32 s14, $0xA  }
0x23f: {  	[tilespmem:s8], [sflag:$0x4] =	stream.indirect.gather @!p1 [hbm4b:s4+s5], $0x40, s0, s5, $0xb8;
	[tilespmem:$0x1BD00] =	vst v63  }
0x240: {  	s0 =	sand.u32 $0x1FFFFC00, s28  }
0x241: {  	s30 =	simm.s32 $0x11900;
	s0 =	sadd.s32 s2, s0  }
0x242: {  	[hbm4b:s0+s3] =	stream.linear.scatter [tilespmem:s30], [sflag:$0x9], $0x2000, $0x38;
	[tilespmem:$0x1BD00] =	vst v63  }
0x243: {  	_ =	swait.ge [sflag:s29], $0x2000  }
0x244: {  	v0 =	vmov s22;
	[sflag:s29] =	ssyncset.done $0x0  }
0x245: {  	s0 =	simm.s32 @!p0 $0xA;
	[sflag:s29] =	ssyncadd.s32 $0xFFFFE000  }
0x246: {  	_ =	swait.ge @!p0 [sflag:s0], $0x2000  }
0x247: {  	[sflag:s0] =	ssyncset.done @!p0 $0x0  }
0x248: {  	[sflag:s0] =	ssyncadd.s32 @!p0 $0xFFFFE000;
	s0 =	simm.s32 $0x0  }
0x249: {  	v1 =	vld.idx.msk [tilespmem:v0+s0+$0x8000 ss:$0x1], $0xffff  }
0x24a: {  	v2 =	vld [tilespmem:s0+$0x9900];
	_ =	sdelay $0x4  }
0x24b: {  	v1 =	vadd.f32 v1, v2;
	_ =	sdelay $0x1  }
0x24c: {  	v2 =	vld [tilespmem:s0+$0x9910];
	[tilespmem:s0+$0x13900] =	vst v1  }
0x24d: {  	v1 =	vld.idx.msk [tilespmem:v0+s0+$0x8010 ss:$0x1], $0xffff;
	_ =	sdelay $0x4  }
0x24e: {  	v1 =	vadd.f32 v1, v2;
	_ =	sdelay $0x1  }
0x24f: {  	v2 =	vld [tilespmem:s0+$0x9920];
	[tilespmem:s0+$0x13910] =	vst v1  }
0x250: {  	v1 =	vld.idx.msk [tilespmem:v0+s0+$0x8020 ss:$0x1], $0xffff;
	_ =	sdelay $0x4  }
0x251: {  	v1 =	vadd.f32 v1, v2;
	_ =	sdelay $0x1  }
0x252: {  	v2 =	vld [tilespmem:s0+$0x9930];
	[tilespmem:s0+$0x13920] =	vst v1  }
0x253: {  	v1 =	vld.idx.msk [tilespmem:v0+s0+$0x8030 ss:$0x1], $0xffff;
	_ =	sdelay $0x4  }
0x254: {  	v1 =	vadd.f32 v1, v2;
	_ =	sdelay $0x1  }
0x255: {  	v2 =	vld [tilespmem:s0+$0x9940];
	[tilespmem:s0+$0x13930] =	vst v1  }
0x256: {  	v1 =	vld.idx.msk [tilespmem:v0+s0+$0x8040 ss:$0x1], $0xffff;
	_ =	sdelay $0x4  }
0x257: {  	v1 =	vadd.f32 v1, v2;
	_ =	sdelay $0x1  }
0x258: {  	v2 =	vld [tilespmem:s0+$0x9950];
	[tilespmem:s0+$0x13940] =	vst v1  }
0x259: {  	v1 =	vld.idx.msk [tilespmem:v0+s0+$0x8050 ss:$0x1], $0xffff;
	_ =	sdelay $0x4  }
0x25a: {  	v1 =	vadd.f32 v1, v2;
	_ =	sdelay $0x1  }
0x25b: {  	v2 =	vld [tilespmem:s0+$0x9960];
	[tilespmem:s0+$0x13950] =	vst v1  }
0x25c: {  	v1 =	vld.idx.msk [tilespmem:v0+s0+$0x8060 ss:$0x1], $0xffff;
	_ =	sdelay $0x4  }
0x25d: {  	v1 =	vadd.f32 v1, v2;
	_ =	sdelay $0x1  }
0x25e: {  	v2 =	vld [tilespmem:s0+$0x9970];
	[tilespmem:s0+$0x13960] =	vst v1  }
0x25f: {  	v1 =	vld.idx.msk [tilespmem:v0+s0+$0x8070 ss:$0x1], $0xffff;
	_ =	sdelay $0x4  }
0x260: {  	v1 =	vadd.f32 v1, v2;
	_ =	sdelay $0x1  }
0x261: {  	v2 =	vld [tilespmem:s0+$0x9980];
	[tilespmem:s0+$0x13970] =	vst v1  }
0x262: {  	v1 =	vld.idx.msk [tilespmem:v0+s0+$0x8080 ss:$0x1], $0xffff;
	_ =	sdelay $0x4  }
0x263: {  	v1 =	vadd.f32 v1, v2;
	_ =	sdelay $0x1  }
0x264: {  	v2 =	vld [tilespmem:s0+$0x9990];
	[tilespmem:s0+$0x13980] =	vst v1  }
0x265: {  	v1 =	vld.idx.msk [tilespmem:v0+s0+$0x8090 ss:$0x1], $0xffff;
	_ =	sdelay $0x4  }
0x266: {  	v1 =	vadd.f32 v1, v2;
	_ =	sdelay $0x1  }
0x267: {  	v2 =	vld [tilespmem:s0+$0x99A0];
	[tilespmem:s0+$0x13990] =	vst v1  }
0x268: {  	v1 =	vld.idx.msk [tilespmem:v0+s0+$0x80A0 ss:$0x1], $0xffff;
	_ =	sdelay $0x4  }
0x269: {  	v1 =	vadd.f32 v1, v2;
	_ =	sdelay $0x1  }
0x26a: {  	v2 =	vld [tilespmem:s0+$0x99B0];
	[tilespmem:s0+$0x139A0] =	vst v1  }
0x26b: {  	v1 =	vld.idx.msk [tilespmem:v0+s0+$0x80B0 ss:$0x1], $0xffff;
	_ =	sdelay $0x4  }
0x26c: {  	v1 =	vadd.f32 v1, v2;
	_ =	sdelay $0x1  }
0x26d: {  	v2 =	vld [tilespmem:s0+$0x99C0];
	[tilespmem:s0+$0x139B0] =	vst v1  }
0x26e: {  	v1 =	vld.idx.msk [tilespmem:v0+s0+$0x80C0 ss:$0x1], $0xffff;
	_ =	sdelay $0x4  }
0x26f: {  	v1 =	vadd.f32 v1, v2;
	_ =	sdelay $0x1  }
0x270: {  	v2 =	vld [tilespmem:s0+$0x99D0];
	[tilespmem:s0+$0x139C0] =	vst v1  }
0x271: {  	v1 =	vld.idx.msk [tilespmem:v0+s0+$0x80D0 ss:$0x1], $0xffff;
	_ =	sdelay $0x4  }
0x272: {  	v1 =	vadd.f32 v1, v2;
	_ =	sdelay $0x1  }
0x273: {  	v2 =	vld [tilespmem:s0+$0x99E0];
	[tilespmem:s0+$0x139D0] =	vst v1  }
0x274: {  	v1 =	vld.idx.msk [tilespmem:v0+s0+$0x80E0 ss:$0x1], $0xffff;
	_ =	sdelay $0x4  }
0x275: {  	v1 =	vadd.f32 v1, v2;
	_ =	sdelay $0x1  }
0x276: {  	v2 =	vld [tilespmem:s0+$0x99F0];
	[tilespmem:s0+$0x139E0] =	vst v1  }
0x277: {  	v1 =	vld.idx.msk [tilespmem:v0+s0+$0x80F0 ss:$0x1], $0xffff;
	_ =	sdelay $0x4  }
0x278: {  	v1 =	vadd.f32 v1, v2  }
0x279: {  	s12 =	sadd.s32 s12, s11;
	s5 =	simm.s32 $0x0;
	s8 =	simm.s32 $0x400  }
.LBB2_11:
0x27a: {  	s5 =	sadd.s32 $0x4, s5;
	[tilespmem:s0+$0x139F0] =	vst v1;
	s0 =	sshra.s32 s8, $0x2  }
0x27b: {  	v1 =	vld.idx.msk [tilespmem:v0+s0+$0x8000 ss:$0x1], $0xffff;
	p0 =	slt.u32 s5, $0x7C  }
0x27c: {  	v2 =	vld [tilespmem:s0+$0x9900];
	_ =	sdelay $0x4  }
0x27d: {  	v1 =	vadd.f32 v1, v2;
	_ =	sdelay $0x1  }
0x27e: {  	[tilespmem:s0+$0x13900] =	vst v1  }
0x27f: {  	v1 =	vld.idx.msk [tilespmem:v0+s0+$0x8010 ss:$0x1], $0xffff  }
0x280: {  	v2 =	vld [tilespmem:s0+$0x9910];
	_ =	sdelay $0x4  }
0x281: {  	v1 =	vadd.f32 v1, v2;
	_ =	sdelay $0x1  }
0x282: {  	[tilespmem:s0+$0x13910] =	vst v1  }
0x283: {  	v1 =	vld.idx.msk [tilespmem:v0+s0+$0x8020 ss:$0x1], $0xffff  }
0x284: {  	v2 =	vld [tilespmem:s0+$0x9920];
	_ =	sdelay $0x4  }
0x285: {  	v1 =	vadd.f32 v1, v2;
	_ =	sdelay $0x1  }
0x286: {  	[tilespmem:s0+$0x13920] =	vst v1  }
0x287: {  	v1 =	vld.idx.msk [tilespmem:v0+s0+$0x8030 ss:$0x1], $0xffff  }
0x288: {  	v2 =	vld [tilespmem:s0+$0x9930];
	_ =	sdelay $0x4  }
0x289: {  	v1 =	vadd.f32 v1, v2;
	_ =	sdelay $0x1  }
0x28a: {  	[tilespmem:s0+$0x13930] =	vst v1  }
0x28b: {  	v1 =	vld.idx.msk [tilespmem:v0+s0+$0x8040 ss:$0x1], $0xffff  }
0x28c: {  	v2 =	vld [tilespmem:s0+$0x9940];
	_ =	sdelay $0x4  }
0x28d: {  	v1 =	vadd.f32 v1, v2;
	_ =	sdelay $0x1  }
0x28e: {  	[tilespmem:s0+$0x13940] =	vst v1  }
0x28f: {  	v1 =	vld.idx.msk [tilespmem:v0+s0+$0x8050 ss:$0x1], $0xffff  }
0x290: {  	v2 =	vld [tilespmem:s0+$0x9950];
	_ =	sdelay $0x4  }
0x291: {  	v1 =	vadd.f32 v1, v2;
	_ =	sdelay $0x1  }
0x292: {  	[tilespmem:s0+$0x13950] =	vst v1  }
0x293: {  	v1 =	vld.idx.msk [tilespmem:v0+s0+$0x8060 ss:$0x1], $0xffff  }
0x294: {  	v2 =	vld [tilespmem:s0+$0x9960];
	_ =	sdelay $0x4  }
0x295: {  	v1 =	vadd.f32 v1, v2;
	_ =	sdelay $0x1  }
0x296: {  	[tilespmem:s0+$0x13960] =	vst v1  }
0x297: {  	v1 =	vld.idx.msk [tilespmem:v0+s0+$0x8070 ss:$0x1], $0xffff  }
0x298: {  	v2 =	vld [tilespmem:s0+$0x9970];
	_ =	sdelay $0x4  }
0x299: {  	v1 =	vadd.f32 v1, v2;
	_ =	sdelay $0x1  }
0x29a: {  	[tilespmem:s0+$0x13970] =	vst v1  }
0x29b: {  	v1 =	vld.idx.msk [tilespmem:v0+s0+$0x8080 ss:$0x1], $0xffff  }
0x29c: {  	v2 =	vld [tilespmem:s0+$0x9980];
	_ =	sdelay $0x4  }
0x29d: {  	v1 =	vadd.f32 v1, v2;
	_ =	sdelay $0x1  }
0x29e: {  	[tilespmem:s0+$0x13980] =	vst v1  }
0x29f: {  	v1 =	vld.idx.msk [tilespmem:v0+s0+$0x8090 ss:$0x1], $0xffff  }
0x2a0: {  	v2 =	vld [tilespmem:s0+$0x9990];
	_ =	sdelay $0x4  }
0x2a1: {  	v1 =	vadd.f32 v1, v2;
	_ =	sdelay $0x1  }
0x2a2: {  	[tilespmem:s0+$0x13990] =	vst v1  }
0x2a3: {  	v1 =	vld.idx.msk [tilespmem:v0+s0+$0x80A0 ss:$0x1], $0xffff  }
0x2a4: {  	v2 =	vld [tilespmem:s0+$0x99A0];
	_ =	sdelay $0x4  }
0x2a5: {  	v1 =	vadd.f32 v1, v2;
	_ =	sdelay $0x1  }
0x2a6: {  	[tilespmem:s0+$0x139A0] =	vst v1  }
0x2a7: {  	v1 =	vld.idx.msk [tilespmem:v0+s0+$0x80B0 ss:$0x1], $0xffff  }
0x2a8: {  	v2 =	vld [tilespmem:s0+$0x99B0];
	_ =	sdelay $0x4  }
0x2a9: {  	v1 =	vadd.f32 v1, v2;
	_ =	sdelay $0x1  }
0x2aa: {  	[tilespmem:s0+$0x139B0] =	vst v1  }
0x2ab: {  	v1 =	vld.idx.msk [tilespmem:v0+s0+$0x80C0 ss:$0x1], $0xffff  }
0x2ac: {  	v2 =	vld [tilespmem:s0+$0x99C0];
	_ =	sdelay $0x4  }
0x2ad: {  	v1 =	vadd.f32 v1, v2;
	_ =	sdelay $0x1  }
0x2ae: {  	[tilespmem:s0+$0x139C0] =	vst v1  }
0x2af: {  	v1 =	vld.idx.msk [tilespmem:v0+s0+$0x80D0 ss:$0x1], $0xffff  }
0x2b0: {  	v2 =	vld [tilespmem:s0+$0x99D0];
	_ =	sdelay $0x4  }
0x2b1: {  	v1 =	vadd.f32 v1, v2;
	_ =	sdelay $0x1  }
0x2b2: {  	[tilespmem:s0+$0x139D0] =	vst v1  }
0x2b3: {  	v1 =	vld.idx.msk [tilespmem:v0+s0+$0x80E0 ss:$0x1], $0xffff  }
0x2b4: {  	v2 =	vld [tilespmem:s0+$0x99E0];
	_ =	sdelay $0x4  }
0x2b5: {  	v1 =	vadd.f32 v1, v2;
	_ =	sdelay $0x1  }
0x2b6: {  	[tilespmem:s0+$0x139E0] =	vst v1  }
0x2b7: {  	v1 =	vld.idx.msk [tilespmem:v0+s0+$0x80F0 ss:$0x1], $0xffff  }
0x2b8: {  	v2 =	vld [tilespmem:s0+$0x99F0];
	_ =	sdelay $0x1  }
.Ltmp4:
0x2b9: {  	(pc) =	sbr.rel @p0 .LBB2_11-.Ltmp4, $3  }
0x2ba: {  	_ =	sdelay $0x1  }
0x2bb: {  	v1 =	vadd.f32 v1, v2  }
0x2bc: {  	s8 =	sadd.s32 $0x400, s8  }
0x2bd: {  	[tilespmem:s0+$0x139F0] =	vst v1;
	s0 =	sadd.s32 @!p1 $0x480, s13;
	s5 =	simm.s32 @!p1 $0x80  }
0x2be: {  	s8 =	simm.s32 @!p1 $0x9900;
	s28 =	sshll.u32 s12, $0xA;
	s7 =	sadd.s32 $0x1, s7  }
0x2bf: {  	s30 =	simm.s32 $0x13900;
	s6 =	sadd.s32 $0xA000, s6;
	p0 =	sne.s32 s7, $0xA  }
.Ltmp5:
0x2c0: {  	s31 =	sadd.s32 $0x280, s31;
	s15 =	sadd.s32 $0xA000, s15;
	(pc) =	sbr.rel @p0 .LBB2_2-.Ltmp5, $4  }
0x2c1: {  	[tilespmem:s8], [sflag:$0x5] =	stream.indirect.gather @!p1 [hbm4b:s4+s5], $0x40, s0, s5, $0xb8;
	[tilespmem:$0x1BD00] =	vst v63  }
0x2c2: {  	s16 =	sadd.s32 $0x280, s16;
	s17 =	sadd.s32 $0x280, s17;
	s0 =	sand.u32 $0x1FFFFC00, s28  }
0x2c3: {  	s18 =	sadd.s32 $0x280, s18;
	s19 =	sadd.s32 $0x280, s19;
	s0 =	sadd.s32 s2, s0  }
0x2c4: {  	[hbm4b:s0+s3] =	stream.linear.scatter [tilespmem:s30], [sflag:$0xA], $0x2000, $0x38;
	[tilespmem:$0x1BD00] =	vst v63  }
0x2c5: {  	s0 =	simm.s32 $0x6  }
0x2c6: {  	_ =	swait.ge [sflag:s0], $0x2000  }
0x2c7: {  	[sflag:s0] =	ssyncset.done $0x0  }
0x2c8: {  	s25 =	simm.s32 $0x7;
	[sflag:s0] =	ssyncadd.s32 $0xFFFFE000  }
0x2c9: {  	_ =	swait.ge [sflag:s25], $0x2000  }
0x2ca: {  	[sflag:s25] =	ssyncset.done $0x0  }
0x2cb: {  	s28 =	simm.s32 $0x8;
	[sflag:s25] =	ssyncadd.s32 $0xFFFFE000  }
0x2cc: {  	_ =	swait.ge [sflag:s28], $0x2000  }
0x2cd: {  	[sflag:s28] =	ssyncset.done $0x0  }
0x2ce: {  	s30 =	simm.s32 $0x9;
	[sflag:s28] =	ssyncadd.s32 $0xFFFFE000  }
0x2cf: {  	_ =	swait.ge [sflag:s30], $0x2000  }
0x2d0: {  	[sflag:s30] =	ssyncset.done $0x0  }
0x2d1: {  	s5 =	simm.s32 $0xA;
	[sflag:s30] =	ssyncadd.s32 $0xFFFFE000  }
0x2d2: {  	_ =	swait.ge [sflag:s5], $0x2000  }
0x2d3: {  	s6 =	rddreg [dreg:$0x10]  }
0x2d4: {  	s31 =	rddreg [dreg:$0x8];
	s6 =	sadd.s32 $0x1, s6  }
0x2d5: {  	p0 =	sne.s32 s6, s31  }
.Ltmp6:
0x2d6: {  	_ = 	snop;
	(pc) =	sbr.rel @p0 .LBB2_1-.Ltmp6, $3  }
0x2d7: {  	_ =	sdelay $0x1  }
0x2d8: {  	[sflag:s5] =	ssyncset.done $0x0  }
0x2d9: {  	[sflag:s5] =	ssyncadd.s32 $0xFFFFE000  }
0x2da: {  	_ =	sfence.sel $0x180000  }
0x2db: {  	[bflag:$0x0] =	sbarrier.arrive $0xFFFF  }
0x2dc: {  	_ =	strace $0x90000047  }
0x2dd: {  	s0 =	stileid.u32;
	[bflag:$0x2] =	sbarrier.arrive $0xFFFF  }
0x2de: {  	p0 =	sne.s32 s0, $0x0;
	s0 =	rddreg [dreg:$0x2]  }
0x2df: {  	s0 =	sadd.s32 @!p0 $0x100000, s0  }
0x2e0: {  	[sflag:s0] =	ssyncadd.tile.s32 @!p0 $0x1;
	_ =	shalt  }
.Lfunc_end2:
_tile_overlayer_lowered:
.L_overlay_start_2:
0x2e1: {  	(tag) =	ssettag $0x2  }
0x2e2: {  	s0 =	rddreg [dreg:$0x0];
	s2 =	stileid.u32  }
0x2e3: {  	s1 =	rddreg [dreg:$0x1];
	p0 =	sne.s32 s2, $0x0  }
0x2e4: {  	s3 =	rddreg [dreg:$0x2];
	[bflag:$0x3] =	sbarrier.arrive $0xFFFF;
	s2 =	simm.s32 @!p0 $0x1C0B  }
0x2e5: {  	[timem:s3], [sflag:s2] =	dma.local @!p0 [hbm:s0], s1  }
0x2e6: {  	s0 =	simm.s32 @!p0 $0xB  }
0x2e7: {  	_ =	swait.ge @!p0 [sflag:s0], s1  }
0x2e8: {  	s1 =	ssub.s32 @!p0 $0x0, s1;
	[sflag:s0] =	ssyncset.done @!p0 $0x0  }
0x2e9: {  	[sflag:s0] =	ssyncadd.s32 @!p0 s1  }
0x2ea: {  	[bflag:$0x3] =	sbarrier.arrive $0xFFFF  }
0x2eb: {  	_ =	shalt  }

// kernel: sparse-core-data-format-call.cloned.1.call-start
scs
called_computation_lowered:
.L_overlay_start_0:
0x0: {  	s2 =	sld [smem:$0x3FD9]  }
0x1: {  	s3 =	sld [smem:$0x3FFE];
	_ =	sdelay $0x1  }
0x2: {  	s1 =	srdreg.scid  }
0x3: {  	s0 =	sand.u32 $0x1, s1  }
0x4: {  	s18 =	sshll.u32 s0, $0xA;
	s2 =	sadd.s32 s3, s2  }
0x5: {  	s2 =	sadd.s32 s2, s18  }
0x6: {  	[smem:$0x3FC6] =	sst s2  }
0x7: {  	_ = 	snop  }
0x8: {  	s2 =	sld [smem:$0x3FD0];
	(tm) =	ssettm $0x1  }
0x9: {  	s19 =	sld [smem:$0x3FFB];
	_ =	sdelay $0x3  }
0xa: {  	_ =	strace s19  }
0xb: {  	s3 =	sld [smem:$0x3FFC];
	_ =	sdelay $0x3  }
0xc: {  	_ =	strace s3  }
0xd: {  	s3 =	sld [smem:$0x3FFD];
	_ =	sdelay $0x3  }
0xe: {  	_ =	strace s3  }
0xf: {  	_ =	strace $0x8FFFFFFF  }
0x10: {  	s20 =	sld [smem:$0x3FDB];
	_ =	sdelay $0x1  }
0x11: {  	s4 =	simm.s32 $_scs_section_size  }
0x12: {  	s5 =	simm.s32 $_size__tile_overlayer_lowered;
	s6 =	simm.s32 $_tile_overlayer_lowered  }
0x13: {  	s23 =	simm.s32 $0x1BFF;
	s22 =	sshll.u32 s6, $0x1;
	s3 =	sadd.s32 s4, s20  }
0x14: {  	s7 =	simm.s32 $0x0;
	s21 =	sshll.u32 s5, $0x1;
	s5 =	sadd.s32 s22, s3  }
0x15: {  	[timem:s7], [sflag:s23] =	dma.local [hbm:s5], s21  }
0x16: {  	_ =	swait.ge [sflag:s23], s21  }
0x17: {  	s4 =	ssub.s32 $0x0, s21;
	[sflag:s23] =	ssyncset.done $0x0  }
0x18: {  	[sflag:s23] =	ssyncadd.s32 s4;
	_ =	sdelay $0x1  }
0x19: {  	s24 =	simm.s32 $0x1B8B  }
0x1a: {  	_ =	swait.ge [sflag:s24], $0x1  }
0x1b: {  	[sflag:s24] =	ssyncset.done $0x0  }
0x1c: {  	s26 =	simm.s32 $0x1B8E;
	s25 =	sld [smem:$0x3FFE];
	[sflag:s24] =	ssyncadd.s32 $0xFFFFFFFF  }
0x1d: {  	s27 =	simm.s32 $execute0_lowered;
	[smem:$0x3FD2] =	sst s26  }
0x1e: {  	s5 =	sshll.u32 s27, $0x1;
	_ =	strace $0x80000049;
	[dreg:$0x1] =	wrdreg $0xFFFFFFFF  }
0x1f: {  	s28 =	simm.s32 $_size_execute0_lowered;
	s3 =	sadd.s32 s3, s5;
	[dreg:$0x0] =	wrdreg $0x0  }
0x20: {  	s5 =	sshll.u32 s28, $0x1;
	[dreg:$0x2] =	wrdreg s3  }
0x21: {  	[dreg:$0x3] =	wrdreg s5  }
0x22: {  	[dreg:$0x4] =	wrdreg $0xC0  }
0x23: {  	_ =	task [dreg:s7], $0x5FFFF  }
0x24: {  	[dreg:$0x1] =	wrdreg $0xFFFFFFFF  }
0x25: {  	[dreg:$0x0] =	wrdreg $0x60  }
0x26: {  	[dreg:$0x2] =	wrdreg s25  }
0x27: {  	[dreg:$0x3] =	wrdreg s2  }
0x28: {  	[dreg:$0x4] =	wrdreg $0x9  }
0x29: {  	_ =	task.clear_ibuf [dreg:s7], $0x5FFFF;
	_ =	strace $0x90000049  }
0x2a: {  	s29 =	simm.s32 $0x9;
	_ =	strace $0x8000004B  }
0x2b: {  	_ =	swait.ge [sflag:s29], $0x1  }
0x2c: {  	[sflag:s29] =	ssyncadd.s32 $0xFFFFFFFF  }
0x2d: {  	_ =	strace $0x9000004B  }
0x2e: {  	_ =	sfence  }
0x2f: {  	s30 =	sld [smem:$0x0];
	_ =	sdelay $0x2  }
0x30: {  	s31 =	sshll.u32 s1, $0xD;
	s1 =	sshrl.u32 s1, $0x2  }
0x31: {  	s3 =	sand.u32 $0x4000, s31;
	s1 =	sadd.s32 s1, s30  }
0x32: {  	s0 =	sor.u32 s3, s0;
	s1 =	sshll.u32 s1, $0x11  }
0x33: {  	s0 =	sor.u32 s1, s0  }
0x34: {  	s0 =	sadd.s32 $0x8F2B, s0  }
0x35: {  	[sflag:s0] =	ssyncadd.remote.s32 $0x1  }
0x36: {  	_ =	sfence.sel $0xFFFF  }
0x37: {  	[dreg:$0x0] =	wrdreg $0xFFFFFFFF;
	(pc) =	sbr.abs _section_cstart, $3  }
0x38: {  	[dreg:$0x1] =	wrdreg $0xFFFFFFFF  }
0x39: {  	_ =	task.clear_ibuf [dreg:s7], $0x2FFFF;
	_ =	strace $0x9FFFFFFF  }
0x3a: {  	(tm) =	ssettm $0x7FFFFFFF  }
0x3b: {  	_ =	shalt  }
tec
execute0_lowered:
.L_overlay_start_1:
0x0: {  	(tag) =	ssettag $0x1  }
0x1: {  	s0 =	stileid.u32;
	s6 =	rddreg [dreg:$0x0]  }
0x2: {  	s2 =	rddreg [dreg:$0x1];
	s5 =	srdreg.scid  }
0x3: {  	s31 =	simm.s32 $0x2;
	s13 =	simm.s32 $0x0;
	s1 =	sshll.u32 s0, $0x7  }
0x4: {  	s14 =	simm.s32 $0x0;
	s12 =	simm.s32 $0x0;
	s3 =	sand.u32 $0x380, s1  }
0x5: {  	s5 =	sshll.u32 s5, $0x4;
	s6 =	sadd.s32 $0xC00, s6;
	s4 =	ssub.s32 $0x400, s3  }
0x6: {  	s1 =	rddreg [dreg:$0x2];
	_ =	strace $0x8000004A;
	s7 =	sand.u32 $0x380, s4  }
0x7: {  	s5 =	sand.u32 $0x10, s5;
	p0 =	sne.s32 s7, $0x0;
	s7 =	simm.s32 $0x1  }
.Ltmp0:
0x8: {  	s8 =	sshrl.u32 s4, $0xA;
	s7 =	simm.s32 @!p0 $0x0;
	(pc) =	sbr.rel .LBB1_1-.Ltmp0, $4  }
0x9: {  	s9 =	sor.u32 s0, s5;
	s4 =	simm.s32 $0x1;
	s30 =	sadd.s32 s7, s8  }
0xa: {  	s11 =	smov.u32 s3;
	[sflag:s4] =	ssyncpa.u1 $0x0;
	s5 =	smul.u32 $0x32, s30  }
0xb: {  	[sflag:s31] =	ssyncpa.u1 $0x0;
	p0 =	por $0x0, $0x0;
	s7 =	sshrl.u32 s9, $0x3  }
0xc: {  	s9 =	simm.s32 $0x2000;
	s10 =	smov.u32 s7;
	s8 =	sor.u32 $0x1, s5  }
.LBB1_4:
0xd: {  	s17 =	sand.u32 $0x1F80, s14;
	s13 =	sshll.u32 s13, $0xD  }
0xe: {  	[tilespmem:s16+$0x810 ss:$0x81] =	vst.msk $0xffff, v2;
	s18 =	sshrl.u32 s14, $0x3;
	s31 =	sand.u32 $0x7, s14;
	s17 =	sadd.s32 s2, s17  }
0xf: {  	[tilespmem:s16+$0x1020 ss:$0x81] =	vst.msk $0xffff, v0;
	s18 =	sand.u32 $0xF, s18;
	s14 =	sshll.u32 s31, $0x12;
	s13 =	sadd.s32 s13, s17  }
0x10: {  	[tilespmem:s16+$0x0 ss:$0x81] =	vst.msk $0xffff, v1;
	s14 =	sor.u32 $0x400, s14;
	s13 =	sadd.s32 s18, s13  }
0x11: {  	[hbm4b:s13+s14] =	stream.strided.scatter [tilespmem:s15], [sflag:$0x2], $0x2000, s9, s14, $0x20;
	[tilespmem:$0x8080] =	vst v63  }
.LBB1_5:
0x12: {  	s15 =	sadd.s32 $0x4, s10  }
0x13: {  	s13 =	sadd.s32 $0x400, s11;
	s17 =	smov.u32 s11;
	p2 =	sgt.s32 s15, $0xC7  }
0x14: {  	s17 =	smov.u32 @p2 s13  }
0x15: {  	s15 =	smov.u32 @p2 s7;
	p2 =	sgt.s32 s17, $0x3FF  }
0x16: {  	s17 =	smov.u32 @p2 s3;
	p2 =	sne.s32 s12, s8  }
.Ltmp1:
0x17: {  	p1 =	slt.u32 s12, $0x2;
	(pc) =	sbr.rel @!p2 .LBB1_6-.Ltmp1, $4  }
0x18: {  	s16 =	simm.s32 @!p1 $0x2  }
0x19: {  	s14 =	smov.u32 s11;
	p0 =	por !p0, !p0;
	_ =	swait.ge @!p1 [sflag:s16], $0x2000  }
0x1a: {  	s13 =	smov.u32 s10;
	[sflag:s16] =	ssyncset.done @!p1 $0x0;
	s10 =	smov.u32 s15  }
0x1b: {  	s12 =	sadd.s32 $0x1, s12;
	[sflag:s16] =	ssyncadd.s32 @!p1 $0xFFFFE000;
	s11 =	smov.u32 s17  }
.LBB1_1:
0x1c: {  	p1 =	sge.u32 s12, s5  }
0x1d: {  	s15 =	sand.u32 @!p1 $0x1FFFFFF, s10  }
0x1e: {  	s16 =	smulhi.u32 @!p1 $0x147AE15, s15;
	_ =	sdelay $0x1  }
0x1f: {  	s16 =	smul.u32 @!p1 $0xC8, s16  }
0x20: {  	s17 =	sxor.u32 @!p1 $0xFFFFFFFF, s12;
	s18 =	smul.u32 @!p1 $0xC80, s11  }
0x21: {  	s31 =	sadd.s32 $0xFFFFFFFF, s12;
	s17 =	sshll.u32 @!p1 s17, $0xD;
	s15 =	ssub.s32 @!p1 s15, s16  }
0x22: {  	s16 =	sand.u32 @!p1 $0x2000, s17;
	s17 =	sadd.s32 @!p1 s6, s18;
	s15 =	sshll.u32 @!p1 s15, $0x4  }
0x23: {  	s18 =	simm.s32 @!p1 $0x6400;
	s15 =	sadd.s32 @!p1 s15, s17;
	s17 =	simm.s32 @!p1 $0x40  }
0x24: {  	[tilespmem:s16], [sflag:$0x1] =	stream.strided.gather @!p1 [hbm4b:s15+s17], $0x2000, s18, s17, $0x38;
	[tilespmem:$0x8080] =	vst v63  }
0x25: {  	p1 =	sge.u32 s31, s5  }
.Ltmp2:
0x26: {  	_ = 	snop;
	(pc) =	sbr.rel @p1 .LBB1_5-.Ltmp2, $1  }
0x27: {  	_ =	sdelay $0x3  }
0x28: {  	s15 =	simm.s32 $0x1  }
0x29: {  	_ =	swait.ge [sflag:s4], $0x2000;
	s15 =	simm.s32 @!p0 $0x0  }
0x2a: {  	[sflag:s4] =	ssyncset.done $0x0;
	s16 =	sshll.u32 s15, $0xD  }
0x2b: {  	[sflag:s4] =	ssyncadd.s32 $0xFFFFE000;
	s19 =	sor.u32 $0x20, s16  }
0x2c: {  	s15 =	smul.u32 $0x8100, s15;
	v3 =	vld [tilespmem:s19+$0x10]  }
0x2d: {  	s30 =	sand.u32 $0x1, s12;
	v2 =	vld [tilespmem:s19+$0xFFFFFFF0]  }
0x2e: {  	s16 =	smul.u32 $0x8100, s30;
	s15 =	sshrl.u32 s15, $0x2;
	v0 =	vld [tilespmem:s19+$0x0]  }
0x2f: {  	v1 =	vld [tilespmem:s19+$0xFFFFFFE0];
	s17 =	sor.u32 $0x4000, s15  }
0x30: {  	s31 =	sshrl.u32 s16, $0x2;
	s16 =	sadd.s32 $0x0, s17  }
0x31: {  	s18 =	simm.s32 $0x4;
	s19 =	sadd.s32 $0x40, s19;
	s15 =	sor.u32 $0x4000, s31;
	[tilespmem:s16+$0x1830 ss:$0x81] =	vst.msk $0xffff, v3  }
.LBB1_3:
0x32: {  	v3 =	vld [tilespmem:s19+$0x10];
	p1 =	sne.s32 s18, $0x1FC;
	[tilespmem:s16+$0x810 ss:$0x81] =	vst.msk $0xffff, v2;
	s20 =	smov.u32 s18;
	s18 =	sadd.s32 $0x4, s18  }
.Ltmp3:
0x33: {  	v2 =	vld [tilespmem:s19+$0xFFFFFFF0];
	[tilespmem:s16+$0x1020 ss:$0x81] =	vst.msk $0xffff, v0;
	(pc) =	sbr.rel @p1 .LBB1_3-.Ltmp3, $4  }
0x34: {  	v0 =	vld [tilespmem:s19+$0x0];
	[tilespmem:s16+$0x0 ss:$0x81] =	vst.msk $0xffff, v1  }
0x35: {  	s16 =	sshra.s32 s20, $0x2;
	v1 =	vld [tilespmem:s19+$0xFFFFFFE0]  }
0x36: {  	s16 =	sadd.s32 s16, s17  }
0x37: {  	s19 =	sadd.s32 $0x40, s19;
	[tilespmem:s16+$0x1830 ss:$0x81] =	vst.msk $0xffff, v3  }
.Ltmp4:
0x38: {  	_ = 	snop;
	(pc) =	sbr.rel .LBB1_4-.Ltmp4, $1  }
0x39: {  	_ =	sdelay $0x3  }
.LBB1_6:
0x3a: {  	_ =	sfence.sel $0x180000  }
0x3b: {  	s2 =	simm.s32 $0x1;
	[bflag:$0x0] =	sbarrier.arrive $0xFFFF  }
0x3c: {  	s31 =	simm.s32 $0x2;
	[sflag:s2] =	ssyncpa.u1 $0x1  }
0x3d: {  	[sflag:s31] =	ssyncpa.u1 $0x1  }
0x3e: {  	p0 =	sne.s32 s0, $0x0;
	_ =	strace $0x9000004A  }
0x3f: {  	s0 =	sadd.s32 @!p0 $0x100000, s1;
	[bflag:$0x2] =	sbarrier.arrive $0xFFFF  }
0x40: {  	[sflag:s0] =	ssyncadd.tile.s32 @!p0 $0x1;
	_ =	shalt  }
.Lfunc_end1:
_tile_overlayer_lowered:
.L_overlay_start_2:
0x41: {  	(tag) =	ssettag $0x2  }
0x42: {  	s0 =	rddreg [dreg:$0x0];
	s2 =	stileid.u32  }
0x43: {  	s1 =	rddreg [dreg:$0x1];
	p0 =	sne.s32 s2, $0x0  }
0x44: {  	s3 =	rddreg [dreg:$0x2];
	[bflag:$0x3] =	sbarrier.arrive $0xFFFF;
	s2 =	simm.s32 @!p0 $0x1C01  }
0x45: {  	[timem:s3], [sflag:s2] =	dma.local @!p0 [hbm:s0], s1  }
0x46: {  	s0 =	simm.s32 @!p0 $0x1  }
0x47: {  	_ =	swait.ge @!p0 [sflag:s0], s1  }
0x48: {  	s1 =	ssub.s32 @!p0 $0x0, s1;
	[sflag:s0] =	ssyncset.done @!p0 $0x0  }
0x49: {  	[sflag:s0] =	ssyncadd.s32 @!p0 s1  }
0x4a: {  	[bflag:$0x3] =	sbarrier.arrive $0xFFFF  }
0x4b: {  	_ =	shalt  }

</sc_bundles>
